<compile_context>
chip_gen: v7x
topology: tpu7x:2x2x1
jax: 0.10.2.dev20260603
libtpu: 0.0.44.dev20260713+nightly
codegen_flags: <defaults>
</compile_context>

<pallas_src>
import functools

import jax
import jax.numpy as jnp
from jax import lax
from jax.experimental import pallas as pl
from jax.experimental.pallas import tpu as pltpu
from jax.experimental.pallas import tpu_sc as plsc


def _mm1_split(x, w, b2):
    n, fd = x.shape
    h = w.shape[1]
    hh = h // 2
    bn = 2000

    def body(x_ref, w_ref, b_ref, o_ref):
        t = jnp.maximum(
            jnp.dot(x_ref[...], w_ref[...], preferred_element_type=jnp.float32)
            + b_ref[...],
            0.0,
        )
        o_ref[0] = t[:, :hh]
        o_ref[1] = t[:, hh:]

    return pl.pallas_call(
        body,
        grid=(n // bn,),
        in_specs=[
            pl.BlockSpec((bn, fd), lambda i: (i, 0)),
            pl.BlockSpec((fd, h), lambda i: (0, 0)),
            pl.BlockSpec((1, h), lambda i: (0, 0)),
        ],
        out_specs=pl.BlockSpec((2, bn, hh), lambda i: (0, i, 0)),
        out_shape=jax.ShapeDtypeStruct((2, n, hh), jnp.float32),
    )(x, w, b2)


def _mm2_split(a, nh, w, b2):
    _, n, hh = a.shape
    h = 2 * hh
    bn = 2000

    def body(a_ref, nh_ref, w_ref, b_ref, o_ref):
        x = jnp.concatenate(
            [a_ref[0] + nh_ref[0], a_ref[1] + nh_ref[1]], axis=1)
        t = jnp.maximum(
            jnp.dot(x, w_ref[...], preferred_element_type=jnp.float32)
            + b_ref[...],
            0.0,
        )
        o_ref[0] = t[:, :hh]
        o_ref[1] = t[:, hh:]

    return pl.pallas_call(
        body,
        grid=(n // bn,),
        in_specs=[
            pl.BlockSpec((2, bn, hh), lambda i: (0, i, 0)),
            pl.BlockSpec((2, bn, hh), lambda i: (0, i, 0)),
            pl.BlockSpec((h, h), lambda i: (0, 0)),
            pl.BlockSpec((1, h), lambda i: (0, 0)),
        ],
        out_specs=pl.BlockSpec((2, bn, hh), lambda i: (0, i, 0)),
        out_shape=jax.ShapeDtypeStruct((2, n, hh), jnp.float32),
    )(a, nh, w, b2)


def _mm2_metrics(a, nh, w, b2, w_out, bo2):
    _, n, hh = a.shape
    h = 2 * hh
    o = w_out.shape[1]
    bn = 2000
    nblk = n // bn

    def body(a_ref, nh_ref, w_ref, b_ref, wo_ref, bo_ref, o_ref, acc_ref):
        x = jnp.concatenate(
            [a_ref[0] + nh_ref[0], a_ref[1] + nh_ref[1]], axis=1)
        t = jnp.maximum(
            jnp.dot(x, w_ref[...], preferred_element_type=jnp.float32)
            + b_ref[...],
            0.0,
        )
        s = jnp.sum(t, axis=0, keepdims=True)

        @pl.when(pl.program_id(0) == 0)
        def _():
            acc_ref[...] = s

        @pl.when(pl.program_id(0) != 0)
        def _():
            acc_ref[...] += s

        @pl.when(pl.program_id(0) == nblk - 1)
        def _():
            o_ref[...] = (
                jnp.dot(acc_ref[...] * (1.0 / n), wo_ref[...],
                        preferred_element_type=jnp.float32)
                + bo_ref[...]
            )

    return pl.pallas_call(
        body,
        grid=(nblk,),
        in_specs=[
            pl.BlockSpec((2, bn, hh), lambda i: (0, i, 0)),
            pl.BlockSpec((2, bn, hh), lambda i: (0, i, 0)),
            pl.BlockSpec((h, h), lambda i: (0, 0)),
            pl.BlockSpec((1, h), lambda i: (0, 0)),
            pl.BlockSpec((h, o), lambda i: (0, 0)),
            pl.BlockSpec((1, o), lambda i: (0, 0)),
        ],
        out_specs=pl.BlockSpec((1, o), lambda i: (0, 0)),
        out_shape=jax.ShapeDtypeStruct((1, o), jnp.float32),
        scratch_shapes=[pltpu.VMEM((1, h), jnp.float32)],
    )(a, nh, w, b2, w_out, bo2)


def _round_up(x, m):
    return (x + m - 1) // m * m


def _make_segsum(n, hh, e, nc, ns):
    assert n % ns == 0
    rpt = n // ns
    chunk = 288
    ept = _round_up(-(-e // ns), 2 * chunk)
    nchunk = ept // chunk
    zb = 125
    assert rpt % zb == 0

    mesh = plsc.VectorSubcoreMesh(core_axis_name="c", subcore_axis_name="s")

    @functools.partial(
        pl.kernel,
        out_type=jax.ShapeDtypeStruct((nc * n, hh), jnp.float32),
        mesh=mesh,
        compiler_params=pltpu.CompilerParams(use_tc_tiling_on_sc=False),
        scratch_types=[
            [pltpu.VMEM((chunk,), jnp.int32)] * 2,
            [pltpu.VMEM((1, chunk), jnp.int32)] * 2,
            [pltpu.VMEM((chunk, hh), jnp.float32)] * 2,
            pltpu.VMEM((zb, hh), jnp.float32),
            pltpu.VMEM_SHARED((n + 8, hh), jnp.float32),
            [pltpu.SemaphoreType.DMA] * 2,
            [pltpu.SemaphoreType.DMA] * 2,
            [pltpu.SemaphoreType.DMA] * 2,
            pltpu.SemaphoreType.DMA,
        ],
    )
    def segsum(tab_hbm, src_hbm, dst_hbm, out_hbm,
               src_s, idx_v, rows_v, zero_v, acc,
               st_sem, g_sem, sc_sem, z_sem):
        c = lax.axis_index("c")
        s = lax.axis_index("s")
        tab_c = tab_hbm.at[c]

        def zrow(i, carry):
            for j in range(hh // 16):
                zero_v[i, pl.ds(j * 16, 16)] = jnp.zeros((16,), jnp.float32)
            return carry

        lax.fori_loop(0, zb, zrow, 0)

        zd = [
            pltpu.async_copy(zero_v, acc.at[pl.ds(s * rpt + k * zb, zb)],
                             z_sem)
            for k in range(rpt // zb)
        ]

        def stage(j, p):
            off = s * ept + j * chunk
            pltpu.async_copy(src_hbm.at[pl.ds(off, chunk)], src_s[p], st_sem[p])
            pltpu.async_copy(dst_hbm.at[pl.ds(off, chunk)], idx_v[p].at[0],
                             st_sem[p])

        def prep(j, p):
            off = s * ept + j * chunk
            pltpu.make_async_copy(
                src_hbm.at[pl.ds(off, chunk)], src_s[p], st_sem[p]).wait()
            pltpu.make_async_copy(
                dst_hbm.at[pl.ds(off, chunk)], idx_v[p].at[0],
                st_sem[p]).wait()
            return pltpu.async_copy(tab_c.at[src_s[p]], rows_v[p], g_sem[p])

        def run_chunk(j, p):
            sd = pltpu.async_copy(rows_v[p], acc.at[idx_v[p].at[0]],
                                  sc_sem[p], add=True)
            gd = prep(jnp.minimum(j + 1, nchunk - 1), 1 - p)
            stage(jnp.minimum(j + 2, nchunk - 1), p)
            sd.wait()
            gd.wait()

        stage(0, 0)
        stage(1, 1)
        gd0 = prep(0, 0)
        for d in zd:
            d.wait()
        plsc.subcore_barrier()
        gd0.wait()

        def pair_body(i2, carry):
            run_chunk(2 * i2, 0)
            run_chunk(2 * i2 + 1, 1)
            return carry

        lax.fori_loop(0, nchunk // 2, pair_body, 0)
        plsc.subcore_barrier()
        pltpu.sync_copy(acc.at[pl.ds(s * rpt, rpt)],
                        out_hbm.at[pl.ds(c * n + s * rpt, rpt)])

    return segsum, ept * ns


def kernel(nodes, edges, features, W_node, b_node, W_conv1, b_conv1, W_out, b_out):
    n, fd = features.shape
    h = W_node.shape[1]
    hh = h // 2
    o = W_out.shape[1]
    e = edges.shape[0]

    nc, ns = 2, 16
    segsum, e_pad = _make_segsum(n, hh, e, nc, ns)

    src_p = jnp.concatenate(
        [edges[:, 0], jnp.zeros((e_pad - e,), jnp.int32)])
    dst_p = jnp.concatenate(
        [edges[:, 1], jnp.full((e_pad - e,), n, jnp.int32)])

    b_node2 = b_node.reshape(1, h)
    b_conv2 = b_conv1.reshape(1, h)
    b_out2 = b_out.reshape(1, o)

    hid = _mm1_split(features, W_node, b_node2)

    nh = segsum(hid, src_p, dst_p).reshape(2, n, hh)
    hid = _mm2_split(hid, nh, W_conv1, b_conv2)

    nh = segsum(hid, src_p, dst_p).reshape(2, n, hh)
    metrics = _mm2_metrics(hid, nh, W_conv1, b_conv2, W_out, b_out2)
    return metrics.reshape(o)

# --- scband reference (transcript-rebuilt; emitter-appended) ---
"""Pipeline reference for scband-complexity-analyzer-90580860273225 (READ-ONLY COPY).

The authoritative reference and input builder live on the scoring server;
editing this copy changes nothing except your own understanding.
"""

import jax, jax.numpy as jnp
import numpy as np


def setup_inputs(seed: int = 0) -> dict:
    key = jax.random.key(seed)
    ks = jax.random.split(key, 8)
    N, E, Fd, H, O = 50000, 800000, 128, 64, 5
    nodes = jax.random.randint(ks[0], (N,), 0, 100, dtype=jnp.int32)
    edges = jax.random.randint(ks[1], (E, 2), 0, N, dtype=jnp.int32)
    features = jax.random.normal(ks[2], (N, Fd), dtype=jnp.float32)
    W_node = jax.random.normal(ks[3], (Fd, H), dtype=jnp.float32) * (1.0 / np.sqrt(Fd))
    b_node = jnp.zeros((H,), dtype=jnp.float32)
    W_conv1 = jax.random.normal(ks[4], (H, H), dtype=jnp.float32) * (1.0 / np.sqrt(H))
    b_conv1 = jnp.zeros((H,), dtype=jnp.float32)
    W_out = jax.random.normal(ks[5], (H, O), dtype=jnp.float32) * (1.0 / np.sqrt(H))
    b_out = jnp.zeros((O,), dtype=jnp.float32)
    return {
        "nodes": nodes,
        "edges": edges,
        "features": features,
        "W_node": W_node,
        "b_node": b_node,
        "W_conv1": W_conv1,
        "b_conv1": b_conv1,
        "W_out": W_out,
        "b_out": b_out,
    }


def reference(nodes, edges, features, W_node, b_node, W_conv1, b_conv1, W_out, b_out):
    # node_embedding + relu
    N = features.shape[0]
    h = jax.nn.relu(features @ W_node + b_node)
    src = edges[:, 0]
    dst = edges[:, 1]
    # two message-passing rounds: the torch loop `new_embeds[dst] += node_embeds[src]`
    # is a scatter-add over edges == segment_sum keyed by dst
    for _ in range(2):
        msgs = jnp.take(h, src, axis=0)
        new_h = jax.ops.segment_sum(msgs, dst, num_segments=N)
        h = jax.nn.relu((h + new_h) @ W_conv1 + b_conv1)
    graph_embedding = jnp.mean(h, axis=0)
    metrics = graph_embedding @ W_out + b_out
    # metrics[0..4] = cyclomatic, cognitive, nesting_depth, num_statements, num_functions
    return metrics

if __name__ == "__main__":
    import jax
    _d = setup_inputs()
    print(jax.jit(kernel)(*tuple(_d.values())))

</pallas_src>

<mosaic_0001>
#map = affine_map<(d0, d1) -> (0, 0, 0)>
#map1 = affine_map<(d0, d1) -> (0)>
#map2 = affine_map<(d0, d1) -> (0, 0)>
module attributes {stable_mosaic.version = 14 : i64} {
  func.func @segsum(%arg0: i32, %arg1: i32, %arg2: memref<2x50000x32xf32, #tpu.memory_space<hbm>>, %arg3: memref<801792xi32, #tpu.memory_space<hbm>>, %arg4: memref<801792xi32, #tpu.memory_space<hbm>>, %arg5: memref<100000x32xf32, #tpu.memory_space<hbm>>, %arg6: memref<288xi32, #tpu.memory_space<vmem>>, %arg7: memref<288xi32, #tpu.memory_space<vmem>>, %arg8: memref<1x288xi32, #tpu.memory_space<vmem>>, %arg9: memref<1x288xi32, #tpu.memory_space<vmem>>, %arg10: memref<288x32xf32, #tpu.memory_space<vmem>>, %arg11: memref<288x32xf32, #tpu.memory_space<vmem>>, %arg12: memref<125x32xf32, #tpu.memory_space<vmem>>, %arg13: memref<50008x32xf32, #tpu.memory_space<vmem_shared>>, %arg14: memref<!tpu.dma_semaphore, #tpu.memory_space<semaphore_mem>>, %arg15: memref<!tpu.dma_semaphore, #tpu.memory_space<semaphore_mem>>, %arg16: memref<!tpu.dma_semaphore, #tpu.memory_space<semaphore_mem>>, %arg17: memref<!tpu.dma_semaphore, #tpu.memory_space<semaphore_mem>>, %arg18: memref<!tpu.dma_semaphore, #tpu.memory_space<semaphore_mem>>, %arg19: memref<!tpu.dma_semaphore, #tpu.memory_space<semaphore_mem>>, %arg20: memref<!tpu.dma_semaphore, #tpu.memory_space<semaphore_mem>>) attributes {dimension_semantics = [#tpu.dimension_semantics<core_parallel>, #tpu.dimension_semantics<subcore_parallel>], iteration_bounds = array<i64: 2, 16>, scalar_prefetch = 0 : i64, scratch_operands = 15 : i64, tpu.core_type = #tpu.core_type<sc_vector_subcore>, window_params = [{transform_indices = #map}, {transform_indices = #map1}, {transform_indices = #map1}, {transform_indices = #map2}]} {
    %scan3A = arith.constant 0 : i32
    %scan3A_0 = arith.constant 0 : i32
    %scan3A_1 = arith.constant 125 : i32
    %scan3A_2 = arith.addi %scan3A_0, %scan3A_1 : i32
    %scan3A_3 = arith.constant 1 : i32
    scf.for %scan3A_374 = %scan3A_0 to %scan3A_2 step %scan3A_3  : i32 {
      %broadcast_in_dim3A = arith.constant 0.000000e+00 : f32
      %broadcast_in_dim3A_375 = vector.broadcast %broadcast_in_dim3A : f32 to vector<16xf32>
      %swap3A = arith.index_cast %scan3A_374 : i32 to index
      %swap3A_376 = arith.constant 0 : index
      %swap3A_377 = tpu.vector_load %arg12[%swap3A, %swap3A_376] {strides = array<i32>} : memref<125x32xf32, #tpu.memory_space<vmem>>, vector<1x16xf32>,
      %swap3A_378 = vector.shape_cast %swap3A_377 : vector<1x16xf32> to vector<16xf32>
      %swap3A_379 = vector.shape_cast %broadcast_in_dim3A_375 : vector<16xf32> to vector<1x16xf32>
      tpu.vector_store %arg12[%swap3A, %swap3A_376], %swap3A_379 {strides = array<i32>} : memref<125x32xf32, #tpu.memory_space<vmem>>, vector<1x16xf32>,
      %broadcast_in_dim3A_380 = arith.constant 0.000000e+00 : f32
      %broadcast_in_dim3A_381 = vector.broadcast %broadcast_in_dim3A_380 : f32 to vector<16xf32>
      %swap3A_382 = arith.index_cast %scan3A_374 : i32 to index
      %swap3A_383 = arith.constant 16 : index
      %swap3A_384 = tpu.vector_load %arg12[%swap3A_382, %swap3A_383] {strides = array<i32>} : memref<125x32xf32, #tpu.memory_space<vmem>>, vector<1x16xf32>,
      %swap3A_385 = vector.shape_cast %swap3A_384 : vector<1x16xf32> to vector<16xf32>
      %swap3A_386 = vector.shape_cast %broadcast_in_dim3A_381 : vector<16xf32> to vector<1x16xf32>
      tpu.vector_store %arg12[%swap3A_382, %swap3A_383], %swap3A_386 {strides = array<i32>} : memref<125x32xf32, #tpu.memory_space<vmem>>, vector<1x16xf32>,
    }
    %scan3A_4 = arith.constant 125 : i32
    %mul3A = arith.constant 3125 : i32
    %mul3A_5 = arith.muli %arg1, %mul3A : i32
    %add3A = arith.constant 0 : i32
    %add3A_6 = arith.addi %mul3A_5, %add3A : i32
    %dma_start3A = arith.constant 0 : i32
    %dma_start3A_7 = tpu.memref_slice %arg13[%add3A_6, %dma_start3A] : memref<50008x32xf32, #tpu.memory_space<vmem_shared>> -> memref<125x32xf32, #tpu.memory_space<vmem_shared>>
    %dma_start3A_8 = arith.constant 0 : i32
    %dma_start3A_9 = tpu.memref_slice %arg13[%add3A_6, %dma_start3A_8] : memref<50008x32xf32, #tpu.memory_space<vmem_shared>> -> memref<125x32xf32, #tpu.memory_space<vmem_shared>>
    tpu.enqueue_dma source(%arg12 : memref<125x32xf32, #tpu.memory_space<vmem>>) target(%dma_start3A_9 : memref<125x32xf32, #tpu.memory_space<vmem_shared>>) target_semaphore(%arg20 : memref<!tpu.dma_semaphore, #tpu.memory_space<semaphore_mem>>)
    %mul3A_10 = arith.constant 3125 : i32
    %mul3A_11 = arith.muli %arg1, %mul3A_10 : i32
    %add3A_12 = arith.constant 125 : i32
    %add3A_13 = arith.addi %mul3A_11, %add3A_12 : i32
    %dma_start3A_14 = arith.constant 0 : i32
    %dma_start3A_15 = tpu.memref_slice %arg13[%add3A_13, %dma_start3A_14] : memref<50008x32xf32, #tpu.memory_space<vmem_shared>> -> memref<125x32xf32, #tpu.memory_space<vmem_shared>>
    %dma_start3A_16 = arith.constant 0 : i32
    %dma_start3A_17 = tpu.memref_slice %arg13[%add3A_13, %dma_start3A_16] : memref<50008x32xf32, #tpu.memory_space<vmem_shared>> -> memref<125x32xf32, #tpu.memory_space<vmem_shared>>
    tpu.enqueue_dma source(%arg12 : memref<125x32xf32, #tpu.memory_space<vmem>>) target(%dma_start3A_17 : memref<125x32xf32, #tpu.memory_space<vmem_shared>>) target_semaphore(%arg20 : memref<!tpu.dma_semaphore, #tpu.memory_space<semaphore_mem>>)
    %mul3A_18 = arith.constant 3125 : i32
    %mul3A_19 = arith.muli %arg1, %mul3A_18 : i32
    %add3A_20 = arith.constant 250 : i32
    %add3A_21 = arith.addi %mul3A_19, %add3A_20 : i32
    %dma_start3A_22 = arith.constant 0 : i32
    %dma_start3A_23 = tpu.memref_slice %arg13[%add3A_21, %dma_start3A_22] : memref<50008x32xf32, #tpu.memory_space<vmem_shared>> -> memref<125x32xf32, #tpu.memory_space<vmem_shared>>
    %dma_start3A_24 = arith.constant 0 : i32
    %dma_start3A_25 = tpu.memref_slice %arg13[%add3A_21, %dma_start3A_24] : memref<50008x32xf32, #tpu.memory_space<vmem_shared>> -> memref<125x32xf32, #tpu.memory_space<vmem_shared>>
    tpu.enqueue_dma source(%arg12 : memref<125x32xf32, #tpu.memory_space<vmem>>) target(%dma_start3A_25 : memref<125x32xf32, #tpu.memory_space<vmem_shared>>) target_semaphore(%arg20 : memref<!tpu.dma_semaphore, #tpu.memory_space<semaphore_mem>>)
    %mul3A_26 = arith.constant 3125 : i32
    %mul3A_27 = arith.muli %arg1, %mul3A_26 : i32
    %add3A_28 = arith.constant 375 : i32
    %add3A_29 = arith.addi %mul3A_27, %add3A_28 : i32
    %dma_start3A_30 = arith.constant 0 : i32
    %dma_start3A_31 = tpu.memref_slice %arg13[%add3A_29, %dma_start3A_30] : memref<50008x32xf32, #tpu.memory_space<vmem_shared>> -> memref<125x32xf32, #tpu.memory_space<vmem_shared>>
    %dma_start3A_32 = arith.constant 0 : i32
    %dma_start3A_33 = tpu.memref_slice %arg13[%add3A_29, %dma_start3A_32] : memref<50008x32xf32, #tpu.memory_space<vmem_shared>> -> memref<125x32xf32, #tpu.memory_space<vmem_shared>>
    tpu.enqueue_dma source(%arg12 : memref<125x32xf32, #tpu.memory_space<vmem>>) target(%dma_start3A_33 : memref<125x32xf32, #tpu.memory_space<vmem_shared>>) target_semaphore(%arg20 : memref<!tpu.dma_semaphore, #tpu.memory_space<semaphore_mem>>)
    %mul3A_34 = arith.constant 3125 : i32
    %mul3A_35 = arith.muli %arg1, %mul3A_34 : i32
    %add3A_36 = arith.constant 500 : i32
    %add3A_37 = arith.addi %mul3A_35, %add3A_36 : i32
    %dma_start3A_38 = arith.constant 0 : i32
    %dma_start3A_39 = tpu.memref_slice %arg13[%add3A_37, %dma_start3A_38] : memref<50008x32xf32, #tpu.memory_space<vmem_shared>> -> memref<125x32xf32, #tpu.memory_space<vmem_shared>>
    %dma_start3A_40 = arith.constant 0 : i32
    %dma_start3A_41 = tpu.memref_slice %arg13[%add3A_37, %dma_start3A_40] : memref<50008x32xf32, #tpu.memory_space<vmem_shared>> -> memref<125x32xf32, #tpu.memory_space<vmem_shared>>
    tpu.enqueue_dma source(%arg12 : memref<125x32xf32, #tpu.memory_space<vmem>>) target(%dma_start3A_41 : memref<125x32xf32, #tpu.memory_space<vmem_shared>>) target_semaphore(%arg20 : memref<!tpu.dma_semaphore, #tpu.memory_space<semaphore_mem>>)
    %mul3A_42 = arith.constant 3125 : i32
    %mul3A_43 = arith.muli %arg1, %mul3A_42 : i32
    %add3A_44 = arith.constant 625 : i32
    %add3A_45 = arith.addi %mul3A_43, %add3A_44 : i32
    %dma_start3A_46 = arith.constant 0 : i32
    %dma_start3A_47 = tpu.memref_slice %arg13[%add3A_45, %dma_start3A_46] : memref<50008x32xf32, #tpu.memory_space<vmem_shared>> -> memref<125x32xf32, #tpu.memory_space<vmem_shared>>
    %dma_start3A_48 = arith.constant 0 : i32
    %dma_start3A_49 = tpu.memref_slice %arg13[%add3A_45, %dma_start3A_48] : memref<50008x32xf32, #tpu.memory_space<vmem_shared>> -> memref<125x32xf32, #tpu.memory_space<vmem_shared>>
    tpu.enqueue_dma source(%arg12 : memref<125x32xf32, #tpu.memory_space<vmem>>) target(%dma_start3A_49 : memref<125x32xf32, #tpu.memory_space<vmem_shared>>) target_semaphore(%arg20 : memref<!tpu.dma_semaphore, #tpu.memory_space<semaphore_mem>>)
    %mul3A_50 = arith.constant 3125 : i32
    %mul3A_51 = arith.muli %arg1, %mul3A_50 : i32
    %add3A_52 = arith.constant 750 : i32
    %add3A_53 = arith.addi %mul3A_51, %add3A_52 : i32
    %dma_start3A_54 = arith.constant 0 : i32
    %dma_start3A_55 = tpu.memref_slice %arg13[%add3A_53, %dma_start3A_54] : memref<50008x32xf32, #tpu.memory_space<vmem_shared>> -> memref<125x32xf32, #tpu.memory_space<vmem_shared>>
    %dma_start3A_56 = arith.constant 0 : i32
    %dma_start3A_57 = tpu.memref_slice %arg13[%add3A_53, %dma_start3A_56] : memref<50008x32xf32, #tpu.memory_space<vmem_shared>> -> memref<125x32xf32, #tpu.memory_space<vmem_shared>>
    tpu.enqueue_dma source(%arg12 : memref<125x32xf32, #tpu.memory_space<vmem>>) target(%dma_start3A_57 : memref<125x32xf32, #tpu.memory_space<vmem_shared>>) target_semaphore(%arg20 : memref<!tpu.dma_semaphore, #tpu.memory_space<semaphore_mem>>)
    %mul3A_58 = arith.constant 3125 : i32
    %mul3A_59 = arith.muli %arg1, %mul3A_58 : i32
    %add3A_60 = arith.constant 875 : i32
    %add3A_61 = arith.addi %mul3A_59, %add3A_60 : i32
    %dma_start3A_62 = arith.constant 0 : i32
    %dma_start3A_63 = tpu.memref_slice %arg13[%add3A_61, %dma_start3A_62] : memref<50008x32xf32, #tpu.memory_space<vmem_shared>> -> memref<125x32xf32, #tpu.memory_space<vmem_shared>>
    %dma_start3A_64 = arith.constant 0 : i32
    %dma_start3A_65 = tpu.memref_slice %arg13[%add3A_61, %dma_start3A_64] : memref<50008x32xf32, #tpu.memory_space<vmem_shared>> -> memref<125x32xf32, #tpu.memory_space<vmem_shared>>
    tpu.enqueue_dma source(%arg12 : memref<125x32xf32, #tpu.memory_space<vmem>>) target(%dma_start3A_65 : memref<125x32xf32, #tpu.memory_space<vmem_shared>>) target_semaphore(%arg20 : memref<!tpu.dma_semaphore, #tpu.memory_space<semaphore_mem>>)
    %mul3A_66 = arith.constant 3125 : i32
    %mul3A_67 = arith.muli %arg1, %mul3A_66 : i32
    %add3A_68 = arith.constant 1000 : i32
    %add3A_69 = arith.addi %mul3A_67, %add3A_68 : i32
    %dma_start3A_70 = arith.constant 0 : i32
    %dma_start3A_71 = tpu.memref_slice %arg13[%add3A_69, %dma_start3A_70] : memref<50008x32xf32, #tpu.memory_space<vmem_shared>> -> memref<125x32xf32, #tpu.memory_space<vmem_shared>>
    %dma_start3A_72 = arith.constant 0 : i32
    %dma_start3A_73 = tpu.memref_slice %arg13[%add3A_69, %dma_start3A_72] : memref<50008x32xf32, #tpu.memory_space<vmem_shared>> -> memref<125x32xf32, #tpu.memory_space<vmem_shared>>
    tpu.enqueue_dma source(%arg12 : memref<125x32xf32, #tpu.memory_space<vmem>>) target(%dma_start3A_73 : memref<125x32xf32, #tpu.memory_space<vmem_shared>>) target_semaphore(%arg20 : memref<!tpu.dma_semaphore, #tpu.memory_space<semaphore_mem>>)
    %mul3A_74 = arith.constant 3125 : i32
    %mul3A_75 = arith.muli %arg1, %mul3A_74 : i32
    %add3A_76 = arith.constant 1125 : i32
    %add3A_77 = arith.addi %mul3A_75, %add3A_76 : i32
    %dma_start3A_78 = arith.constant 0 : i32
    %dma_start3A_79 = tpu.memref_slice %arg13[%add3A_77, %dma_start3A_78] : memref<50008x32xf32, #tpu.memory_space<vmem_shared>> -> memref<125x32xf32, #tpu.memory_space<vmem_shared>>
    %dma_start3A_80 = arith.constant 0 : i32
    %dma_start3A_81 = tpu.memref_slice %arg13[%add3A_77, %dma_start3A_80] : memref<50008x32xf32, #tpu.memory_space<vmem_shared>> -> memref<125x32xf32, #tpu.memory_space<vmem_shared>>
    tpu.enqueue_dma source(%arg12 : memref<125x32xf32, #tpu.memory_space<vmem>>) target(%dma_start3A_81 : memref<125x32xf32, #tpu.memory_space<vmem_shared>>) target_semaphore(%arg20 : memref<!tpu.dma_semaphore, #tpu.memory_space<semaphore_mem>>)
    %mul3A_82 = arith.constant 3125 : i32
    %mul3A_83 = arith.muli %arg1, %mul3A_82 : i32
    %add3A_84 = arith.constant 1250 : i32
    %add3A_85 = arith.addi %mul3A_83, %add3A_84 : i32
    %dma_start3A_86 = arith.constant 0 : i32
    %dma_start3A_87 = tpu.memref_slice %arg13[%add3A_85, %dma_start3A_86] : memref<50008x32xf32, #tpu.memory_space<vmem_shared>> -> memref<125x32xf32, #tpu.memory_space<vmem_shared>>
    %dma_start3A_88 = arith.constant 0 : i32
    %dma_start3A_89 = tpu.memref_slice %arg13[%add3A_85, %dma_start3A_88] : memref<50008x32xf32, #tpu.memory_space<vmem_shared>> -> memref<125x32xf32, #tpu.memory_space<vmem_shared>>
    tpu.enqueue_dma source(%arg12 : memref<125x32xf32, #tpu.memory_space<vmem>>) target(%dma_start3A_89 : memref<125x32xf32, #tpu.memory_space<vmem_shared>>) target_semaphore(%arg20 : memref<!tpu.dma_semaphore, #tpu.memory_space<semaphore_mem>>)
    %mul3A_90 = arith.constant 3125 : i32
    %mul3A_91 = arith.muli %arg1, %mul3A_90 : i32
    %add3A_92 = arith.constant 1375 : i32
    %add3A_93 = arith.addi %mul3A_91, %add3A_92 : i32
    %dma_start3A_94 = arith.constant 0 : i32
    %dma_start3A_95 = tpu.memref_slice %arg13[%add3A_93, %dma_start3A_94] : memref<50008x32xf32, #tpu.memory_space<vmem_shared>> -> memref<125x32xf32, #tpu.memory_space<vmem_shared>>
    %dma_start3A_96 = arith.constant 0 : i32
    %dma_start3A_97 = tpu.memref_slice %arg13[%add3A_93, %dma_start3A_96] : memref<50008x32xf32, #tpu.memory_space<vmem_shared>> -> memref<125x32xf32, #tpu.memory_space<vmem_shared>>
    tpu.enqueue_dma source(%arg12 : memref<125x32xf32, #tpu.memory_space<vmem>>) target(%dma_start3A_97 : memref<125x32xf32, #tpu.memory_space<vmem_shared>>) target_semaphore(%arg20 : memref<!tpu.dma_semaphore, #tpu.memory_space<semaphore_mem>>)
    %mul3A_98 = arith.constant 3125 : i32
    %mul3A_99 = arith.muli %arg1, %mul3A_98 : i32
    %add3A_100 = arith.constant 1500 : i32
    %add3A_101 = arith.addi %mul3A_99, %add3A_100 : i32
    %dma_start3A_102 = arith.constant 0 : i32
    %dma_start3A_103 = tpu.memref_slice %arg13[%add3A_101, %dma_start3A_102] : memref<50008x32xf32, #tpu.memory_space<vmem_shared>> -> memref<125x32xf32, #tpu.memory_space<vmem_shared>>
    %dma_start3A_104 = arith.constant 0 : i32
    %dma_start3A_105 = tpu.memref_slice %arg13[%add3A_101, %dma_start3A_104] : memref<50008x32xf32, #tpu.memory_space<vmem_shared>> -> memref<125x32xf32, #tpu.memory_space<vmem_shared>>
    tpu.enqueue_dma source(%arg12 : memref<125x32xf32, #tpu.memory_space<vmem>>) target(%dma_start3A_105 : memref<125x32xf32, #tpu.memory_space<vmem_shared>>) target_semaphore(%arg20 : memref<!tpu.dma_semaphore, #tpu.memory_space<semaphore_mem>>)
    %mul3A_106 = arith.constant 3125 : i32
    %mul3A_107 = arith.muli %arg1, %mul3A_106 : i32
    %add3A_108 = arith.constant 1625 : i32
    %add3A_109 = arith.addi %mul3A_107, %add3A_108 : i32
    %dma_start3A_110 = arith.constant 0 : i32
    %dma_start3A_111 = tpu.memref_slice %arg13[%add3A_109, %dma_start3A_110] : memref<50008x32xf32, #tpu.memory_space<vmem_shared>> -> memref<125x32xf32, #tpu.memory_space<vmem_shared>>
    %dma_start3A_112 = arith.constant 0 : i32
    %dma_start3A_113 = tpu.memref_slice %arg13[%add3A_109, %dma_start3A_112] : memref<50008x32xf32, #tpu.memory_space<vmem_shared>> -> memref<125x32xf32, #tpu.memory_space<vmem_shared>>
    tpu.enqueue_dma source(%arg12 : memref<125x32xf32, #tpu.memory_space<vmem>>) target(%dma_start3A_113 : memref<125x32xf32, #tpu.memory_space<vmem_shared>>) target_semaphore(%arg20 : memref<!tpu.dma_semaphore, #tpu.memory_space<semaphore_mem>>)
    %mul3A_114 = arith.constant 3125 : i32
    %mul3A_115 = arith.muli %arg1, %mul3A_114 : i32
    %add3A_116 = arith.constant 1750 : i32
    %add3A_117 = arith.addi %mul3A_115, %add3A_116 : i32
    %dma_start3A_118 = arith.constant 0 : i32
    %dma_start3A_119 = tpu.memref_slice %arg13[%add3A_117, %dma_start3A_118] : memref<50008x32xf32, #tpu.memory_space<vmem_shared>> -> memref<125x32xf32, #tpu.memory_space<vmem_shared>>
    %dma_start3A_120 = arith.constant 0 : i32
    %dma_start3A_121 = tpu.memref_slice %arg13[%add3A_117, %dma_start3A_120] : memref<50008x32xf32, #tpu.memory_space<vmem_shared>> -> memref<125x32xf32, #tpu.memory_space<vmem_shared>>
    tpu.enqueue_dma source(%arg12 : memref<125x32xf32, #tpu.memory_space<vmem>>) target(%dma_start3A_121 : memref<125x32xf32, #tpu.memory_space<vmem_shared>>) target_semaphore(%arg20 : memref<!tpu.dma_semaphore, #tpu.memory_space<semaphore_mem>>)
    %mul3A_122 = arith.constant 3125 : i32
    %mul3A_123 = arith.muli %arg1, %mul3A_122 : i32
    %add3A_124 = arith.constant 1875 : i32
    %add3A_125 = arith.addi %mul3A_123, %add3A_124 : i32
    %dma_start3A_126 = arith.constant 0 : i32
    %dma_start3A_127 = tpu.memref_slice %arg13[%add3A_125, %dma_start3A_126] : memref<50008x32xf32, #tpu.memory_space<vmem_shared>> -> memref<125x32xf32, #tpu.memory_space<vmem_shared>>
    %dma_start3A_128 = arith.constant 0 : i32
    %dma_start3A_129 = tpu.memref_slice %arg13[%add3A_125, %dma_start3A_128] : memref<50008x32xf32, #tpu.memory_space<vmem_shared>> -> memref<125x32xf32, #tpu.memory_space<vmem_shared>>
    tpu.enqueue_dma source(%arg12 : memref<125x32xf32, #tpu.memory_space<vmem>>) target(%dma_start3A_129 : memref<125x32xf32, #tpu.memory_space<vmem_shared>>) target_semaphore(%arg20 : memref<!tpu.dma_semaphore, #tpu.memory_space<semaphore_mem>>)
    %mul3A_130 = arith.constant 3125 : i32
    %mul3A_131 = arith.muli %arg1, %mul3A_130 : i32
    %add3A_132 = arith.constant 2000 : i32
    %add3A_133 = arith.addi %mul3A_131, %add3A_132 : i32
    %dma_start3A_134 = arith.constant 0 : i32
    %dma_start3A_135 = tpu.memref_slice %arg13[%add3A_133, %dma_start3A_134] : memref<50008x32xf32, #tpu.memory_space<vmem_shared>> -> memref<125x32xf32, #tpu.memory_space<vmem_shared>>
    %dma_start3A_136 = arith.constant 0 : i32
    %dma_start3A_137 = tpu.memref_slice %arg13[%add3A_133, %dma_start3A_136] : memref<50008x32xf32, #tpu.memory_space<vmem_shared>> -> memref<125x32xf32, #tpu.memory_space<vmem_shared>>
    tpu.enqueue_dma source(%arg12 : memref<125x32xf32, #tpu.memory_space<vmem>>) target(%dma_start3A_137 : memref<125x32xf32, #tpu.memory_space<vmem_shared>>) target_semaphore(%arg20 : memref<!tpu.dma_semaphore, #tpu.memory_space<semaphore_mem>>)
    %mul3A_138 = arith.constant 3125 : i32
    %mul3A_139 = arith.muli %arg1, %mul3A_138 : i32
    %add3A_140 = arith.constant 2125 : i32
    %add3A_141 = arith.addi %mul3A_139, %add3A_140 : i32
    %dma_start3A_142 = arith.constant 0 : i32
    %dma_start3A_143 = tpu.memref_slice %arg13[%add3A_141, %dma_start3A_142] : memref<50008x32xf32, #tpu.memory_space<vmem_shared>> -> memref<125x32xf32, #tpu.memory_space<vmem_shared>>
    %dma_start3A_144 = arith.constant 0 : i32
    %dma_start3A_145 = tpu.memref_slice %arg13[%add3A_141, %dma_start3A_144] : memref<50008x32xf32, #tpu.memory_space<vmem_shared>> -> memref<125x32xf32, #tpu.memory_space<vmem_shared>>
    tpu.enqueue_dma source(%arg12 : memref<125x32xf32, #tpu.memory_space<vmem>>) target(%dma_start3A_145 : memref<125x32xf32, #tpu.memory_space<vmem_shared>>) target_semaphore(%arg20 : memref<!tpu.dma_semaphore, #tpu.memory_space<semaphore_mem>>)
    %mul3A_146 = arith.constant 3125 : i32
    %mul3A_147 = arith.muli %arg1, %mul3A_146 : i32
    %add3A_148 = arith.constant 2250 : i32
    %add3A_149 = arith.addi %mul3A_147, %add3A_148 : i32
    %dma_start3A_150 = arith.constant 0 : i32
    %dma_start3A_151 = tpu.memref_slice %arg13[%add3A_149, %dma_start3A_150] : memref<50008x32xf32, #tpu.memory_space<vmem_shared>> -> memref<125x32xf32, #tpu.memory_space<vmem_shared>>
    %dma_start3A_152 = arith.constant 0 : i32
    %dma_start3A_153 = tpu.memref_slice %arg13[%add3A_149, %dma_start3A_152] : memref<50008x32xf32, #tpu.memory_space<vmem_shared>> -> memref<125x32xf32, #tpu.memory_space<vmem_shared>>
    tpu.enqueue_dma source(%arg12 : memref<125x32xf32, #tpu.memory_space<vmem>>) target(%dma_start3A_153 : memref<125x32xf32, #tpu.memory_space<vmem_shared>>) target_semaphore(%arg20 : memref<!tpu.dma_semaphore, #tpu.memory_space<semaphore_mem>>)
    %mul3A_154 = arith.constant 3125 : i32
    %mul3A_155 = arith.muli %arg1, %mul3A_154 : i32
    %add3A_156 = arith.constant 2375 : i32
    %add3A_157 = arith.addi %mul3A_155, %add3A_156 : i32
    %dma_start3A_158 = arith.constant 0 : i32
    %dma_start3A_159 = tpu.memref_slice %arg13[%add3A_157, %dma_start3A_158] : memref<50008x32xf32, #tpu.memory_space<vmem_shared>> -> memref<125x32xf32, #tpu.memory_space<vmem_shared>>
    %dma_start3A_160 = arith.constant 0 : i32
    %dma_start3A_161 = tpu.memref_slice %arg13[%add3A_157, %dma_start3A_160] : memref<50008x32xf32, #tpu.memory_space<vmem_shared>> -> memref<125x32xf32, #tpu.memory_space<vmem_shared>>
    tpu.enqueue_dma source(%arg12 : memref<125x32xf32, #tpu.memory_space<vmem>>) target(%dma_start3A_161 : memref<125x32xf32, #tpu.memory_space<vmem_shared>>) target_semaphore(%arg20 : memref<!tpu.dma_semaphore, #tpu.memory_space<semaphore_mem>>)
    %mul3A_162 = arith.constant 3125 : i32
    %mul3A_163 = arith.muli %arg1, %mul3A_162 : i32
    %add3A_164 = arith.constant 2500 : i32
    %add3A_165 = arith.addi %mul3A_163, %add3A_164 : i32
    %dma_start3A_166 = arith.constant 0 : i32
    %dma_start3A_167 = tpu.memref_slice %arg13[%add3A_165, %dma_start3A_166] : memref<50008x32xf32, #tpu.memory_space<vmem_shared>> -> memref<125x32xf32, #tpu.memory_space<vmem_shared>>
    %dma_start3A_168 = arith.constant 0 : i32
    %dma_start3A_169 = tpu.memref_slice %arg13[%add3A_165, %dma_start3A_168] : memref<50008x32xf32, #tpu.memory_space<vmem_shared>> -> memref<125x32xf32, #tpu.memory_space<vmem_shared>>
    tpu.enqueue_dma source(%arg12 : memref<125x32xf32, #tpu.memory_space<vmem>>) target(%dma_start3A_169 : memref<125x32xf32, #tpu.memory_space<vmem_shared>>) target_semaphore(%arg20 : memref<!tpu.dma_semaphore, #tpu.memory_space<semaphore_mem>>)
    %mul3A_170 = arith.constant 3125 : i32
    %mul3A_171 = arith.muli %arg1, %mul3A_170 : i32
    %add3A_172 = arith.constant 2625 : i32
    %add3A_173 = arith.addi %mul3A_171, %add3A_172 : i32
    %dma_start3A_174 = arith.constant 0 : i32
    %dma_start3A_175 = tpu.memref_slice %arg13[%add3A_173, %dma_start3A_174] : memref<50008x32xf32, #tpu.memory_space<vmem_shared>> -> memref<125x32xf32, #tpu.memory_space<vmem_shared>>
    %dma_start3A_176 = arith.constant 0 : i32
    %dma_start3A_177 = tpu.memref_slice %arg13[%add3A_173, %dma_start3A_176] : memref<50008x32xf32, #tpu.memory_space<vmem_shared>> -> memref<125x32xf32, #tpu.memory_space<vmem_shared>>
    tpu.enqueue_dma source(%arg12 : memref<125x32xf32, #tpu.memory_space<vmem>>) target(%dma_start3A_177 : memref<125x32xf32, #tpu.memory_space<vmem_shared>>) target_semaphore(%arg20 : memref<!tpu.dma_semaphore, #tpu.memory_space<semaphore_mem>>)
    %mul3A_178 = arith.constant 3125 : i32
    %mul3A_179 = arith.muli %arg1, %mul3A_178 : i32
    %add3A_180 = arith.constant 2750 : i32
    %add3A_181 = arith.addi %mul3A_179, %add3A_180 : i32
    %dma_start3A_182 = arith.constant 0 : i32
    %dma_start3A_183 = tpu.memref_slice %arg13[%add3A_181, %dma_start3A_182] : memref<50008x32xf32, #tpu.memory_space<vmem_shared>> -> memref<125x32xf32, #tpu.memory_space<vmem_shared>>
    %dma_start3A_184 = arith.constant 0 : i32
    %dma_start3A_185 = tpu.memref_slice %arg13[%add3A_181, %dma_start3A_184] : memref<50008x32xf32, #tpu.memory_space<vmem_shared>> -> memref<125x32xf32, #tpu.memory_space<vmem_shared>>
    tpu.enqueue_dma source(%arg12 : memref<125x32xf32, #tpu.memory_space<vmem>>) target(%dma_start3A_185 : memref<125x32xf32, #tpu.memory_space<vmem_shared>>) target_semaphore(%arg20 : memref<!tpu.dma_semaphore, #tpu.memory_space<semaphore_mem>>)
    %mul3A_186 = arith.constant 3125 : i32
    %mul3A_187 = arith.muli %arg1, %mul3A_186 : i32
    %add3A_188 = arith.constant 2875 : i32
    %add3A_189 = arith.addi %mul3A_187, %add3A_188 : i32
    %dma_start3A_190 = arith.constant 0 : i32
    %dma_start3A_191 = tpu.memref_slice %arg13[%add3A_189, %dma_start3A_190] : memref<50008x32xf32, #tpu.memory_space<vmem_shared>> -> memref<125x32xf32, #tpu.memory_space<vmem_shared>>
    %dma_start3A_192 = arith.constant 0 : i32
    %dma_start3A_193 = tpu.memref_slice %arg13[%add3A_189, %dma_start3A_192] : memref<50008x32xf32, #tpu.memory_space<vmem_shared>> -> memref<125x32xf32, #tpu.memory_space<vmem_shared>>
    tpu.enqueue_dma source(%arg12 : memref<125x32xf32, #tpu.memory_space<vmem>>) target(%dma_start3A_193 : memref<125x32xf32, #tpu.memory_space<vmem_shared>>) target_semaphore(%arg20 : memref<!tpu.dma_semaphore, #tpu.memory_space<semaphore_mem>>)
    %mul3A_194 = arith.constant 3125 : i32
    %mul3A_195 = arith.muli %arg1, %mul3A_194 : i32
    %add3A_196 = arith.constant 3000 : i32
    %add3A_197 = arith.addi %mul3A_195, %add3A_196 : i32
    %dma_start3A_198 = arith.constant 0 : i32
    %dma_start3A_199 = tpu.memref_slice %arg13[%add3A_197, %dma_start3A_198] : memref<50008x32xf32, #tpu.memory_space<vmem_shared>> -> memref<125x32xf32, #tpu.memory_space<vmem_shared>>
    %dma_start3A_200 = arith.constant 0 : i32
    %dma_start3A_201 = tpu.memref_slice %arg13[%add3A_197, %dma_start3A_200] : memref<50008x32xf32, #tpu.memory_space<vmem_shared>> -> memref<125x32xf32, #tpu.memory_space<vmem_shared>>
    tpu.enqueue_dma source(%arg12 : memref<125x32xf32, #tpu.memory_space<vmem>>) target(%dma_start3A_201 : memref<125x32xf32, #tpu.memory_space<vmem_shared>>) target_semaphore(%arg20 : memref<!tpu.dma_semaphore, #tpu.memory_space<semaphore_mem>>)
    %mul3A_202 = arith.constant 50112 : i32
    %mul3A_203 = arith.muli %arg1, %mul3A_202 : i32
    %add3A_204 = arith.constant 0 : i32
    %add3A_205 = arith.addi %mul3A_203, %add3A_204 : i32
    %dma_start3A_206 = tpu.memref_slice %arg3[%add3A_205] : memref<801792xi32, #tpu.memory_space<hbm>> -> memref<288xi32, #tpu.memory_space<hbm>>
    %dma_start3A_207 = tpu.memref_slice %arg3[%add3A_205] : memref<801792xi32, #tpu.memory_space<hbm>> -> memref<288xi32, #tpu.memory_space<hbm>>
    tpu.enqueue_dma source(%dma_start3A_207 : memref<288xi32, #tpu.memory_space<hbm>>) target(%arg6 : memref<288xi32, #tpu.memory_space<vmem>>) target_semaphore(%arg14 : memref<!tpu.dma_semaphore, #tpu.memory_space<semaphore_mem>>)
    %dma_start3A_208 = arith.constant 0 : i32
    %dma_start3A_209 = arith.constant 0 : i32
    %dma_start3A_210 = tpu.memref_slice %arg8[%dma_start3A_208, %dma_start3A_209] : memref<1x288xi32, #tpu.memory_space<vmem>> -> memref<1x288xi32, #tpu.memory_space<vmem>>
    %dma_start3A_211 = tpu.memref_squeeze %dma_start3A_210 : memref<1x288xi32, #tpu.memory_space<vmem>> -> memref<288xi32, #tpu.memory_space<vmem>>
    %dma_start3A_212 = tpu.memref_slice %arg4[%add3A_205] : memref<801792xi32, #tpu.memory_space<hbm>> -> memref<288xi32, #tpu.memory_space<hbm>>
    %dma_start3A_213 = arith.constant 0 : i32
    %dma_start3A_214 = tpu.memref_slice %arg8[%dma_start3A_208, %dma_start3A_213] : memref<1x288xi32, #tpu.memory_space<vmem>> -> memref<1x288xi32, #tpu.memory_space<vmem>>
    %dma_start3A_215 = tpu.memref_squeeze %dma_start3A_214 : memref<1x288xi32, #tpu.memory_space<vmem>> -> memref<288xi32, #tpu.memory_space<vmem>>
    %dma_start3A_216 = tpu.memref_slice %arg4[%add3A_205] : memref<801792xi32, #tpu.memory_space<hbm>> -> memref<288xi32, #tpu.memory_space<hbm>>
    tpu.enqueue_dma source(%dma_start3A_216 : memref<288xi32, #tpu.memory_space<hbm>>) target(%dma_start3A_215 : memref<288xi32, #tpu.memory_space<vmem>>) target_semaphore(%arg14 : memref<!tpu.dma_semaphore, #tpu.memory_space<semaphore_mem>>)
    %mul3A_217 = arith.constant 50112 : i32
    %mul3A_218 = arith.muli %arg1, %mul3A_217 : i32
    %add3A_219 = arith.constant 288 : i32
    %add3A_220 = arith.addi %mul3A_218, %add3A_219 : i32
    %dma_start3A_221 = tpu.memref_slice %arg3[%add3A_220] : memref<801792xi32, #tpu.memory_space<hbm>> -> memref<288xi32, #tpu.memory_space<hbm>>
    %dma_start3A_222 = tpu.memref_slice %arg3[%add3A_220] : memref<801792xi32, #tpu.memory_space<hbm>> -> memref<288xi32, #tpu.memory_space<hbm>>
    tpu.enqueue_dma source(%dma_start3A_222 : memref<288xi32, #tpu.memory_space<hbm>>) target(%arg7 : memref<288xi32, #tpu.memory_space<vmem>>) target_semaphore(%arg15 : memref<!tpu.dma_semaphore, #tpu.memory_space<semaphore_mem>>)
    %dma_start3A_223 = arith.constant 0 : i32
    %dma_start3A_224 = arith.constant 0 : i32
    %dma_start3A_225 = tpu.memref_slice %arg9[%dma_start3A_223, %dma_start3A_224] : memref<1x288xi32, #tpu.memory_space<vmem>> -> memref<1x288xi32, #tpu.memory_space<vmem>>
    %dma_start3A_226 = tpu.memref_squeeze %dma_start3A_225 : memref<1x288xi32, #tpu.memory_space<vmem>> -> memref<288xi32, #tpu.memory_space<vmem>>
    %dma_start3A_227 = tpu.memref_slice %arg4[%add3A_220] : memref<801792xi32, #tpu.memory_space<hbm>> -> memref<288xi32, #tpu.memory_space<hbm>>
    %dma_start3A_228 = arith.constant 0 : i32
    %dma_start3A_229 = tpu.memref_slice %arg9[%dma_start3A_223, %dma_start3A_228] : memref<1x288xi32, #tpu.memory_space<vmem>> -> memref<1x288xi32, #tpu.memory_space<vmem>>
    %dma_start3A_230 = tpu.memref_squeeze %dma_start3A_229 : memref<1x288xi32, #tpu.memory_space<vmem>> -> memref<288xi32, #tpu.memory_space<vmem>>
    %dma_start3A_231 = tpu.memref_slice %arg4[%add3A_220] : memref<801792xi32, #tpu.memory_space<hbm>> -> memref<288xi32, #tpu.memory_space<hbm>>
    tpu.enqueue_dma source(%dma_start3A_231 : memref<288xi32, #tpu.memory_space<hbm>>) target(%dma_start3A_230 : memref<288xi32, #tpu.memory_space<vmem>>) target_semaphore(%arg15 : memref<!tpu.dma_semaphore, #tpu.memory_space<semaphore_mem>>)
    %mul3A_232 = arith.constant 50112 : i32
    %mul3A_233 = arith.muli %arg1, %mul3A_232 : i32
    %add3A_234 = arith.constant 0 : i32
    %add3A_235 = arith.addi %mul3A_233, %add3A_234 : i32
    %dma_wait3A = tpu.memref_slice %arg3[%add3A_235] : memref<801792xi32, #tpu.memory_space<hbm>> -> memref<288xi32, #tpu.memory_space<hbm>>
    %dma_wait3A_236 = tpu.memref_slice %arg3[%add3A_235] : memref<801792xi32, #tpu.memory_space<hbm>> -> memref<288xi32, #tpu.memory_space<hbm>>
    tpu.wait_dma2 semaphore(%arg14 : memref<!tpu.dma_semaphore, #tpu.memory_space<semaphore_mem>>) src(%dma_wait3A_236 : memref<288xi32, #tpu.memory_space<hbm>>) dst(%arg6 : memref<288xi32, #tpu.memory_space<vmem>>)
    %dma_wait3A_237 = arith.constant 0 : i32
    %dma_wait3A_238 = arith.constant 0 : i32
    %dma_wait3A_239 = tpu.memref_slice %arg8[%dma_wait3A_237, %dma_wait3A_238] : memref<1x288xi32, #tpu.memory_space<vmem>> -> memref<1x288xi32, #tpu.memory_space<vmem>>
    %dma_wait3A_240 = tpu.memref_squeeze %dma_wait3A_239 : memref<1x288xi32, #tpu.memory_space<vmem>> -> memref<288xi32, #tpu.memory_space<vmem>>
    %dma_wait3A_241 = tpu.memref_slice %arg4[%add3A_235] : memref<801792xi32, #tpu.memory_space<hbm>> -> memref<288xi32, #tpu.memory_space<hbm>>
    %dma_wait3A_242 = arith.constant 0 : i32
    %dma_wait3A_243 = tpu.memref_slice %arg8[%dma_wait3A_237, %dma_wait3A_242] : memref<1x288xi32, #tpu.memory_space<vmem>> -> memref<1x288xi32, #tpu.memory_space<vmem>>
    %dma_wait3A_244 = tpu.memref_squeeze %dma_wait3A_243 : memref<1x288xi32, #tpu.memory_space<vmem>> -> memref<288xi32, #tpu.memory_space<vmem>>
    %dma_wait3A_245 = tpu.memref_slice %arg4[%add3A_235] : memref<801792xi32, #tpu.memory_space<hbm>> -> memref<288xi32, #tpu.memory_space<hbm>>
    tpu.wait_dma2 semaphore(%arg14 : memref<!tpu.dma_semaphore, #tpu.memory_space<semaphore_mem>>) src(%dma_wait3A_245 : memref<288xi32, #tpu.memory_space<hbm>>) dst(%dma_wait3A_244 : memref<288xi32, #tpu.memory_space<vmem>>)
    %dma_start3A_246 = arith.constant 0 : i32
    %dma_start3A_247 = arith.constant 0 : i32
    %dma_start3A_248 = tpu.memref_slice %arg2[%arg0, %dma_start3A_246, %dma_start3A_247] : memref<2x50000x32xf32, #tpu.memory_space<hbm>> -> memref<1x50000x32xf32, #tpu.memory_space<hbm>>
    %dma_start3A_249 = tpu.memref_squeeze %dma_start3A_248 : memref<1x50000x32xf32, #tpu.memory_space<hbm>> -> memref<50000x32xf32, #tpu.memory_space<hbm>>
    %dma_start3A_250 = arith.constant 0 : i32
    %dma_start3A_251 = arith.constant 0 : i32
    %dma_start3A_252 = tpu.memref_slice %dma_start3A_249[%dma_start3A_250, %dma_start3A_251] : memref<50000x32xf32, #tpu.memory_space<hbm>> -> memref<50000x32xf32, #tpu.memory_space<hbm>>
    tpu.enqueue_indirect_dma source(%dma_start3A_252 : memref<50000x32xf32, #tpu.memory_space<hbm>>) target(%arg10 : memref<288x32xf32, #tpu.memory_space<vmem>>) offsets(%arg6 : memref<288xi32, #tpu.memory_space<vmem>>) semaphore(%arg16 : memref<!tpu.dma_semaphore, #tpu.memory_space<semaphore_mem>>)
    %dma_wait3A_253 = arith.constant 0 : i32
    %dma_wait3A_254 = tpu.memref_slice %arg13[%add3A_6, %dma_wait3A_253] : memref<50008x32xf32, #tpu.memory_space<vmem_shared>> -> memref<125x32xf32, #tpu.memory_space<vmem_shared>>
    %dma_wait3A_255 = arith.constant 0 : i32
    %dma_wait3A_256 = tpu.memref_slice %arg13[%add3A_6, %dma_wait3A_255] : memref<50008x32xf32, #tpu.memory_space<vmem_shared>> -> memref<125x32xf32, #tpu.memory_space<vmem_shared>>
    tpu.wait_dma2 semaphore(%arg20 : memref<!tpu.dma_semaphore, #tpu.memory_space<semaphore_mem>>) src(%arg12 : memref<125x32xf32, #tpu.memory_space<vmem>>) dst(%dma_wait3A_256 : memref<125x32xf32, #tpu.memory_space<vmem_shared>>)
    %dma_wait3A_257 = arith.constant 0 : i32
    %dma_wait3A_258 = tpu.memref_slice %arg13[%add3A_13, %dma_wait3A_257] : memref<50008x32xf32, #tpu.memory_space<vmem_shared>> -> memref<125x32xf32, #tpu.memory_space<vmem_shared>>
    %dma_wait3A_259 = arith.constant 0 : i32
    %dma_wait3A_260 = tpu.memref_slice %arg13[%add3A_13, %dma_wait3A_259] : memref<50008x32xf32, #tpu.memory_space<vmem_shared>> -> memref<125x32xf32, #tpu.memory_space<vmem_shared>>
    tpu.wait_dma2 semaphore(%arg20 : memref<!tpu.dma_semaphore, #tpu.memory_space<semaphore_mem>>) src(%arg12 : memref<125x32xf32, #tpu.memory_space<vmem>>) dst(%dma_wait3A_260 : memref<125x32xf32, #tpu.memory_space<vmem_shared>>)
    %dma_wait3A_261 = arith.constant 0 : i32
    %dma_wait3A_262 = tpu.memref_slice %arg13[%add3A_21, %dma_wait3A_261] : memref<50008x32xf32, #tpu.memory_space<vmem_shared>> -> memref<125x32xf32, #tpu.memory_space<vmem_shared>>
    %dma_wait3A_263 = arith.constant 0 : i32
    %dma_wait3A_264 = tpu.memref_slice %arg13[%add3A_21, %dma_wait3A_263] : memref<50008x32xf32, #tpu.memory_space<vmem_shared>> -> memref<125x32xf32, #tpu.memory_space<vmem_shared>>
    tpu.wait_dma2 semaphore(%arg20 : memref<!tpu.dma_semaphore, #tpu.memory_space<semaphore_mem>>) src(%arg12 : memref<125x32xf32, #tpu.memory_space<vmem>>) dst(%dma_wait3A_264 : memref<125x32xf32, #tpu.memory_space<vmem_shared>>)
    %dma_wait3A_265 = arith.constant 0 : i32
    %dma_wait3A_266 = tpu.memref_slice %arg13[%add3A_29, %dma_wait3A_265] : memref<50008x32xf32, #tpu.memory_space<vmem_shared>> -> memref<125x32xf32, #tpu.memory_space<vmem_shared>>
    %dma_wait3A_267 = arith.constant 0 : i32
    %dma_wait3A_268 = tpu.memref_slice %arg13[%add3A_29, %dma_wait3A_267] : memref<50008x32xf32, #tpu.memory_space<vmem_shared>> -> memref<125x32xf32, #tpu.memory_space<vmem_shared>>
    tpu.wait_dma2 semaphore(%arg20 : memref<!tpu.dma_semaphore, #tpu.memory_space<semaphore_mem>>) src(%arg12 : memref<125x32xf32, #tpu.memory_space<vmem>>) dst(%dma_wait3A_268 : memref<125x32xf32, #tpu.memory_space<vmem_shared>>)
    %dma_wait3A_269 = arith.constant 0 : i32
    %dma_wait3A_270 = tpu.memref_slice %arg13[%add3A_37, %dma_wait3A_269] : memref<50008x32xf32, #tpu.memory_space<vmem_shared>> -> memref<125x32xf32, #tpu.memory_space<vmem_shared>>
    %dma_wait3A_271 = arith.constant 0 : i32
    %dma_wait3A_272 = tpu.memref_slice %arg13[%add3A_37, %dma_wait3A_271] : memref<50008x32xf32, #tpu.memory_space<vmem_shared>> -> memref<125x32xf32, #tpu.memory_space<vmem_shared>>
    tpu.wait_dma2 semaphore(%arg20 : memref<!tpu.dma_semaphore, #tpu.memory_space<semaphore_mem>>) src(%arg12 : memref<125x32xf32, #tpu.memory_space<vmem>>) dst(%dma_wait3A_272 : memref<125x32xf32, #tpu.memory_space<vmem_shared>>)
    %dma_wait3A_273 = arith.constant 0 : i32
    %dma_wait3A_274 = tpu.memref_slice %arg13[%add3A_45, %dma_wait3A_273] : memref<50008x32xf32, #tpu.memory_space<vmem_shared>> -> memref<125x32xf32, #tpu.memory_space<vmem_shared>>
    %dma_wait3A_275 = arith.constant 0 : i32
    %dma_wait3A_276 = tpu.memref_slice %arg13[%add3A_45, %dma_wait3A_275] : memref<50008x32xf32, #tpu.memory_space<vmem_shared>> -> memref<125x32xf32, #tpu.memory_space<vmem_shared>>
    tpu.wait_dma2 semaphore(%arg20 : memref<!tpu.dma_semaphore, #tpu.memory_space<semaphore_mem>>) src(%arg12 : memref<125x32xf32, #tpu.memory_space<vmem>>) dst(%dma_wait3A_276 : memref<125x32xf32, #tpu.memory_space<vmem_shared>>)
    %dma_wait3A_277 = arith.constant 0 : i32
    %dma_wait3A_278 = tpu.memref_slice %arg13[%add3A_53, %dma_wait3A_277] : memref<50008x32xf32, #tpu.memory_space<vmem_shared>> -> memref<125x32xf32, #tpu.memory_space<vmem_shared>>
    %dma_wait3A_279 = arith.constant 0 : i32
    %dma_wait3A_280 = tpu.memref_slice %arg13[%add3A_53, %dma_wait3A_279] : memref<50008x32xf32, #tpu.memory_space<vmem_shared>> -> memref<125x32xf32, #tpu.memory_space<vmem_shared>>
    tpu.wait_dma2 semaphore(%arg20 : memref<!tpu.dma_semaphore, #tpu.memory_space<semaphore_mem>>) src(%arg12 : memref<125x32xf32, #tpu.memory_space<vmem>>) dst(%dma_wait3A_280 : memref<125x32xf32, #tpu.memory_space<vmem_shared>>)
    %dma_wait3A_281 = arith.constant 0 : i32
    %dma_wait3A_282 = tpu.memref_slice %arg13[%add3A_61, %dma_wait3A_281] : memref<50008x32xf32, #tpu.memory_space<vmem_shared>> -> memref<125x32xf32, #tpu.memory_space<vmem_shared>>
    %dma_wait3A_283 = arith.constant 0 : i32
    %dma_wait3A_284 = tpu.memref_slice %arg13[%add3A_61, %dma_wait3A_283] : memref<50008x32xf32, #tpu.memory_space<vmem_shared>> -> memref<125x32xf32, #tpu.memory_space<vmem_shared>>
    tpu.wait_dma2 semaphore(%arg20 : memref<!tpu.dma_semaphore, #tpu.memory_space<semaphore_mem>>) src(%arg12 : memref<125x32xf32, #tpu.memory_space<vmem>>) dst(%dma_wait3A_284 : memref<125x32xf32, #tpu.memory_space<vmem_shared>>)
    %dma_wait3A_285 = arith.constant 0 : i32
    %dma_wait3A_286 = tpu.memref_slice %arg13[%add3A_69, %dma_wait3A_285] : memref<50008x32xf32, #tpu.memory_space<vmem_shared>> -> memref<125x32xf32, #tpu.memory_space<vmem_shared>>
    %dma_wait3A_287 = arith.constant 0 : i32
    %dma_wait3A_288 = tpu.memref_slice %arg13[%add3A_69, %dma_wait3A_287] : memref<50008x32xf32, #tpu.memory_space<vmem_shared>> -> memref<125x32xf32, #tpu.memory_space<vmem_shared>>
    tpu.wait_dma2 semaphore(%arg20 : memref<!tpu.dma_semaphore, #tpu.memory_space<semaphore_mem>>) src(%arg12 : memref<125x32xf32, #tpu.memory_space<vmem>>) dst(%dma_wait3A_288 : memref<125x32xf32, #tpu.memory_space<vmem_shared>>)
    %dma_wait3A_289 = arith.constant 0 : i32
    %dma_wait3A_290 = tpu.memref_slice %arg13[%add3A_77, %dma_wait3A_289] : memref<50008x32xf32, #tpu.memory_space<vmem_shared>> -> memref<125x32xf32, #tpu.memory_space<vmem_shared>>
    %dma_wait3A_291 = arith.constant 0 : i32
    %dma_wait3A_292 = tpu.memref_slice %arg13[%add3A_77, %dma_wait3A_291] : memref<50008x32xf32, #tpu.memory_space<vmem_shared>> -> memref<125x32xf32, #tpu.memory_space<vmem_shared>>
    tpu.wait_dma2 semaphore(%arg20 : memref<!tpu.dma_semaphore, #tpu.memory_space<semaphore_mem>>) src(%arg12 : memref<125x32xf32, #tpu.memory_space<vmem>>) dst(%dma_wait3A_292 : memref<125x32xf32, #tpu.memory_space<vmem_shared>>)
    %dma_wait3A_293 = arith.constant 0 : i32
    %dma_wait3A_294 = tpu.memref_slice %arg13[%add3A_85, %dma_wait3A_293] : memref<50008x32xf32, #tpu.memory_space<vmem_shared>> -> memref<125x32xf32, #tpu.memory_space<vmem_shared>>
    %dma_wait3A_295 = arith.constant 0 : i32
    %dma_wait3A_296 = tpu.memref_slice %arg13[%add3A_85, %dma_wait3A_295] : memref<50008x32xf32, #tpu.memory_space<vmem_shared>> -> memref<125x32xf32, #tpu.memory_space<vmem_shared>>
    tpu.wait_dma2 semaphore(%arg20 : memref<!tpu.dma_semaphore, #tpu.memory_space<semaphore_mem>>) src(%arg12 : memref<125x32xf32, #tpu.memory_space<vmem>>) dst(%dma_wait3A_296 : memref<125x32xf32, #tpu.memory_space<vmem_shared>>)
    %dma_wait3A_297 = arith.constant 0 : i32
    %dma_wait3A_298 = tpu.memref_slice %arg13[%add3A_93, %dma_wait3A_297] : memref<50008x32xf32, #tpu.memory_space<vmem_shared>> -> memref<125x32xf32, #tpu.memory_space<vmem_shared>>
    %dma_wait3A_299 = arith.constant 0 : i32
    %dma_wait3A_300 = tpu.memref_slice %arg13[%add3A_93, %dma_wait3A_299] : memref<50008x32xf32, #tpu.memory_space<vmem_shared>> -> memref<125x32xf32, #tpu.memory_space<vmem_shared>>
    tpu.wait_dma2 semaphore(%arg20 : memref<!tpu.dma_semaphore, #tpu.memory_space<semaphore_mem>>) src(%arg12 : memref<125x32xf32, #tpu.memory_space<vmem>>) dst(%dma_wait3A_300 : memref<125x32xf32, #tpu.memory_space<vmem_shared>>)
    %dma_wait3A_301 = arith.constant 0 : i32
    %dma_wait3A_302 = tpu.memref_slice %arg13[%add3A_101, %dma_wait3A_301] : memref<50008x32xf32, #tpu.memory_space<vmem_shared>> -> memref<125x32xf32, #tpu.memory_space<vmem_shared>>
    %dma_wait3A_303 = arith.constant 0 : i32
    %dma_wait3A_304 = tpu.memref_slice %arg13[%add3A_101, %dma_wait3A_303] : memref<50008x32xf32, #tpu.memory_space<vmem_shared>> -> memref<125x32xf32, #tpu.memory_space<vmem_shared>>
    tpu.wait_dma2 semaphore(%arg20 : memref<!tpu.dma_semaphore, #tpu.memory_space<semaphore_mem>>) src(%arg12 : memref<125x32xf32, #tpu.memory_space<vmem>>) dst(%dma_wait3A_304 : memref<125x32xf32, #tpu.memory_space<vmem_shared>>)
    %dma_wait3A_305 = arith.constant 0 : i32
    %dma_wait3A_306 = tpu.memref_slice %arg13[%add3A_109, %dma_wait3A_305] : memref<50008x32xf32, #tpu.memory_space<vmem_shared>> -> memref<125x32xf32, #tpu.memory_space<vmem_shared>>
    %dma_wait3A_307 = arith.constant 0 : i32
    %dma_wait3A_308 = tpu.memref_slice %arg13[%add3A_109, %dma_wait3A_307] : memref<50008x32xf32, #tpu.memory_space<vmem_shared>> -> memref<125x32xf32, #tpu.memory_space<vmem_shared>>
    tpu.wait_dma2 semaphore(%arg20 : memref<!tpu.dma_semaphore, #tpu.memory_space<semaphore_mem>>) src(%arg12 : memref<125x32xf32, #tpu.memory_space<vmem>>) dst(%dma_wait3A_308 : memref<125x32xf32, #tpu.memory_space<vmem_shared>>)
    %dma_wait3A_309 = arith.constant 0 : i32
    %dma_wait3A_310 = tpu.memref_slice %arg13[%add3A_117, %dma_wait3A_309] : memref<50008x32xf32, #tpu.memory_space<vmem_shared>> -> memref<125x32xf32, #tpu.memory_space<vmem_shared>>
    %dma_wait3A_311 = arith.constant 0 : i32
    %dma_wait3A_312 = tpu.memref_slice %arg13[%add3A_117, %dma_wait3A_311] : memref<50008x32xf32, #tpu.memory_space<vmem_shared>> -> memref<125x32xf32, #tpu.memory_space<vmem_shared>>
    tpu.wait_dma2 semaphore(%arg20 : memref<!tpu.dma_semaphore, #tpu.memory_space<semaphore_mem>>) src(%arg12 : memref<125x32xf32, #tpu.memory_space<vmem>>) dst(%dma_wait3A_312 : memref<125x32xf32, #tpu.memory_space<vmem_shared>>)
    %dma_wait3A_313 = arith.constant 0 : i32
    %dma_wait3A_314 = tpu.memref_slice %arg13[%add3A_125, %dma_wait3A_313] : memref<50008x32xf32, #tpu.memory_space<vmem_shared>> -> memref<125x32xf32, #tpu.memory_space<vmem_shared>>
    %dma_wait3A_315 = arith.constant 0 : i32
    %dma_wait3A_316 = tpu.memref_slice %arg13[%add3A_125, %dma_wait3A_315] : memref<50008x32xf32, #tpu.memory_space<vmem_shared>> -> memref<125x32xf32, #tpu.memory_space<vmem_shared>>
    tpu.wait_dma2 semaphore(%arg20 : memref<!tpu.dma_semaphore, #tpu.memory_space<semaphore_mem>>) src(%arg12 : memref<125x32xf32, #tpu.memory_space<vmem>>) dst(%dma_wait3A_316 : memref<125x32xf32, #tpu.memory_space<vmem_shared>>)
    %dma_wait3A_317 = arith.constant 0 : i32
    %dma_wait3A_318 = tpu.memref_slice %arg13[%add3A_133, %dma_wait3A_317] : memref<50008x32xf32, #tpu.memory_space<vmem_shared>> -> memref<125x32xf32, #tpu.memory_space<vmem_shared>>
    %dma_wait3A_319 = arith.constant 0 : i32
    %dma_wait3A_320 = tpu.memref_slice %arg13[%add3A_133, %dma_wait3A_319] : memref<50008x32xf32, #tpu.memory_space<vmem_shared>> -> memref<125x32xf32, #tpu.memory_space<vmem_shared>>
    tpu.wait_dma2 semaphore(%arg20 : memref<!tpu.dma_semaphore, #tpu.memory_space<semaphore_mem>>) src(%arg12 : memref<125x32xf32, #tpu.memory_space<vmem>>) dst(%dma_wait3A_320 : memref<125x32xf32, #tpu.memory_space<vmem_shared>>)
    %dma_wait3A_321 = arith.constant 0 : i32
    %dma_wait3A_322 = tpu.memref_slice %arg13[%add3A_141, %dma_wait3A_321] : memref<50008x32xf32, #tpu.memory_space<vmem_shared>> -> memref<125x32xf32, #tpu.memory_space<vmem_shared>>
    %dma_wait3A_323 = arith.constant 0 : i32
    %dma_wait3A_324 = tpu.memref_slice %arg13[%add3A_141, %dma_wait3A_323] : memref<50008x32xf32, #tpu.memory_space<vmem_shared>> -> memref<125x32xf32, #tpu.memory_space<vmem_shared>>
    tpu.wait_dma2 semaphore(%arg20 : memref<!tpu.dma_semaphore, #tpu.memory_space<semaphore_mem>>) src(%arg12 : memref<125x32xf32, #tpu.memory_space<vmem>>) dst(%dma_wait3A_324 : memref<125x32xf32, #tpu.memory_space<vmem_shared>>)
    %dma_wait3A_325 = arith.constant 0 : i32
    %dma_wait3A_326 = tpu.memref_slice %arg13[%add3A_149, %dma_wait3A_325] : memref<50008x32xf32, #tpu.memory_space<vmem_shared>> -> memref<125x32xf32, #tpu.memory_space<vmem_shared>>
    %dma_wait3A_327 = arith.constant 0 : i32
    %dma_wait3A_328 = tpu.memref_slice %arg13[%add3A_149, %dma_wait3A_327] : memref<50008x32xf32, #tpu.memory_space<vmem_shared>> -> memref<125x32xf32, #tpu.memory_space<vmem_shared>>
    tpu.wait_dma2 semaphore(%arg20 : memref<!tpu.dma_semaphore, #tpu.memory_space<semaphore_mem>>) src(%arg12 : memref<125x32xf32, #tpu.memory_space<vmem>>) dst(%dma_wait3A_328 : memref<125x32xf32, #tpu.memory_space<vmem_shared>>)
    %dma_wait3A_329 = arith.constant 0 : i32
    %dma_wait3A_330 = tpu.memref_slice %arg13[%add3A_157, %dma_wait3A_329] : memref<50008x32xf32, #tpu.memory_space<vmem_shared>> -> memref<125x32xf32, #tpu.memory_space<vmem_shared>>
    %dma_wait3A_331 = arith.constant 0 : i32
    %dma_wait3A_332 = tpu.memref_slice %arg13[%add3A_157, %dma_wait3A_331] : memref<50008x32xf32, #tpu.memory_space<vmem_shared>> -> memref<125x32xf32, #tpu.memory_space<vmem_shared>>
    tpu.wait_dma2 semaphore(%arg20 : memref<!tpu.dma_semaphore, #tpu.memory_space<semaphore_mem>>) src(%arg12 : memref<125x32xf32, #tpu.memory_space<vmem>>) dst(%dma_wait3A_332 : memref<125x32xf32, #tpu.memory_space<vmem_shared>>)
    %dma_wait3A_333 = arith.constant 0 : i32
    %dma_wait3A_334 = tpu.memref_slice %arg13[%add3A_165, %dma_wait3A_333] : memref<50008x32xf32, #tpu.memory_space<vmem_shared>> -> memref<125x32xf32, #tpu.memory_space<vmem_shared>>
    %dma_wait3A_335 = arith.constant 0 : i32
    %dma_wait3A_336 = tpu.memref_slice %arg13[%add3A_165, %dma_wait3A_335] : memref<50008x32xf32, #tpu.memory_space<vmem_shared>> -> memref<125x32xf32, #tpu.memory_space<vmem_shared>>
    tpu.wait_dma2 semaphore(%arg20 : memref<!tpu.dma_semaphore, #tpu.memory_space<semaphore_mem>>) src(%arg12 : memref<125x32xf32, #tpu.memory_space<vmem>>) dst(%dma_wait3A_336 : memref<125x32xf32, #tpu.memory_space<vmem_shared>>)
    %dma_wait3A_337 = arith.constant 0 : i32
    %dma_wait3A_338 = tpu.memref_slice %arg13[%add3A_173, %dma_wait3A_337] : memref<50008x32xf32, #tpu.memory_space<vmem_shared>> -> memref<125x32xf32, #tpu.memory_space<vmem_shared>>
    %dma_wait3A_339 = arith.constant 0 : i32
    %dma_wait3A_340 = tpu.memref_slice %arg13[%add3A_173, %dma_wait3A_339] : memref<50008x32xf32, #tpu.memory_space<vmem_shared>> -> memref<125x32xf32, #tpu.memory_space<vmem_shared>>
    tpu.wait_dma2 semaphore(%arg20 : memref<!tpu.dma_semaphore, #tpu.memory_space<semaphore_mem>>) src(%arg12 : memref<125x32xf32, #tpu.memory_space<vmem>>) dst(%dma_wait3A_340 : memref<125x32xf32, #tpu.memory_space<vmem_shared>>)
    %dma_wait3A_341 = arith.constant 0 : i32
    %dma_wait3A_342 = tpu.memref_slice %arg13[%add3A_181, %dma_wait3A_341] : memref<50008x32xf32, #tpu.memory_space<vmem_shared>> -> memref<125x32xf32, #tpu.memory_space<vmem_shared>>
    %dma_wait3A_343 = arith.constant 0 : i32
    %dma_wait3A_344 = tpu.memref_slice %arg13[%add3A_181, %dma_wait3A_343] : memref<50008x32xf32, #tpu.memory_space<vmem_shared>> -> memref<125x32xf32, #tpu.memory_space<vmem_shared>>
    tpu.wait_dma2 semaphore(%arg20 : memref<!tpu.dma_semaphore, #tpu.memory_space<semaphore_mem>>) src(%arg12 : memref<125x32xf32, #tpu.memory_space<vmem>>) dst(%dma_wait3A_344 : memref<125x32xf32, #tpu.memory_space<vmem_shared>>)
    %dma_wait3A_345 = arith.constant 0 : i32
    %dma_wait3A_346 = tpu.memref_slice %arg13[%add3A_189, %dma_wait3A_345] : memref<50008x32xf32, #tpu.memory_space<vmem_shared>> -> memref<125x32xf32, #tpu.memory_space<vmem_shared>>
    %dma_wait3A_347 = arith.constant 0 : i32
    %dma_wait3A_348 = tpu.memref_slice %arg13[%add3A_189, %dma_wait3A_347] : memref<50008x32xf32, #tpu.memory_space<vmem_shared>> -> memref<125x32xf32, #tpu.memory_space<vmem_shared>>
    tpu.wait_dma2 semaphore(%arg20 : memref<!tpu.dma_semaphore, #tpu.memory_space<semaphore_mem>>) src(%arg12 : memref<125x32xf32, #tpu.memory_space<vmem>>) dst(%dma_wait3A_348 : memref<125x32xf32, #tpu.memory_space<vmem_shared>>)
    %dma_wait3A_349 = arith.constant 0 : i32
    %dma_wait3A_350 = tpu.memref_slice %arg13[%add3A_197, %dma_wait3A_349] : memref<50008x32xf32, #tpu.memory_space<vmem_shared>> -> memref<125x32xf32, #tpu.memory_space<vmem_shared>>
    %dma_wait3A_351 = arith.constant 0 : i32
    %dma_wait3A_352 = tpu.memref_slice %arg13[%add3A_197, %dma_wait3A_351] : memref<50008x32xf32, #tpu.memory_space<vmem_shared>> -> memref<125x32xf32, #tpu.memory_space<vmem_shared>>
    tpu.wait_dma2 semaphore(%arg20 : memref<!tpu.dma_semaphore, #tpu.memory_space<semaphore_mem>>) src(%arg12 : memref<125x32xf32, #tpu.memory_space<vmem>>) dst(%dma_wait3A_352 : memref<125x32xf32, #tpu.memory_space<vmem_shared>>)
    %barrier3A = arith.constant 0 : index
    tpu.barrier barrier_id(%barrier3A)
    %dma_wait3A_353 = arith.constant 0 : i32
    %dma_wait3A_354 = arith.constant 0 : i32
    %dma_wait3A_355 = tpu.memref_slice %arg2[%arg0, %dma_wait3A_353, %dma_wait3A_354] : memref<2x50000x32xf32, #tpu.memory_space<hbm>> -> memref<1x50000x32xf32, #tpu.memory_space<hbm>>
    %dma_wait3A_356 = tpu.memref_squeeze %dma_wait3A_355 : memref<1x50000x32xf32, #tpu.memory_space<hbm>> -> memref<50000x32xf32, #tpu.memory_space<hbm>>
    %dma_wait3A_357 = arith.constant 0 : i32
    %dma_wait3A_358 = arith.constant 0 : i32
    %dma_wait3A_359 = tpu.memref_slice %dma_wait3A_356[%dma_wait3A_357, %dma_wait3A_358] : memref<50000x32xf32, #tpu.memory_space<hbm>> -> memref<50000x32xf32, #tpu.memory_space<hbm>>
    tpu.wait_indirect_dma semaphore(%arg16 : memref<!tpu.dma_semaphore, #tpu.memory_space<semaphore_mem>>) src(%dma_wait3A_359 : memref<50000x32xf32, #tpu.memory_space<hbm>>) dst(%arg10 : memref<288x32xf32, #tpu.memory_space<vmem>>)
    %scan3A_360 = arith.constant 0 : i32
    %scan3A_361 = arith.constant 0 : i32
    %scan3A_362 = arith.constant 87 : i32
    %scan3A_363 = arith.addi %scan3A_361, %scan3A_362 : i32
    %scan3A_364 = arith.constant 1 : i32
    scf.for %scan3A_374 = %scan3A_361 to %scan3A_363 step %scan3A_364  : i32 {
      %mul3A_375 = arith.constant 2 : i32
      %mul3A_376 = arith.muli %mul3A_375, %scan3A_374 : i32
      %dma_start3A_377 = arith.constant 0 : i32
      %dma_start3A_378 = arith.constant 0 : i32
      %dma_start3A_379 = tpu.memref_slice %arg8[%dma_start3A_377, %dma_start3A_378] : memref<1x288xi32, #tpu.memory_space<vmem>> -> memref<1x288xi32, #tpu.memory_space<vmem>>
      %dma_start3A_380 = tpu.memref_squeeze %dma_start3A_379 : memref<1x288xi32, #tpu.memory_space<vmem>> -> memref<288xi32, #tpu.memory_space<vmem>>
      %dma_start3A_381 = arith.constant 0 : i32
      %dma_start3A_382 = arith.constant 0 : i32
      %dma_start3A_383 = tpu.memref_slice %arg13[%dma_start3A_381, %dma_start3A_382] : memref<50008x32xf32, #tpu.memory_space<vmem_shared>> -> memref<50008x32xf32, #tpu.memory_space<vmem_shared>>
      tpu.enqueue_indirect_dma source(%arg10 : memref<288x32xf32, #tpu.memory_space<vmem>>) target(%dma_start3A_383 : memref<50008x32xf32, #tpu.memory_space<vmem_shared>>) offsets(%dma_start3A_380 : memref<288xi32, #tpu.memory_space<vmem>>) semaphore(%arg18 : memref<!tpu.dma_semaphore, #tpu.memory_space<semaphore_mem>>) {add = true}
      %add3A_384 = arith.constant 1 : i32
      %add3A_385 = arith.addi %mul3A_376, %add3A_384 : i32
      %min3A = arith.constant 173 : i32
      %min3A_386 = arith.minsi %add3A_385, %min3A : i32
      %mul3A_387 = arith.constant 50112 : i32
      %mul3A_388 = arith.muli %arg1, %mul3A_387 : i32
      %mul3A_389 = arith.constant 288 : i32
      %mul3A_390 = arith.muli %min3A_386, %mul3A_389 : i32
      %add3A_391 = arith.addi %mul3A_388, %mul3A_390 : i32
      %dma_wait3A_392 = tpu.memref_slice %arg3[%add3A_391] : memref<801792xi32, #tpu.memory_space<hbm>> -> memref<288xi32, #tpu.memory_space<hbm>>
      %dma_wait3A_393 = tpu.memref_slice %arg3[%add3A_391] : memref<801792xi32, #tpu.memory_space<hbm>> -> memref<288xi32, #tpu.memory_space<hbm>>
      tpu.wait_dma2 semaphore(%arg15 : memref<!tpu.dma_semaphore, #tpu.memory_space<semaphore_mem>>) src(%dma_wait3A_393 : memref<288xi32, #tpu.memory_space<hbm>>) dst(%arg7 : memref<288xi32, #tpu.memory_space<vmem>>)
      %dma_wait3A_394 = arith.constant 0 : i32
      %dma_wait3A_395 = arith.constant 0 : i32
      %dma_wait3A_396 = tpu.memref_slice %arg9[%dma_wait3A_394, %dma_wait3A_395] : memref<1x288xi32, #tpu.memory_space<vmem>> -> memref<1x288xi32, #tpu.memory_space<vmem>>
      %dma_wait3A_397 = tpu.memref_squeeze %dma_wait3A_396 : memref<1x288xi32, #tpu.memory_space<vmem>> -> memref<288xi32, #tpu.memory_space<vmem>>
      %dma_wait3A_398 = tpu.memref_slice %arg4[%add3A_391] : memref<801792xi32, #tpu.memory_space<hbm>> -> memref<288xi32, #tpu.memory_space<hbm>>
      %dma_wait3A_399 = arith.constant 0 : i32
      %dma_wait3A_400 = tpu.memref_slice %arg9[%dma_wait3A_394, %dma_wait3A_399] : memref<1x288xi32, #tpu.memory_space<vmem>> -> memref<1x288xi32, #tpu.memory_space<vmem>>
      %dma_wait3A_401 = tpu.memref_squeeze %dma_wait3A_400 : memref<1x288xi32, #tpu.memory_space<vmem>> -> memref<288xi32, #tpu.memory_space<vmem>>
      %dma_wait3A_402 = tpu.memref_slice %arg4[%add3A_391] : memref<801792xi32, #tpu.memory_space<hbm>> -> memref<288xi32, #tpu.memory_space<hbm>>
      tpu.wait_dma2 semaphore(%arg15 : memref<!tpu.dma_semaphore, #tpu.memory_space<semaphore_mem>>) src(%dma_wait3A_402 : memref<288xi32, #tpu.memory_space<hbm>>) dst(%dma_wait3A_401 : memref<288xi32, #tpu.memory_space<vmem>>)
      %dma_start3A_403 = arith.constant 0 : i32
      %dma_start3A_404 = arith.constant 0 : i32
      %dma_start3A_405 = tpu.memref_slice %arg2[%arg0, %dma_start3A_403, %dma_start3A_404] : memref<2x50000x32xf32, #tpu.memory_space<hbm>> -> memref<1x50000x32xf32, #tpu.memory_space<hbm>>
      %dma_start3A_406 = tpu.memref_squeeze %dma_start3A_405 : memref<1x50000x32xf32, #tpu.memory_space<hbm>> -> memref<50000x32xf32, #tpu.memory_space<hbm>>
      %dma_start3A_407 = arith.constant 0 : i32
      %dma_start3A_408 = arith.constant 0 : i32
      %dma_start3A_409 = tpu.memref_slice %dma_start3A_406[%dma_start3A_407, %dma_start3A_408] : memref<50000x32xf32, #tpu.memory_space<hbm>> -> memref<50000x32xf32, #tpu.memory_space<hbm>>
      tpu.enqueue_indirect_dma source(%dma_start3A_409 : memref<50000x32xf32, #tpu.memory_space<hbm>>) target(%arg11 : memref<288x32xf32, #tpu.memory_space<vmem>>) offsets(%arg7 : memref<288xi32, #tpu.memory_space<vmem>>) semaphore(%arg17 : memref<!tpu.dma_semaphore, #tpu.memory_space<semaphore_mem>>)
      %add3A_410 = arith.constant 2 : i32
      %add3A_411 = arith.addi %mul3A_376, %add3A_410 : i32
      %min3A_412 = arith.constant 173 : i32
      %min3A_413 = arith.minsi %add3A_411, %min3A_412 : i32
      %mul3A_414 = arith.constant 50112 : i32
      %mul3A_415 = arith.muli %arg1, %mul3A_414 : i32
      %mul3A_416 = arith.constant 288 : i32
      %mul3A_417 = arith.muli %min3A_413, %mul3A_416 : i32
      %add3A_418 = arith.addi %mul3A_415, %mul3A_417 : i32
      %dma_start3A_419 = tpu.memref_slice %arg3[%add3A_418] : memref<801792xi32, #tpu.memory_space<hbm>> -> memref<288xi32, #tpu.memory_space<hbm>>
      %dma_start3A_420 = tpu.memref_slice %arg3[%add3A_418] : memref<801792xi32, #tpu.memory_space<hbm>> -> memref<288xi32, #tpu.memory_space<hbm>>
      tpu.enqueue_dma source(%dma_start3A_420 : memref<288xi32, #tpu.memory_space<hbm>>) target(%arg6 : memref<288xi32, #tpu.memory_space<vmem>>) target_semaphore(%arg14 : memref<!tpu.dma_semaphore, #tpu.memory_space<semaphore_mem>>)
      %dma_start3A_421 = arith.constant 0 : i32
      %dma_start3A_422 = arith.constant 0 : i32
      %dma_start3A_423 = tpu.memref_slice %arg8[%dma_start3A_421, %dma_start3A_422] : memref<1x288xi32, #tpu.memory_space<vmem>> -> memref<1x288xi32, #tpu.memory_space<vmem>>
      %dma_start3A_424 = tpu.memref_squeeze %dma_start3A_423 : memref<1x288xi32, #tpu.memory_space<vmem>> -> memref<288xi32, #tpu.memory_space<vmem>>
      %dma_start3A_425 = tpu.memref_slice %arg4[%add3A_418] : memref<801792xi32, #tpu.memory_space<hbm>> -> memref<288xi32, #tpu.memory_space<hbm>>
      %dma_start3A_426 = arith.constant 0 : i32
      %dma_start3A_427 = tpu.memref_slice %arg8[%dma_start3A_421, %dma_start3A_426] : memref<1x288xi32, #tpu.memory_space<vmem>> -> memref<1x288xi32, #tpu.memory_space<vmem>>
      %dma_start3A_428 = tpu.memref_squeeze %dma_start3A_427 : memref<1x288xi32, #tpu.memory_space<vmem>> -> memref<288xi32, #tpu.memory_space<vmem>>
      %dma_start3A_429 = tpu.memref_slice %arg4[%add3A_418] : memref<801792xi32, #tpu.memory_space<hbm>> -> memref<288xi32, #tpu.memory_space<hbm>>
      tpu.enqueue_dma source(%dma_start3A_429 : memref<288xi32, #tpu.memory_space<hbm>>) target(%dma_start3A_428 : memref<288xi32, #tpu.memory_space<vmem>>) target_semaphore(%arg14 : memref<!tpu.dma_semaphore, #tpu.memory_space<semaphore_mem>>)
      %dma_wait3A_430 = arith.constant 0 : i32
      %dma_wait3A_431 = arith.constant 0 : i32
      %dma_wait3A_432 = tpu.memref_slice %arg8[%dma_wait3A_430, %dma_wait3A_431] : memref<1x288xi32, #tpu.memory_space<vmem>> -> memref<1x288xi32, #tpu.memory_space<vmem>>
      %dma_wait3A_433 = tpu.memref_squeeze %dma_wait3A_432 : memref<1x288xi32, #tpu.memory_space<vmem>> -> memref<288xi32, #tpu.memory_space<vmem>>
      %dma_wait3A_434 = arith.constant 0 : i32
      %dma_wait3A_435 = arith.constant 0 : i32
      %dma_wait3A_436 = tpu.memref_slice %arg13[%dma_wait3A_434, %dma_wait3A_435] : memref<50008x32xf32, #tpu.memory_space<vmem_shared>> -> memref<50008x32xf32, #tpu.memory_space<vmem_shared>>
      tpu.wait_indirect_dma semaphore(%arg18 : memref<!tpu.dma_semaphore, #tpu.memory_space<semaphore_mem>>) src(%arg10 : memref<288x32xf32, #tpu.memory_space<vmem>>) dst(%dma_wait3A_436 : memref<50008x32xf32, #tpu.memory_space<vmem_shared>>)
      %dma_wait3A_437 = arith.constant 0 : i32
      %dma_wait3A_438 = arith.constant 0 : i32
      %dma_wait3A_439 = tpu.memref_slice %arg2[%arg0, %dma_wait3A_437, %dma_wait3A_438] : memref<2x50000x32xf32, #tpu.memory_space<hbm>> -> memref<1x50000x32xf32, #tpu.memory_space<hbm>>
      %dma_wait3A_440 = tpu.memref_squeeze %dma_wait3A_439 : memref<1x50000x32xf32, #tpu.memory_space<hbm>> -> memref<50000x32xf32, #tpu.memory_space<hbm>>
      %dma_wait3A_441 = arith.constant 0 : i32
      %dma_wait3A_442 = arith.constant 0 : i32
      %dma_wait3A_443 = tpu.memref_slice %dma_wait3A_440[%dma_wait3A_441, %dma_wait3A_442] : memref<50000x32xf32, #tpu.memory_space<hbm>> -> memref<50000x32xf32, #tpu.memory_space<hbm>>
      tpu.wait_indirect_dma semaphore(%arg17 : memref<!tpu.dma_semaphore, #tpu.memory_space<semaphore_mem>>) src(%dma_wait3A_443 : memref<50000x32xf32, #tpu.memory_space<hbm>>) dst(%arg11 : memref<288x32xf32, #tpu.memory_space<vmem>>)
      %mul3A_444 = arith.constant 2 : i32
      %mul3A_445 = arith.muli %mul3A_444, %scan3A_374 : i32
      %add3A_446 = arith.constant 1 : i32
      %add3A_447 = arith.addi %mul3A_445, %add3A_446 : i32
      %dma_start3A_448 = arith.constant 0 : i32
      %dma_start3A_449 = arith.constant 0 : i32
      %dma_start3A_450 = tpu.memref_slice %arg9[%dma_start3A_448, %dma_start3A_449] : memref<1x288xi32, #tpu.memory_space<vmem>> -> memref<1x288xi32, #tpu.memory_space<vmem>>
      %dma_start3A_451 = tpu.memref_squeeze %dma_start3A_450 : memref<1x288xi32, #tpu.memory_space<vmem>> -> memref<288xi32, #tpu.memory_space<vmem>>
      %dma_start3A_452 = arith.constant 0 : i32
      %dma_start3A_453 = arith.constant 0 : i32
      %dma_start3A_454 = tpu.memref_slice %arg13[%dma_start3A_452, %dma_start3A_453] : memref<50008x32xf32, #tpu.memory_space<vmem_shared>> -> memref<50008x32xf32, #tpu.memory_space<vmem_shared>>
      tpu.enqueue_indirect_dma source(%arg11 : memref<288x32xf32, #tpu.memory_space<vmem>>) target(%dma_start3A_454 : memref<50008x32xf32, #tpu.memory_space<vmem_shared>>) offsets(%dma_start3A_451 : memref<288xi32, #tpu.memory_space<vmem>>) semaphore(%arg19 : memref<!tpu.dma_semaphore, #tpu.memory_space<semaphore_mem>>) {add = true}
      %add3A_455 = arith.constant 1 : i32
      %add3A_456 = arith.addi %add3A_447, %add3A_455 : i32
      %min3A_457 = arith.constant 173 : i32
      %min3A_458 = arith.minsi %add3A_456, %min3A_457 : i32
      %mul3A_459 = arith.constant 50112 : i32
      %mul3A_460 = arith.muli %arg1, %mul3A_459 : i32
      %mul3A_461 = arith.constant 288 : i32
      %mul3A_462 = arith.muli %min3A_458, %mul3A_461 : i32
      %add3A_463 = arith.addi %mul3A_460, %mul3A_462 : i32
      %dma_wait3A_464 = tpu.memref_slice %arg3[%add3A_463] : memref<801792xi32, #tpu.memory_space<hbm>> -> memref<288xi32, #tpu.memory_space<hbm>>
      %dma_wait3A_465 = tpu.memref_slice %arg3[%add3A_463] : memref<801792xi32, #tpu.memory_space<hbm>> -> memref<288xi32, #tpu.memory_space<hbm>>
      tpu.wait_dma2 semaphore(%arg14 : memref<!tpu.dma_semaphore, #tpu.memory_space<semaphore_mem>>) src(%dma_wait3A_465 : memref<288xi32, #tpu.memory_space<hbm>>) dst(%arg6 : memref<288xi32, #tpu.memory_space<vmem>>)
      %dma_wait3A_466 = arith.constant 0 : i32
      %dma_wait3A_467 = arith.constant 0 : i32
      %dma_wait3A_468 = tpu.memref_slice %arg8[%dma_wait3A_466, %dma_wait3A_467] : memref<1x288xi32, #tpu.memory_space<vmem>> -> memref<1x288xi32, #tpu.memory_space<vmem>>
      %dma_wait3A_469 = tpu.memref_squeeze %dma_wait3A_468 : memref<1x288xi32, #tpu.memory_space<vmem>> -> memref<288xi32, #tpu.memory_space<vmem>>
      %dma_wait3A_470 = tpu.memref_slice %arg4[%add3A_463] : memref<801792xi32, #tpu.memory_space<hbm>> -> memref<288xi32, #tpu.memory_space<hbm>>
      %dma_wait3A_471 = arith.constant 0 : i32
      %dma_wait3A_472 = tpu.memref_slice %arg8[%dma_wait3A_466, %dma_wait3A_471] : memref<1x288xi32, #tpu.memory_space<vmem>> -> memref<1x288xi32, #tpu.memory_space<vmem>>
      %dma_wait3A_473 = tpu.memref_squeeze %dma_wait3A_472 : memref<1x288xi32, #tpu.memory_space<vmem>> -> memref<288xi32, #tpu.memory_space<vmem>>
      %dma_wait3A_474 = tpu.memref_slice %arg4[%add3A_463] : memref<801792xi32, #tpu.memory_space<hbm>> -> memref<288xi32, #tpu.memory_space<hbm>>
      tpu.wait_dma2 semaphore(%arg14 : memref<!tpu.dma_semaphore, #tpu.memory_space<semaphore_mem>>) src(%dma_wait3A_474 : memref<288xi32, #tpu.memory_space<hbm>>) dst(%dma_wait3A_473 : memref<288xi32, #tpu.memory_space<vmem>>)
      %dma_start3A_475 = arith.constant 0 : i32
      %dma_start3A_476 = arith.constant 0 : i32
      %dma_start3A_477 = tpu.memref_slice %arg2[%arg0, %dma_start3A_475, %dma_start3A_476] : memref<2x50000x32xf32, #tpu.memory_space<hbm>> -> memref<1x50000x32xf32, #tpu.memory_space<hbm>>
      %dma_start3A_478 = tpu.memref_squeeze %dma_start3A_477 : memref<1x50000x32xf32, #tpu.memory_space<hbm>> -> memref<50000x32xf32, #tpu.memory_space<hbm>>
      %dma_start3A_479 = arith.constant 0 : i32
      %dma_start3A_480 = arith.constant 0 : i32
      %dma_start3A_481 = tpu.memref_slice %dma_start3A_478[%dma_start3A_479, %dma_start3A_480] : memref<50000x32xf32, #tpu.memory_space<hbm>> -> memref<50000x32xf32, #tpu.memory_space<hbm>>
      tpu.enqueue_indirect_dma source(%dma_start3A_481 : memref<50000x32xf32, #tpu.memory_space<hbm>>) target(%arg10 : memref<288x32xf32, #tpu.memory_space<vmem>>) offsets(%arg6 : memref<288xi32, #tpu.memory_space<vmem>>) semaphore(%arg16 : memref<!tpu.dma_semaphore, #tpu.memory_space<semaphore_mem>>)
      %add3A_482 = arith.constant 2 : i32
      %add3A_483 = arith.addi %add3A_447, %add3A_482 : i32
      %min3A_484 = arith.constant 173 : i32
      %min3A_485 = arith.minsi %add3A_483, %min3A_484 : i32
      %mul3A_486 = arith.constant 50112 : i32
      %mul3A_487 = arith.muli %arg1, %mul3A_486 : i32
      %mul3A_488 = arith.constant 288 : i32
      %mul3A_489 = arith.muli %min3A_485, %mul3A_488 : i32
      %add3A_490 = arith.addi %mul3A_487, %mul3A_489 : i32
      %dma_start3A_491 = tpu.memref_slice %arg3[%add3A_490] : memref<801792xi32, #tpu.memory_space<hbm>> -> memref<288xi32, #tpu.memory_space<hbm>>
      %dma_start3A_492 = tpu.memref_slice %arg3[%add3A_490] : memref<801792xi32, #tpu.memory_space<hbm>> -> memref<288xi32, #tpu.memory_space<hbm>>
      tpu.enqueue_dma source(%dma_start3A_492 : memref<288xi32, #tpu.memory_space<hbm>>) target(%arg7 : memref<288xi32, #tpu.memory_space<vmem>>) target_semaphore(%arg15 : memref<!tpu.dma_semaphore, #tpu.memory_space<semaphore_mem>>)
      %dma_start3A_493 = arith.constant 0 : i32
      %dma_start3A_494 = arith.constant 0 : i32
      %dma_start3A_495 = tpu.memref_slice %arg9[%dma_start3A_493, %dma_start3A_494] : memref<1x288xi32, #tpu.memory_space<vmem>> -> memref<1x288xi32, #tpu.memory_space<vmem>>
      %dma_start3A_496 = tpu.memref_squeeze %dma_start3A_495 : memref<1x288xi32, #tpu.memory_space<vmem>> -> memref<288xi32, #tpu.memory_space<vmem>>
      %dma_start3A_497 = tpu.memref_slice %arg4[%add3A_490] : memref<801792xi32, #tpu.memory_space<hbm>> -> memref<288xi32, #tpu.memory_space<hbm>>
      %dma_start3A_498 = arith.constant 0 : i32
      %dma_start3A_499 = tpu.memref_slice %arg9[%dma_start3A_493, %dma_start3A_498] : memref<1x288xi32, #tpu.memory_space<vmem>> -> memref<1x288xi32, #tpu.memory_space<vmem>>
      %dma_start3A_500 = tpu.memref_squeeze %dma_start3A_499 : memref<1x288xi32, #tpu.memory_space<vmem>> -> memref<288xi32, #tpu.memory_space<vmem>>
      %dma_start3A_501 = tpu.memref_slice %arg4[%add3A_490] : memref<801792xi32, #tpu.memory_space<hbm>> -> memref<288xi32, #tpu.memory_space<hbm>>
      tpu.enqueue_dma source(%dma_start3A_501 : memref<288xi32, #tpu.memory_space<hbm>>) target(%dma_start3A_500 : memref<288xi32, #tpu.memory_space<vmem>>) target_semaphore(%arg15 : memref<!tpu.dma_semaphore, #tpu.memory_space<semaphore_mem>>)
      %dma_wait3A_502 = arith.constant 0 : i32
      %dma_wait3A_503 = arith.constant 0 : i32
      %dma_wait3A_504 = tpu.memref_slice %arg9[%dma_wait3A_502, %dma_wait3A_503] : memref<1x288xi32, #tpu.memory_space<vmem>> -> memref<1x288xi32, #tpu.memory_space<vmem>>
      %dma_wait3A_505 = tpu.memref_squeeze %dma_wait3A_504 : memref<1x288xi32, #tpu.memory_space<vmem>> -> memref<288xi32, #tpu.memory_space<vmem>>
      %dma_wait3A_506 = arith.constant 0 : i32
      %dma_wait3A_507 = arith.constant 0 : i32
      %dma_wait3A_508 = tpu.memref_slice %arg13[%dma_wait3A_506, %dma_wait3A_507] : memref<50008x32xf32, #tpu.memory_space<vmem_shared>> -> memref<50008x32xf32, #tpu.memory_space<vmem_shared>>
      tpu.wait_indirect_dma semaphore(%arg19 : memref<!tpu.dma_semaphore, #tpu.memory_space<semaphore_mem>>) src(%arg11 : memref<288x32xf32, #tpu.memory_space<vmem>>) dst(%dma_wait3A_508 : memref<50008x32xf32, #tpu.memory_space<vmem_shared>>)
      %dma_wait3A_509 = arith.constant 0 : i32
      %dma_wait3A_510 = arith.constant 0 : i32
      %dma_wait3A_511 = tpu.memref_slice %arg2[%arg0, %dma_wait3A_509, %dma_wait3A_510] : memref<2x50000x32xf32, #tpu.memory_space<hbm>> -> memref<1x50000x32xf32, #tpu.memory_space<hbm>>
      %dma_wait3A_512 = tpu.memref_squeeze %dma_wait3A_511 : memref<1x50000x32xf32, #tpu.memory_space<hbm>> -> memref<50000x32xf32, #tpu.memory_space<hbm>>
      %dma_wait3A_513 = arith.constant 0 : i32
      %dma_wait3A_514 = arith.constant 0 : i32
      %dma_wait3A_515 = tpu.memref_slice %dma_wait3A_512[%dma_wait3A_513, %dma_wait3A_514] : memref<50000x32xf32, #tpu.memory_space<hbm>> -> memref<50000x32xf32, #tpu.memory_space<hbm>>
      tpu.wait_indirect_dma semaphore(%arg16 : memref<!tpu.dma_semaphore, #tpu.memory_space<semaphore_mem>>) src(%dma_wait3A_515 : memref<50000x32xf32, #tpu.memory_space<hbm>>) dst(%arg10 : memref<288x32xf32, #tpu.memory_space<vmem>>)
    }
    %scan3A_365 = arith.constant 87 : i32
    %barrier3A_366 = arith.constant 0 : index
    tpu.barrier barrier_id(%barrier3A_366)
    %mul3A_367 = arith.constant 3125 : i32
    %mul3A_368 = arith.muli %arg1, %mul3A_367 : i32
    %mul3A_369 = arith.constant 50000 : i32
    %mul3A_370 = arith.muli %arg0, %mul3A_369 : i32
    %mul3A_371 = arith.constant 3125 : i32
    %mul3A_372 = arith.muli %arg1, %mul3A_371 : i32
    %add3A_373 = arith.addi %mul3A_370, %mul3A_372 : i32
    "tpu.region"() ({
      %run_scoped3A = tpu.sem_alloc : memref<!tpu.dma_semaphore, #tpu.memory_space<semaphore_mem>>
      %dma_start3A_374 = arith.constant 0 : i32
      %dma_start3A_375 = tpu.memref_slice %arg5[%add3A_373, %dma_start3A_374] : memref<100000x32xf32, #tpu.memory_space<hbm>> -> memref<3125x32xf32, #tpu.memory_space<hbm>>
      %dma_start3A_376 = arith.constant 0 : i32
      %dma_start3A_377 = tpu.memref_slice %arg13[%mul3A_368, %dma_start3A_376] : memref<50008x32xf32, #tpu.memory_space<vmem_shared>> -> memref<3125x32xf32, #tpu.memory_space<vmem_shared>>
      tpu.enqueue_dma source(%dma_start3A_377 : memref<3125x32xf32, #tpu.memory_space<vmem_shared>>) target(%dma_start3A_375 : memref<3125x32xf32, #tpu.memory_space<hbm>>) target_semaphore(%run_scoped3A : memref<!tpu.dma_semaphore, #tpu.memory_space<semaphore_mem>>)
      %dma_wait3A_378 = arith.constant 0 : i32
      %dma_wait3A_379 = tpu.memref_slice %arg5[%add3A_373, %dma_wait3A_378] : memref<100000x32xf32, #tpu.memory_space<hbm>> -> memref<3125x32xf32, #tpu.memory_space<hbm>>
      %dma_wait3A_380 = arith.constant 0 : i32
      %dma_wait3A_381 = tpu.memref_slice %arg13[%mul3A_368, %dma_wait3A_380] : memref<50008x32xf32, #tpu.memory_space<vmem_shared>> -> memref<3125x32xf32, #tpu.memory_space<vmem_shared>>
      tpu.wait_dma2 semaphore(%run_scoped3A : memref<!tpu.dma_semaphore, #tpu.memory_space<semaphore_mem>>) src(%dma_wait3A_381 : memref<3125x32xf32, #tpu.memory_space<vmem_shared>>) dst(%dma_wait3A_379 : memref<3125x32xf32, #tpu.memory_space<hbm>>)
      tpu.yield
    }) : () -> ()
    return
  }
}

#map = affine_map<(d0, d1) -> (0, 0, 0)>
#map1 = affine_map<(d0, d1) -> (0)>
#map2 = affine_map<(d0, d1) -> (0, 0)>
module attributes {stable_mosaic.version = 14 : i64} {
  func.func @segsum(%arg0: i32, %arg1: i32, %arg2: memref<2x50000x32xf32, #tpu.memory_space<hbm>>, %arg3: memref<801792xi32, #tpu.memory_space<hbm>>, %arg4: memref<801792xi32, #tpu.memory_space<hbm>>, %arg5: memref<100000x32xf32, #tpu.memory_space<hbm>>, %arg6: memref<288xi32, #tpu.memory_space<vmem>>, %arg7: memref<288xi32, #tpu.memory_space<vmem>>, %arg8: memref<1x288xi32, #tpu.memory_space<vmem>>, %arg9: memref<1x288xi32, #tpu.memory_space<vmem>>, %arg10: memref<288x32xf32, #tpu.memory_space<vmem>>, %arg11: memref<288x32xf32, #tpu.memory_space<vmem>>, %arg12: memref<125x32xf32, #tpu.memory_space<vmem>>, %arg13: memref<50008x32xf32, #tpu.memory_space<vmem_shared>>, %arg14: memref<!tpu.dma_semaphore, #tpu.memory_space<semaphore_mem>>, %arg15: memref<!tpu.dma_semaphore, #tpu.memory_space<semaphore_mem>>, %arg16: memref<!tpu.dma_semaphore, #tpu.memory_space<semaphore_mem>>, %arg17: memref<!tpu.dma_semaphore, #tpu.memory_space<semaphore_mem>>, %arg18: memref<!tpu.dma_semaphore, #tpu.memory_space<semaphore_mem>>, %arg19: memref<!tpu.dma_semaphore, #tpu.memory_space<semaphore_mem>>, %arg20: memref<!tpu.dma_semaphore, #tpu.memory_space<semaphore_mem>>) attributes {dimension_semantics = [#tpu.dimension_semantics<core_parallel>, #tpu.dimension_semantics<subcore_parallel>], iteration_bounds = array<i64: 2, 16>, scalar_prefetch = 0 : i64, scratch_operands = 15 : i64, tpu.core_type = #tpu.core_type<sc_vector_subcore>, window_params = [{transform_indices = #map}, {transform_indices = #map1}, {transform_indices = #map1}, {transform_indices = #map2}]} {
    %scan3A = arith.constant 0 : i32
    %scan3A_0 = arith.constant 0 : i32
    %scan3A_1 = arith.constant 125 : i32
    %scan3A_2 = arith.addi %scan3A_0, %scan3A_1 : i32
    %scan3A_3 = arith.constant 1 : i32
    scf.for %scan3A_374 = %scan3A_0 to %scan3A_2 step %scan3A_3  : i32 {
      %broadcast_in_dim3A = arith.constant 0.000000e+00 : f32
      %broadcast_in_dim3A_375 = vector.broadcast %broadcast_in_dim3A : f32 to vector<16xf32>
      %swap3A = arith.index_cast %scan3A_374 : i32 to index
      %swap3A_376 = arith.constant 0 : index
      %swap3A_377 = tpu.vector_load %arg12[%swap3A, %swap3A_376] {strides = array<i32>} : memref<125x32xf32, #tpu.memory_space<vmem>>, vector<1x16xf32>,
      %swap3A_378 = vector.shape_cast %swap3A_377 : vector<1x16xf32> to vector<16xf32>
      %swap3A_379 = vector.shape_cast %broadcast_in_dim3A_375 : vector<16xf32> to vector<1x16xf32>
      tpu.vector_store %arg12[%swap3A, %swap3A_376], %swap3A_379 {strides = array<i32>} : memref<125x32xf32, #tpu.memory_space<vmem>>, vector<1x16xf32>,
      %broadcast_in_dim3A_380 = arith.constant 0.000000e+00 : f32
      %broadcast_in_dim3A_381 = vector.broadcast %broadcast_in_dim3A_380 : f32 to vector<16xf32>
      %swap3A_382 = arith.index_cast %scan3A_374 : i32 to index
      %swap3A_383 = arith.constant 16 : index
      %swap3A_384 = tpu.vector_load %arg12[%swap3A_382, %swap3A_383] {strides = array<i32>} : memref<125x32xf32, #tpu.memory_space<vmem>>, vector<1x16xf32>,
      %swap3A_385 = vector.shape_cast %swap3A_384 : vector<1x16xf32> to vector<16xf32>
      %swap3A_386 = vector.shape_cast %broadcast_in_dim3A_381 : vector<16xf32> to vector<1x16xf32>
      tpu.vector_store %arg12[%swap3A_382, %swap3A_383], %swap3A_386 {strides = array<i32>} : memref<125x32xf32, #tpu.memory_space<vmem>>, vector<1x16xf32>,
    }
    %scan3A_4 = arith.constant 125 : i32
    %mul3A = arith.constant 3125 : i32
    %mul3A_5 = arith.muli %arg1, %mul3A : i32
    %add3A = arith.constant 0 : i32
    %add3A_6 = arith.addi %mul3A_5, %add3A : i32
    %dma_start3A = arith.constant 0 : i32
    %dma_start3A_7 = tpu.memref_slice %arg13[%add3A_6, %dma_start3A] : memref<50008x32xf32, #tpu.memory_space<vmem_shared>> -> memref<125x32xf32, #tpu.memory_space<vmem_shared>>
    %dma_start3A_8 = arith.constant 0 : i32
    %dma_start3A_9 = tpu.memref_slice %arg13[%add3A_6, %dma_start3A_8] : memref<50008x32xf32, #tpu.memory_space<vmem_shared>> -> memref<125x32xf32, #tpu.memory_space<vmem_shared>>
    tpu.enqueue_dma source(%arg12 : memref<125x32xf32, #tpu.memory_space<vmem>>) target(%dma_start3A_9 : memref<125x32xf32, #tpu.memory_space<vmem_shared>>) target_semaphore(%arg20 : memref<!tpu.dma_semaphore, #tpu.memory_space<semaphore_mem>>)
    %mul3A_10 = arith.constant 3125 : i32
    %mul3A_11 = arith.muli %arg1, %mul3A_10 : i32
    %add3A_12 = arith.constant 125 : i32
    %add3A_13 = arith.addi %mul3A_11, %add3A_12 : i32
    %dma_start3A_14 = arith.constant 0 : i32
    %dma_start3A_15 = tpu.memref_slice %arg13[%add3A_13, %dma_start3A_14] : memref<50008x32xf32, #tpu.memory_space<vmem_shared>> -> memref<125x32xf32, #tpu.memory_space<vmem_shared>>
    %dma_start3A_16 = arith.constant 0 : i32
    %dma_start3A_17 = tpu.memref_slice %arg13[%add3A_13, %dma_start3A_16] : memref<50008x32xf32, #tpu.memory_space<vmem_shared>> -> memref<125x32xf32, #tpu.memory_space<vmem_shared>>
    tpu.enqueue_dma source(%arg12 : memref<125x32xf32, #tpu.memory_space<vmem>>) target(%dma_start3A_17 : memref<125x32xf32, #tpu.memory_space<vmem_shared>>) target_semaphore(%arg20 : memref<!tpu.dma_semaphore, #tpu.memory_space<semaphore_mem>>)
    %mul3A_18 = arith.constant 3125 : i32
    %mul3A_19 = arith.muli %arg1, %mul3A_18 : i32
    %add3A_20 = arith.constant 250 : i32
    %add3A_21 = arith.addi %mul3A_19, %add3A_20 : i32
    %dma_start3A_22 = arith.constant 0 : i32
    %dma_start3A_23 = tpu.memref_slice %arg13[%add3A_21, %dma_start3A_22] : memref<50008x32xf32, #tpu.memory_space<vmem_shared>> -> memref<125x32xf32, #tpu.memory_space<vmem_shared>>
    %dma_start3A_24 = arith.constant 0 : i32
    %dma_start3A_25 = tpu.memref_slice %arg13[%add3A_21, %dma_start3A_24] : memref<50008x32xf32, #tpu.memory_space<vmem_shared>> -> memref<125x32xf32, #tpu.memory_space<vmem_shared>>
    tpu.enqueue_dma source(%arg12 : memref<125x32xf32, #tpu.memory_space<vmem>>) target(%dma_start3A_25 : memref<125x32xf32, #tpu.memory_space<vmem_shared>>) target_semaphore(%arg20 : memref<!tpu.dma_semaphore, #tpu.memory_space<semaphore_mem>>)
    %mul3A_26 = arith.constant 3125 : i32
    %mul3A_27 = arith.muli %arg1, %mul3A_26 : i32
    %add3A_28 = arith.constant 375 : i32
    %add3A_29 = arith.addi %mul3A_27, %add3A_28 : i32
    %dma_start3A_30 = arith.constant 0 : i32
    %dma_start3A_31 = tpu.memref_slice %arg13[%add3A_29, %dma_start3A_30] : memref<50008x32xf32, #tpu.memory_space<vmem_shared>> -> memref<125x32xf32, #tpu.memory_space<vmem_shared>>
    %dma_start3A_32 = arith.constant 0 : i32
    %dma_start3A_33 = tpu.memref_slice %arg13[%add3A_29, %dma_start3A_32] : memref<50008x32xf32, #tpu.memory_space<vmem_shared>> -> memref<125x32xf32, #tpu.memory_space<vmem_shared>>
    tpu.enqueue_dma source(%arg12 : memref<125x32xf32, #tpu.memory_space<vmem>>) target(%dma_start3A_33 : memref<125x32xf32, #tpu.memory_space<vmem_shared>>) target_semaphore(%arg20 : memref<!tpu.dma_semaphore, #tpu.memory_space<semaphore_mem>>)
    %mul3A_34 = arith.constant 3125 : i32
    %mul3A_35 = arith.muli %arg1, %mul3A_34 : i32
    %add3A_36 = arith.constant 500 : i32
    %add3A_37 = arith.addi %mul3A_35, %add3A_36 : i32
    %dma_start3A_38 = arith.constant 0 : i32
    %dma_start3A_39 = tpu.memref_slice %arg13[%add3A_37, %dma_start3A_38] : memref<50008x32xf32, #tpu.memory_space<vmem_shared>> -> memref<125x32xf32, #tpu.memory_space<vmem_shared>>
    %dma_start3A_40 = arith.constant 0 : i32
    %dma_start3A_41 = tpu.memref_slice %arg13[%add3A_37, %dma_start3A_40] : memref<50008x32xf32, #tpu.memory_space<vmem_shared>> -> memref<125x32xf32, #tpu.memory_space<vmem_shared>>
    tpu.enqueue_dma source(%arg12 : memref<125x32xf32, #tpu.memory_space<vmem>>) target(%dma_start3A_41 : memref<125x32xf32, #tpu.memory_space<vmem_shared>>) target_semaphore(%arg20 : memref<!tpu.dma_semaphore, #tpu.memory_space<semaphore_mem>>)
    %mul3A_42 = arith.constant 3125 : i32
    %mul3A_43 = arith.muli %arg1, %mul3A_42 : i32
    %add3A_44 = arith.constant 625 : i32
    %add3A_45 = arith.addi %mul3A_43, %add3A_44 : i32
    %dma_start3A_46 = arith.constant 0 : i32
    %dma_start3A_47 = tpu.memref_slice %arg13[%add3A_45, %dma_start3A_46] : memref<50008x32xf32, #tpu.memory_space<vmem_shared>> -> memref<125x32xf32, #tpu.memory_space<vmem_shared>>
    %dma_start3A_48 = arith.constant 0 : i32
    %dma_start3A_49 = tpu.memref_slice %arg13[%add3A_45, %dma_start3A_48] : memref<50008x32xf32, #tpu.memory_space<vmem_shared>> -> memref<125x32xf32, #tpu.memory_space<vmem_shared>>
    tpu.enqueue_dma source(%arg12 : memref<125x32xf32, #tpu.memory_space<vmem>>) target(%dma_start3A_49 : memref<125x32xf32, #tpu.memory_space<vmem_shared>>) target_semaphore(%arg20 : memref<!tpu.dma_semaphore, #tpu.memory_space<semaphore_mem>>)
    %mul3A_50 = arith.constant 3125 : i32
    %mul3A_51 = arith.muli %arg1, %mul3A_50 : i32
    %add3A_52 = arith.constant 750 : i32
    %add3A_53 = arith.addi %mul3A_51, %add3A_52 : i32
    %dma_start3A_54 = arith.constant 0 : i32
    %dma_start3A_55 = tpu.memref_slice %arg13[%add3A_53, %dma_start3A_54] : memref<50008x32xf32, #tpu.memory_space<vmem_shared>> -> memref<125x32xf32, #tpu.memory_space<vmem_shared>>
    %dma_start3A_56 = arith.constant 0 : i32
    %dma_start3A_57 = tpu.memref_slice %arg13[%add3A_53, %dma_start3A_56] : memref<50008x32xf32, #tpu.memory_space<vmem_shared>> -> memref<125x32xf32, #tpu.memory_space<vmem_shared>>
    tpu.enqueue_dma source(%arg12 : memref<125x32xf32, #tpu.memory_space<vmem>>) target(%dma_start3A_57 : memref<125x32xf32, #tpu.memory_space<vmem_shared>>) target_semaphore(%arg20 : memref<!tpu.dma_semaphore, #tpu.memory_space<semaphore_mem>>)
    %mul3A_58 = arith.constant 3125 : i32
    %mul3A_59 = arith.muli %arg1, %mul3A_58 : i32
    %add3A_60 = arith.constant 875 : i32
    %add3A_61 = arith.addi %mul3A_59, %add3A_60 : i32
    %dma_start3A_62 = arith.constant 0 : i32
    %dma_start3A_63 = tpu.memref_slice %arg13[%add3A_61, %dma_start3A_62] : memref<50008x32xf32, #tpu.memory_space<vmem_shared>> -> memref<125x32xf32, #tpu.memory_space<vmem_shared>>
    %dma_start3A_64 = arith.constant 0 : i32
    %dma_start3A_65 = tpu.memref_slice %arg13[%add3A_61, %dma_start3A_64] : memref<50008x32xf32, #tpu.memory_space<vmem_shared>> -> memref<125x32xf32, #tpu.memory_space<vmem_shared>>
    tpu.enqueue_dma source(%arg12 : memref<125x32xf32, #tpu.memory_space<vmem>>) target(%dma_start3A_65 : memref<125x32xf32, #tpu.memory_space<vmem_shared>>) target_semaphore(%arg20 : memref<!tpu.dma_semaphore, #tpu.memory_space<semaphore_mem>>)
    %mul3A_66 = arith.constant 3125 : i32
    %mul3A_67 = arith.muli %arg1, %mul3A_66 : i32
    %add3A_68 = arith.constant 1000 : i32
    %add3A_69 = arith.addi %mul3A_67, %add3A_68 : i32
    %dma_start3A_70 = arith.constant 0 : i32
    %dma_start3A_71 = tpu.memref_slice %arg13[%add3A_69, %dma_start3A_70] : memref<50008x32xf32, #tpu.memory_space<vmem_shared>> -> memref<125x32xf32, #tpu.memory_space<vmem_shared>>
    %dma_start3A_72 = arith.constant 0 : i32
    %dma_start3A_73 = tpu.memref_slice %arg13[%add3A_69, %dma_start3A_72] : memref<50008x32xf32, #tpu.memory_space<vmem_shared>> -> memref<125x32xf32, #tpu.memory_space<vmem_shared>>
    tpu.enqueue_dma source(%arg12 : memref<125x32xf32, #tpu.memory_space<vmem>>) target(%dma_start3A_73 : memref<125x32xf32, #tpu.memory_space<vmem_shared>>) target_semaphore(%arg20 : memref<!tpu.dma_semaphore, #tpu.memory_space<semaphore_mem>>)
    %mul3A_74 = arith.constant 3125 : i32
    %mul3A_75 = arith.muli %arg1, %mul3A_74 : i32
    %add3A_76 = arith.constant 1125 : i32
    %add3A_77 = arith.addi %mul3A_75, %add3A_76 : i32
    %dma_start3A_78 = arith.constant 0 : i32
    %dma_start3A_79 = tpu.memref_slice %arg13[%add3A_77, %dma_start3A_78] : memref<50008x32xf32, #tpu.memory_space<vmem_shared>> -> memref<125x32xf32, #tpu.memory_space<vmem_shared>>
    %dma_start3A_80 = arith.constant 0 : i32
    %dma_start3A_81 = tpu.memref_slice %arg13[%add3A_77, %dma_start3A_80] : memref<50008x32xf32, #tpu.memory_space<vmem_shared>> -> memref<125x32xf32, #tpu.memory_space<vmem_shared>>
    tpu.enqueue_dma source(%arg12 : memref<125x32xf32, #tpu.memory_space<vmem>>) target(%dma_start3A_81 : memref<125x32xf32, #tpu.memory_space<vmem_shared>>) target_semaphore(%arg20 : memref<!tpu.dma_semaphore, #tpu.memory_space<semaphore_mem>>)
    %mul3A_82 = arith.constant 3125 : i32
    %mul3A_83 = arith.muli %arg1, %mul3A_82 : i32
    %add3A_84 = arith.constant 1250 : i32
    %add3A_85 = arith.addi %mul3A_83, %add3A_84 : i32
    %dma_start3A_86 = arith.constant 0 : i32
    %dma_start3A_87 = tpu.memref_slice %arg13[%add3A_85, %dma_start3A_86] : memref<50008x32xf32, #tpu.memory_space<vmem_shared>> -> memref<125x32xf32, #tpu.memory_space<vmem_shared>>
    %dma_start3A_88 = arith.constant 0 : i32
    %dma_start3A_89 = tpu.memref_slice %arg13[%add3A_85, %dma_start3A_88] : memref<50008x32xf32, #tpu.memory_space<vmem_shared>> -> memref<125x32xf32, #tpu.memory_space<vmem_shared>>
    tpu.enqueue_dma source(%arg12 : memref<125x32xf32, #tpu.memory_space<vmem>>) target(%dma_start3A_89 : memref<125x32xf32, #tpu.memory_space<vmem_shared>>) target_semaphore(%arg20 : memref<!tpu.dma_semaphore, #tpu.memory_space<semaphore_mem>>)
    %mul3A_90 = arith.constant 3125 : i32
    %mul3A_91 = arith.muli %arg1, %mul3A_90 : i32
    %add3A_92 = arith.constant 1375 : i32
    %add3A_93 = arith.addi %mul3A_91, %add3A_92 : i32
    %dma_start3A_94 = arith.constant 0 : i32
    %dma_start3A_95 = tpu.memref_slice %arg13[%add3A_93, %dma_start3A_94] : memref<50008x32xf32, #tpu.memory_space<vmem_shared>> -> memref<125x32xf32, #tpu.memory_space<vmem_shared>>
    %dma_start3A_96 = arith.constant 0 : i32
    %dma_start3A_97 = tpu.memref_slice %arg13[%add3A_93, %dma_start3A_96] : memref<50008x32xf32, #tpu.memory_space<vmem_shared>> -> memref<125x32xf32, #tpu.memory_space<vmem_shared>>
    tpu.enqueue_dma source(%arg12 : memref<125x32xf32, #tpu.memory_space<vmem>>) target(%dma_start3A_97 : memref<125x32xf32, #tpu.memory_space<vmem_shared>>) target_semaphore(%arg20 : memref<!tpu.dma_semaphore, #tpu.memory_space<semaphore_mem>>)
    %mul3A_98 = arith.constant 3125 : i32
    %mul3A_99 = arith.muli %arg1, %mul3A_98 : i32
    %add3A_100 = arith.constant 1500 : i32
    %add3A_101 = arith.addi %mul3A_99, %add3A_100 : i32
    %dma_start3A_102 = arith.constant 0 : i32
    %dma_start3A_103 = tpu.memref_slice %arg13[%add3A_101, %dma_start3A_102] : memref<50008x32xf32, #tpu.memory_space<vmem_shared>> -> memref<125x32xf32, #tpu.memory_space<vmem_shared>>
    %dma_start3A_104 = arith.constant 0 : i32
    %dma_start3A_105 = tpu.memref_slice %arg13[%add3A_101, %dma_start3A_104] : memref<50008x32xf32, #tpu.memory_space<vmem_shared>> -> memref<125x32xf32, #tpu.memory_space<vmem_shared>>
    tpu.enqueue_dma source(%arg12 : memref<125x32xf32, #tpu.memory_space<vmem>>) target(%dma_start3A_105 : memref<125x32xf32, #tpu.memory_space<vmem_shared>>) target_semaphore(%arg20 : memref<!tpu.dma_semaphore, #tpu.memory_space<semaphore_mem>>)
    %mul3A_106 = arith.constant 3125 : i32
    %mul3A_107 = arith.muli %arg1, %mul3A_106 : i32
    %add3A_108 = arith.constant 1625 : i32
    %add3A_109 = arith.addi %mul3A_107, %add3A_108 : i32
    %dma_start3A_110 = arith.constant 0 : i32
    %dma_start3A_111 = tpu.memref_slice %arg13[%add3A_109, %dma_start3A_110] : memref<50008x32xf32, #tpu.memory_space<vmem_shared>> -> memref<125x32xf32, #tpu.memory_space<vmem_shared>>
    %dma_start3A_112 = arith.constant 0 : i32
    %dma_start3A_113 = tpu.memref_slice %arg13[%add3A_109, %dma_start3A_112] : memref<50008x32xf32, #tpu.memory_space<vmem_shared>> -> memref<125x32xf32, #tpu.memory_space<vmem_shared>>
    tpu.enqueue_dma source(%arg12 : memref<125x32xf32, #tpu.memory_space<vmem>>) target(%dma_start3A_113 : memref<125x32xf32, #tpu.memory_space<vmem_shared>>) target_semaphore(%arg20 : memref<!tpu.dma_semaphore, #tpu.memory_space<semaphore_mem>>)
    %mul3A_114 = arith.constant 3125 : i32
    %mul3A_115 = arith.muli %arg1, %mul3A_114 : i32
    %add3A_116 = arith.constant 1750 : i32
    %add3A_117 = arith.addi %mul3A_115, %add3A_116 : i32
    %dma_start3A_118 = arith.constant 0 : i32
    %dma_start3A_119 = tpu.memref_slice %arg13[%add3A_117, %dma_start3A_118] : memref<50008x32xf32, #tpu.memory_space<vmem_shared>> -> memref<125x32xf32, #tpu.memory_space<vmem_shared>>
    %dma_start3A_120 = arith.constant 0 : i32
    %dma_start3A_121 = tpu.memref_slice %arg13[%add3A_117, %dma_start3A_120] : memref<50008x32xf32, #tpu.memory_space<vmem_shared>> -> memref<125x32xf32, #tpu.memory_space<vmem_shared>>
    tpu.enqueue_dma source(%arg12 : memref<125x32xf32, #tpu.memory_space<vmem>>) target(%dma_start3A_121 : memref<125x32xf32, #tpu.memory_space<vmem_shared>>) target_semaphore(%arg20 : memref<!tpu.dma_semaphore, #tpu.memory_space<semaphore_mem>>)
    %mul3A_122 = arith.constant 3125 : i32
    %mul3A_123 = arith.muli %arg1, %mul3A_122 : i32
    %add3A_124 = arith.constant 1875 : i32
    %add3A_125 = arith.addi %mul3A_123, %add3A_124 : i32
    %dma_start3A_126 = arith.constant 0 : i32
    %dma_start3A_127 = tpu.memref_slice %arg13[%add3A_125, %dma_start3A_126] : memref<50008x32xf32, #tpu.memory_space<vmem_shared>> -> memref<125x32xf32, #tpu.memory_space<vmem_shared>>
    %dma_start3A_128 = arith.constant 0 : i32
    %dma_start3A_129 = tpu.memref_slice %arg13[%add3A_125, %dma_start3A_128] : memref<50008x32xf32, #tpu.memory_space<vmem_shared>> -> memref<125x32xf32, #tpu.memory_space<vmem_shared>>
    tpu.enqueue_dma source(%arg12 : memref<125x32xf32, #tpu.memory_space<vmem>>) target(%dma_start3A_129 : memref<125x32xf32, #tpu.memory_space<vmem_shared>>) target_semaphore(%arg20 : memref<!tpu.dma_semaphore, #tpu.memory_space<semaphore_mem>>)
    %mul3A_130 = arith.constant 3125 : i32
    %mul3A_131 = arith.muli %arg1, %mul3A_130 : i32
    %add3A_132 = arith.constant 2000 : i32
    %add3A_133 = arith.addi %mul3A_131, %add3A_132 : i32
    %dma_start3A_134 = arith.constant 0 : i32
    %dma_start3A_135 = tpu.memref_slice %arg13[%add3A_133, %dma_start3A_134] : memref<50008x32xf32, #tpu.memory_space<vmem_shared>> -> memref<125x32xf32, #tpu.memory_space<vmem_shared>>
    %dma_start3A_136 = arith.constant 0 : i32
    %dma_start3A_137 = tpu.memref_slice %arg13[%add3A_133, %dma_start3A_136] : memref<50008x32xf32, #tpu.memory_space<vmem_shared>> -> memref<125x32xf32, #tpu.memory_space<vmem_shared>>
    tpu.enqueue_dma source(%arg12 : memref<125x32xf32, #tpu.memory_space<vmem>>) target(%dma_start3A_137 : memref<125x32xf32, #tpu.memory_space<vmem_shared>>) target_semaphore(%arg20 : memref<!tpu.dma_semaphore, #tpu.memory_space<semaphore_mem>>)
    %mul3A_138 = arith.constant 3125 : i32
    %mul3A_139 = arith.muli %arg1, %mul3A_138 : i32
    %add3A_140 = arith.constant 2125 : i32
    %add3A_141 = arith.addi %mul3A_139, %add3A_140 : i32
    %dma_start3A_142 = arith.constant 0 : i32
    %dma_start3A_143 = tpu.memref_slice %arg13[%add3A_141, %dma_start3A_142] : memref<50008x32xf32, #tpu.memory_space<vmem_shared>> -> memref<125x32xf32, #tpu.memory_space<vmem_shared>>
    %dma_start3A_144 = arith.constant 0 : i32
    %dma_start3A_145 = tpu.memref_slice %arg13[%add3A_141, %dma_start3A_144] : memref<50008x32xf32, #tpu.memory_space<vmem_shared>> -> memref<125x32xf32, #tpu.memory_space<vmem_shared>>
    tpu.enqueue_dma source(%arg12 : memref<125x32xf32, #tpu.memory_space<vmem>>) target(%dma_start3A_145 : memref<125x32xf32, #tpu.memory_space<vmem_shared>>) target_semaphore(%arg20 : memref<!tpu.dma_semaphore, #tpu.memory_space<semaphore_mem>>)
    %mul3A_146 = arith.constant 3125 : i32
    %mul3A_147 = arith.muli %arg1, %mul3A_146 : i32
    %add3A_148 = arith.constant 2250 : i32
    %add3A_149 = arith.addi %mul3A_147, %add3A_148 : i32
    %dma_start3A_150 = arith.constant 0 : i32
    %dma_start3A_151 = tpu.memref_slice %arg13[%add3A_149, %dma_start3A_150] : memref<50008x32xf32, #tpu.memory_space<vmem_shared>> -> memref<125x32xf32, #tpu.memory_space<vmem_shared>>
    %dma_start3A_152 = arith.constant 0 : i32
    %dma_start3A_153 = tpu.memref_slice %arg13[%add3A_149, %dma_start3A_152] : memref<50008x32xf32, #tpu.memory_space<vmem_shared>> -> memref<125x32xf32, #tpu.memory_space<vmem_shared>>
    tpu.enqueue_dma source(%arg12 : memref<125x32xf32, #tpu.memory_space<vmem>>) target(%dma_start3A_153 : memref<125x32xf32, #tpu.memory_space<vmem_shared>>) target_semaphore(%arg20 : memref<!tpu.dma_semaphore, #tpu.memory_space<semaphore_mem>>)
    %mul3A_154 = arith.constant 3125 : i32
    %mul3A_155 = arith.muli %arg1, %mul3A_154 : i32
    %add3A_156 = arith.constant 2375 : i32
    %add3A_157 = arith.addi %mul3A_155, %add3A_156 : i32
    %dma_start3A_158 = arith.constant 0 : i32
    %dma_start3A_159 = tpu.memref_slice %arg13[%add3A_157, %dma_start3A_158] : memref<50008x32xf32, #tpu.memory_space<vmem_shared>> -> memref<125x32xf32, #tpu.memory_space<vmem_shared>>
    %dma_start3A_160 = arith.constant 0 : i32
    %dma_start3A_161 = tpu.memref_slice %arg13[%add3A_157, %dma_start3A_160] : memref<50008x32xf32, #tpu.memory_space<vmem_shared>> -> memref<125x32xf32, #tpu.memory_space<vmem_shared>>
    tpu.enqueue_dma source(%arg12 : memref<125x32xf32, #tpu.memory_space<vmem>>) target(%dma_start3A_161 : memref<125x32xf32, #tpu.memory_space<vmem_shared>>) target_semaphore(%arg20 : memref<!tpu.dma_semaphore, #tpu.memory_space<semaphore_mem>>)
    %mul3A_162 = arith.constant 3125 : i32
    %mul3A_163 = arith.muli %arg1, %mul3A_162 : i32
    %add3A_164 = arith.constant 2500 : i32
    %add3A_165 = arith.addi %mul3A_163, %add3A_164 : i32
    %dma_start3A_166 = arith.constant 0 : i32
    %dma_start3A_167 = tpu.memref_slice %arg13[%add3A_165, %dma_start3A_166] : memref<50008x32xf32, #tpu.memory_space<vmem_shared>> -> memref<125x32xf32, #tpu.memory_space<vmem_shared>>
    %dma_start3A_168 = arith.constant 0 : i32
    %dma_start3A_169 = tpu.memref_slice %arg13[%add3A_165, %dma_start3A_168] : memref<50008x32xf32, #tpu.memory_space<vmem_shared>> -> memref<125x32xf32, #tpu.memory_space<vmem_shared>>
    tpu.enqueue_dma source(%arg12 : memref<125x32xf32, #tpu.memory_space<vmem>>) target(%dma_start3A_169 : memref<125x32xf32, #tpu.memory_space<vmem_shared>>) target_semaphore(%arg20 : memref<!tpu.dma_semaphore, #tpu.memory_space<semaphore_mem>>)
    %mul3A_170 = arith.constant 3125 : i32
    %mul3A_171 = arith.muli %arg1, %mul3A_170 : i32
    %add3A_172 = arith.constant 2625 : i32
    %add3A_173 = arith.addi %mul3A_171, %add3A_172 : i32
    %dma_start3A_174 = arith.constant 0 : i32
    %dma_start3A_175 = tpu.memref_slice %arg13[%add3A_173, %dma_start3A_174] : memref<50008x32xf32, #tpu.memory_space<vmem_shared>> -> memref<125x32xf32, #tpu.memory_space<vmem_shared>>
    %dma_start3A_176 = arith.constant 0 : i32
    %dma_start3A_177 = tpu.memref_slice %arg13[%add3A_173, %dma_start3A_176] : memref<50008x32xf32, #tpu.memory_space<vmem_shared>> -> memref<125x32xf32, #tpu.memory_space<vmem_shared>>
    tpu.enqueue_dma source(%arg12 : memref<125x32xf32, #tpu.memory_space<vmem>>) target(%dma_start3A_177 : memref<125x32xf32, #tpu.memory_space<vmem_shared>>) target_semaphore(%arg20 : memref<!tpu.dma_semaphore, #tpu.memory_space<semaphore_mem>>)
    %mul3A_178 = arith.constant 3125 : i32
    %mul3A_179 = arith.muli %arg1, %mul3A_178 : i32
    %add3A_180 = arith.constant 2750 : i32
    %add3A_181 = arith.addi %mul3A_179, %add3A_180 : i32
    %dma_start3A_182 = arith.constant 0 : i32
    %dma_start3A_183 = tpu.memref_slice %arg13[%add3A_181, %dma_start3A_182] : memref<50008x32xf32, #tpu.memory_space<vmem_shared>> -> memref<125x32xf32, #tpu.memory_space<vmem_shared>>
    %dma_start3A_184 = arith.constant 0 : i32
    %dma_start3A_185 = tpu.memref_slice %arg13[%add3A_181, %dma_start3A_184] : memref<50008x32xf32, #tpu.memory_space<vmem_shared>> -> memref<125x32xf32, #tpu.memory_space<vmem_shared>>
    tpu.enqueue_dma source(%arg12 : memref<125x32xf32, #tpu.memory_space<vmem>>) target(%dma_start3A_185 : memref<125x32xf32, #tpu.memory_space<vmem_shared>>) target_semaphore(%arg20 : memref<!tpu.dma_semaphore, #tpu.memory_space<semaphore_mem>>)
    %mul3A_186 = arith.constant 3125 : i32
    %mul3A_187 = arith.muli %arg1, %mul3A_186 : i32
    %add3A_188 = arith.constant 2875 : i32
    %add3A_189 = arith.addi %mul3A_187, %add3A_188 : i32
    %dma_start3A_190 = arith.constant 0 : i32
    %dma_start3A_191 = tpu.memref_slice %arg13[%add3A_189, %dma_start3A_190] : memref<50008x32xf32, #tpu.memory_space<vmem_shared>> -> memref<125x32xf32, #tpu.memory_space<vmem_shared>>
    %dma_start3A_192 = arith.constant 0 : i32
    %dma_start3A_193 = tpu.memref_slice %arg13[%add3A_189, %dma_start3A_192] : memref<50008x32xf32, #tpu.memory_space<vmem_shared>> -> memref<125x32xf32, #tpu.memory_space<vmem_shared>>
    tpu.enqueue_dma source(%arg12 : memref<125x32xf32, #tpu.memory_space<vmem>>) target(%dma_start3A_193 : memref<125x32xf32, #tpu.memory_space<vmem_shared>>) target_semaphore(%arg20 : memref<!tpu.dma_semaphore, #tpu.memory_space<semaphore_mem>>)
    %mul3A_194 = arith.constant 3125 : i32
    %mul3A_195 = arith.muli %arg1, %mul3A_194 : i32
    %add3A_196 = arith.constant 3000 : i32
    %add3A_197 = arith.addi %mul3A_195, %add3A_196 : i32
    %dma_start3A_198 = arith.constant 0 : i32
    %dma_start3A_199 = tpu.memref_slice %arg13[%add3A_197, %dma_start3A_198] : memref<50008x32xf32, #tpu.memory_space<vmem_shared>> -> memref<125x32xf32, #tpu.memory_space<vmem_shared>>
    %dma_start3A_200 = arith.constant 0 : i32
    %dma_start3A_201 = tpu.memref_slice %arg13[%add3A_197, %dma_start3A_200] : memref<50008x32xf32, #tpu.memory_space<vmem_shared>> -> memref<125x32xf32, #tpu.memory_space<vmem_shared>>
    tpu.enqueue_dma source(%arg12 : memref<125x32xf32, #tpu.memory_space<vmem>>) target(%dma_start3A_201 : memref<125x32xf32, #tpu.memory_space<vmem_shared>>) target_semaphore(%arg20 : memref<!tpu.dma_semaphore, #tpu.memory_space<semaphore_mem>>)
    %mul3A_202 = arith.constant 50112 : i32
    %mul3A_203 = arith.muli %arg1, %mul3A_202 : i32
    %add3A_204 = arith.constant 0 : i32
    %add3A_205 = arith.addi %mul3A_203, %add3A_204 : i32
    %dma_start3A_206 = tpu.memref_slice %arg3[%add3A_205] : memref<801792xi32, #tpu.memory_space<hbm>> -> memref<288xi32, #tpu.memory_space<hbm>>
    %dma_start3A_207 = tpu.memref_slice %arg3[%add3A_205] : memref<801792xi32, #tpu.memory_space<hbm>> -> memref<288xi32, #tpu.memory_space<hbm>>
    tpu.enqueue_dma source(%dma_start3A_207 : memref<288xi32, #tpu.memory_space<hbm>>) target(%arg6 : memref<288xi32, #tpu.memory_space<vmem>>) target_semaphore(%arg14 : memref<!tpu.dma_semaphore, #tpu.memory_space<semaphore_mem>>)
    %dma_start3A_208 = arith.constant 0 : i32
    %dma_start3A_209 = arith.constant 0 : i32
    %dma_start3A_210 = tpu.memref_slice %arg8[%dma_start3A_208, %dma_start3A_209] : memref<1x288xi32, #tpu.memory_space<vmem>> -> memref<1x288xi32, #tpu.memory_space<vmem>>
    %dma_start3A_211 = tpu.memref_squeeze %dma_start3A_210 : memref<1x288xi32, #tpu.memory_space<vmem>> -> memref<288xi32, #tpu.memory_space<vmem>>
    %dma_start3A_212 = tpu.memref_slice %arg4[%add3A_205] : memref<801792xi32, #tpu.memory_space<hbm>> -> memref<288xi32, #tpu.memory_space<hbm>>
    %dma_start3A_213 = arith.constant 0 : i32
    %dma_start3A_214 = tpu.memref_slice %arg8[%dma_start3A_208, %dma_start3A_213] : memref<1x288xi32, #tpu.memory_space<vmem>> -> memref<1x288xi32, #tpu.memory_space<vmem>>
    %dma_start3A_215 = tpu.memref_squeeze %dma_start3A_214 : memref<1x288xi32, #tpu.memory_space<vmem>> -> memref<288xi32, #tpu.memory_space<vmem>>
    %dma_start3A_216 = tpu.memref_slice %arg4[%add3A_205] : memref<801792xi32, #tpu.memory_space<hbm>> -> memref<288xi32, #tpu.memory_space<hbm>>
    tpu.enqueue_dma source(%dma_start3A_216 : memref<288xi32, #tpu.memory_space<hbm>>) target(%dma_start3A_215 : memref<288xi32, #tpu.memory_space<vmem>>) target_semaphore(%arg14 : memref<!tpu.dma_semaphore, #tpu.memory_space<semaphore_mem>>)
    %mul3A_217 = arith.constant 50112 : i32
    %mul3A_218 = arith.muli %arg1, %mul3A_217 : i32
    %add3A_219 = arith.constant 288 : i32
    %add3A_220 = arith.addi %mul3A_218, %add3A_219 : i32
    %dma_start3A_221 = tpu.memref_slice %arg3[%add3A_220] : memref<801792xi32, #tpu.memory_space<hbm>> -> memref<288xi32, #tpu.memory_space<hbm>>
    %dma_start3A_222 = tpu.memref_slice %arg3[%add3A_220] : memref<801792xi32, #tpu.memory_space<hbm>> -> memref<288xi32, #tpu.memory_space<hbm>>
    tpu.enqueue_dma source(%dma_start3A_222 : memref<288xi32, #tpu.memory_space<hbm>>) target(%arg7 : memref<288xi32, #tpu.memory_space<vmem>>) target_semaphore(%arg15 : memref<!tpu.dma_semaphore, #tpu.memory_space<semaphore_mem>>)
    %dma_start3A_223 = arith.constant 0 : i32
    %dma_start3A_224 = arith.constant 0 : i32
    %dma_start3A_225 = tpu.memref_slice %arg9[%dma_start3A_223, %dma_start3A_224] : memref<1x288xi32, #tpu.memory_space<vmem>> -> memref<1x288xi32, #tpu.memory_space<vmem>>
    %dma_start3A_226 = tpu.memref_squeeze %dma_start3A_225 : memref<1x288xi32, #tpu.memory_space<vmem>> -> memref<288xi32, #tpu.memory_space<vmem>>
    %dma_start3A_227 = tpu.memref_slice %arg4[%add3A_220] : memref<801792xi32, #tpu.memory_space<hbm>> -> memref<288xi32, #tpu.memory_space<hbm>>
    %dma_start3A_228 = arith.constant 0 : i32
    %dma_start3A_229 = tpu.memref_slice %arg9[%dma_start3A_223, %dma_start3A_228] : memref<1x288xi32, #tpu.memory_space<vmem>> -> memref<1x288xi32, #tpu.memory_space<vmem>>
    %dma_start3A_230 = tpu.memref_squeeze %dma_start3A_229 : memref<1x288xi32, #tpu.memory_space<vmem>> -> memref<288xi32, #tpu.memory_space<vmem>>
    %dma_start3A_231 = tpu.memref_slice %arg4[%add3A_220] : memref<801792xi32, #tpu.memory_space<hbm>> -> memref<288xi32, #tpu.memory_space<hbm>>
    tpu.enqueue_dma source(%dma_start3A_231 : memref<288xi32, #tpu.memory_space<hbm>>) target(%dma_start3A_230 : memref<288xi32, #tpu.memory_space<vmem>>) target_semaphore(%arg15 : memref<!tpu.dma_semaphore, #tpu.memory_space<semaphore_mem>>)
    %mul3A_232 = arith.constant 50112 : i32
    %mul3A_233 = arith.muli %arg1, %mul3A_232 : i32
    %add3A_234 = arith.constant 0 : i32
    %add3A_235 = arith.addi %mul3A_233, %add3A_234 : i32
    %dma_wait3A = tpu.memref_slice %arg3[%add3A_235] : memref<801792xi32, #tpu.memory_space<hbm>> -> memref<288xi32, #tpu.memory_space<hbm>>
    %dma_wait3A_236 = tpu.memref_slice %arg3[%add3A_235] : memref<801792xi32, #tpu.memory_space<hbm>> -> memref<288xi32, #tpu.memory_space<hbm>>
    tpu.wait_dma2 semaphore(%arg14 : memref<!tpu.dma_semaphore, #tpu.memory_space<semaphore_mem>>) src(%dma_wait3A_236 : memref<288xi32, #tpu.memory_space<hbm>>) dst(%arg6 : memref<288xi32, #tpu.memory_space<vmem>>)
    %dma_wait3A_237 = arith.constant 0 : i32
    %dma_wait3A_238 = arith.constant 0 : i32
    %dma_wait3A_239 = tpu.memref_slice %arg8[%dma_wait3A_237, %dma_wait3A_238] : memref<1x288xi32, #tpu.memory_space<vmem>> -> memref<1x288xi32, #tpu.memory_space<vmem>>
    %dma_wait3A_240 = tpu.memref_squeeze %dma_wait3A_239 : memref<1x288xi32, #tpu.memory_space<vmem>> -> memref<288xi32, #tpu.memory_space<vmem>>
    %dma_wait3A_241 = tpu.memref_slice %arg4[%add3A_235] : memref<801792xi32, #tpu.memory_space<hbm>> -> memref<288xi32, #tpu.memory_space<hbm>>
    %dma_wait3A_242 = arith.constant 0 : i32
    %dma_wait3A_243 = tpu.memref_slice %arg8[%dma_wait3A_237, %dma_wait3A_242] : memref<1x288xi32, #tpu.memory_space<vmem>> -> memref<1x288xi32, #tpu.memory_space<vmem>>
    %dma_wait3A_244 = tpu.memref_squeeze %dma_wait3A_243 : memref<1x288xi32, #tpu.memory_space<vmem>> -> memref<288xi32, #tpu.memory_space<vmem>>
    %dma_wait3A_245 = tpu.memref_slice %arg4[%add3A_235] : memref<801792xi32, #tpu.memory_space<hbm>> -> memref<288xi32, #tpu.memory_space<hbm>>
    tpu.wait_dma2 semaphore(%arg14 : memref<!tpu.dma_semaphore, #tpu.memory_space<semaphore_mem>>) src(%dma_wait3A_245 : memref<288xi32, #tpu.memory_space<hbm>>) dst(%dma_wait3A_244 : memref<288xi32, #tpu.memory_space<vmem>>)
    %dma_start3A_246 = arith.constant 0 : i32
    %dma_start3A_247 = arith.constant 0 : i32
    %dma_start3A_248 = tpu.memref_slice %arg2[%arg0, %dma_start3A_246, %dma_start3A_247] : memref<2x50000x32xf32, #tpu.memory_space<hbm>> -> memref<1x50000x32xf32, #tpu.memory_space<hbm>>
    %dma_start3A_249 = tpu.memref_squeeze %dma_start3A_248 : memref<1x50000x32xf32, #tpu.memory_space<hbm>> -> memref<50000x32xf32, #tpu.memory_space<hbm>>
    %dma_start3A_250 = arith.constant 0 : i32
    %dma_start3A_251 = arith.constant 0 : i32
    %dma_start3A_252 = tpu.memref_slice %dma_start3A_249[%dma_start3A_250, %dma_start3A_251] : memref<50000x32xf32, #tpu.memory_space<hbm>> -> memref<50000x32xf32, #tpu.memory_space<hbm>>
    tpu.enqueue_indirect_dma source(%dma_start3A_252 : memref<50000x32xf32, #tpu.memory_space<hbm>>) target(%arg10 : memref<288x32xf32, #tpu.memory_space<vmem>>) offsets(%arg6 : memref<288xi32, #tpu.memory_space<vmem>>) semaphore(%arg16 : memref<!tpu.dma_semaphore, #tpu.memory_space<semaphore_mem>>)
    %dma_wait3A_253 = arith.constant 0 : i32
    %dma_wait3A_254 = tpu.memref_slice %arg13[%add3A_6, %dma_wait3A_253] : memref<50008x32xf32, #tpu.memory_space<vmem_shared>> -> memref<125x32xf32, #tpu.memory_space<vmem_shared>>
    %dma_wait3A_255 = arith.constant 0 : i32
    %dma_wait3A_256 = tpu.memref_slice %arg13[%add3A_6, %dma_wait3A_255] : memref<50008x32xf32, #tpu.memory_space<vmem_shared>> -> memref<125x32xf32, #tpu.memory_space<vmem_shared>>
    tpu.wait_dma2 semaphore(%arg20 : memref<!tpu.dma_semaphore, #tpu.memory_space<semaphore_mem>>) src(%arg12 : memref<125x32xf32, #tpu.memory_space<vmem>>) dst(%dma_wait3A_256 : memref<125x32xf32, #tpu.memory_space<vmem_shared>>)
    %dma_wait3A_257 = arith.constant 0 : i32
    %dma_wait3A_258 = tpu.memref_slice %arg13[%add3A_13, %dma_wait3A_257] : memref<50008x32xf32, #tpu.memory_space<vmem_shared>> -> memref<125x32xf32, #tpu.memory_space<vmem_shared>>
    %dma_wait3A_259 = arith.constant 0 : i32
    %dma_wait3A_260 = tpu.memref_slice %arg13[%add3A_13, %dma_wait3A_259] : memref<50008x32xf32, #tpu.memory_space<vmem_shared>> -> memref<125x32xf32, #tpu.memory_space<vmem_shared>>
    tpu.wait_dma2 semaphore(%arg20 : memref<!tpu.dma_semaphore, #tpu.memory_space<semaphore_mem>>) src(%arg12 : memref<125x32xf32, #tpu.memory_space<vmem>>) dst(%dma_wait3A_260 : memref<125x32xf32, #tpu.memory_space<vmem_shared>>)
    %dma_wait3A_261 = arith.constant 0 : i32
    %dma_wait3A_262 = tpu.memref_slice %arg13[%add3A_21, %dma_wait3A_261] : memref<50008x32xf32, #tpu.memory_space<vmem_shared>> -> memref<125x32xf32, #tpu.memory_space<vmem_shared>>
    %dma_wait3A_263 = arith.constant 0 : i32
    %dma_wait3A_264 = tpu.memref_slice %arg13[%add3A_21, %dma_wait3A_263] : memref<50008x32xf32, #tpu.memory_space<vmem_shared>> -> memref<125x32xf32, #tpu.memory_space<vmem_shared>>
    tpu.wait_dma2 semaphore(%arg20 : memref<!tpu.dma_semaphore, #tpu.memory_space<semaphore_mem>>) src(%arg12 : memref<125x32xf32, #tpu.memory_space<vmem>>) dst(%dma_wait3A_264 : memref<125x32xf32, #tpu.memory_space<vmem_shared>>)
    %dma_wait3A_265 = arith.constant 0 : i32
    %dma_wait3A_266 = tpu.memref_slice %arg13[%add3A_29, %dma_wait3A_265] : memref<50008x32xf32, #tpu.memory_space<vmem_shared>> -> memref<125x32xf32, #tpu.memory_space<vmem_shared>>
    %dma_wait3A_267 = arith.constant 0 : i32
    %dma_wait3A_268 = tpu.memref_slice %arg13[%add3A_29, %dma_wait3A_267] : memref<50008x32xf32, #tpu.memory_space<vmem_shared>> -> memref<125x32xf32, #tpu.memory_space<vmem_shared>>
    tpu.wait_dma2 semaphore(%arg20 : memref<!tpu.dma_semaphore, #tpu.memory_space<semaphore_mem>>) src(%arg12 : memref<125x32xf32, #tpu.memory_space<vmem>>) dst(%dma_wait3A_268 : memref<125x32xf32, #tpu.memory_space<vmem_shared>>)
    %dma_wait3A_269 = arith.constant 0 : i32
    %dma_wait3A_270 = tpu.memref_slice %arg13[%add3A_37, %dma_wait3A_269] : memref<50008x32xf32, #tpu.memory_space<vmem_shared>> -> memref<125x32xf32, #tpu.memory_space<vmem_shared>>
    %dma_wait3A_271 = arith.constant 0 : i32
    %dma_wait3A_272 = tpu.memref_slice %arg13[%add3A_37, %dma_wait3A_271] : memref<50008x32xf32, #tpu.memory_space<vmem_shared>> -> memref<125x32xf32, #tpu.memory_space<vmem_shared>>
    tpu.wait_dma2 semaphore(%arg20 : memref<!tpu.dma_semaphore, #tpu.memory_space<semaphore_mem>>) src(%arg12 : memref<125x32xf32, #tpu.memory_space<vmem>>) dst(%dma_wait3A_272 : memref<125x32xf32, #tpu.memory_space<vmem_shared>>)
    %dma_wait3A_273 = arith.constant 0 : i32
    %dma_wait3A_274 = tpu.memref_slice %arg13[%add3A_45, %dma_wait3A_273] : memref<50008x32xf32, #tpu.memory_space<vmem_shared>> -> memref<125x32xf32, #tpu.memory_space<vmem_shared>>
    %dma_wait3A_275 = arith.constant 0 : i32
    %dma_wait3A_276 = tpu.memref_slice %arg13[%add3A_45, %dma_wait3A_275] : memref<50008x32xf32, #tpu.memory_space<vmem_shared>> -> memref<125x32xf32, #tpu.memory_space<vmem_shared>>
    tpu.wait_dma2 semaphore(%arg20 : memref<!tpu.dma_semaphore, #tpu.memory_space<semaphore_mem>>) src(%arg12 : memref<125x32xf32, #tpu.memory_space<vmem>>) dst(%dma_wait3A_276 : memref<125x32xf32, #tpu.memory_space<vmem_shared>>)
    %dma_wait3A_277 = arith.constant 0 : i32
    %dma_wait3A_278 = tpu.memref_slice %arg13[%add3A_53, %dma_wait3A_277] : memref<50008x32xf32, #tpu.memory_space<vmem_shared>> -> memref<125x32xf32, #tpu.memory_space<vmem_shared>>
    %dma_wait3A_279 = arith.constant 0 : i32
    %dma_wait3A_280 = tpu.memref_slice %arg13[%add3A_53, %dma_wait3A_279] : memref<50008x32xf32, #tpu.memory_space<vmem_shared>> -> memref<125x32xf32, #tpu.memory_space<vmem_shared>>
    tpu.wait_dma2 semaphore(%arg20 : memref<!tpu.dma_semaphore, #tpu.memory_space<semaphore_mem>>) src(%arg12 : memref<125x32xf32, #tpu.memory_space<vmem>>) dst(%dma_wait3A_280 : memref<125x32xf32, #tpu.memory_space<vmem_shared>>)
    %dma_wait3A_281 = arith.constant 0 : i32
    %dma_wait3A_282 = tpu.memref_slice %arg13[%add3A_61, %dma_wait3A_281] : memref<50008x32xf32, #tpu.memory_space<vmem_shared>> -> memref<125x32xf32, #tpu.memory_space<vmem_shared>>
    %dma_wait3A_283 = arith.constant 0 : i32
    %dma_wait3A_284 = tpu.memref_slice %arg13[%add3A_61, %dma_wait3A_283] : memref<50008x32xf32, #tpu.memory_space<vmem_shared>> -> memref<125x32xf32, #tpu.memory_space<vmem_shared>>
    tpu.wait_dma2 semaphore(%arg20 : memref<!tpu.dma_semaphore, #tpu.memory_space<semaphore_mem>>) src(%arg12 : memref<125x32xf32, #tpu.memory_space<vmem>>) dst(%dma_wait3A_284 : memref<125x32xf32, #tpu.memory_space<vmem_shared>>)
    %dma_wait3A_285 = arith.constant 0 : i32
    %dma_wait3A_286 = tpu.memref_slice %arg13[%add3A_69, %dma_wait3A_285] : memref<50008x32xf32, #tpu.memory_space<vmem_shared>> -> memref<125x32xf32, #tpu.memory_space<vmem_shared>>
    %dma_wait3A_287 = arith.constant 0 : i32
    %dma_wait3A_288 = tpu.memref_slice %arg13[%add3A_69, %dma_wait3A_287] : memref<50008x32xf32, #tpu.memory_space<vmem_shared>> -> memref<125x32xf32, #tpu.memory_space<vmem_shared>>
    tpu.wait_dma2 semaphore(%arg20 : memref<!tpu.dma_semaphore, #tpu.memory_space<semaphore_mem>>) src(%arg12 : memref<125x32xf32, #tpu.memory_space<vmem>>) dst(%dma_wait3A_288 : memref<125x32xf32, #tpu.memory_space<vmem_shared>>)
    %dma_wait3A_289 = arith.constant 0 : i32
    %dma_wait3A_290 = tpu.memref_slice %arg13[%add3A_77, %dma_wait3A_289] : memref<50008x32xf32, #tpu.memory_space<vmem_shared>> -> memref<125x32xf32, #tpu.memory_space<vmem_shared>>
    %dma_wait3A_291 = arith.constant 0 : i32
    %dma_wait3A_292 = tpu.memref_slice %arg13[%add3A_77, %dma_wait3A_291] : memref<50008x32xf32, #tpu.memory_space<vmem_shared>> -> memref<125x32xf32, #tpu.memory_space<vmem_shared>>
    tpu.wait_dma2 semaphore(%arg20 : memref<!tpu.dma_semaphore, #tpu.memory_space<semaphore_mem>>) src(%arg12 : memref<125x32xf32, #tpu.memory_space<vmem>>) dst(%dma_wait3A_292 : memref<125x32xf32, #tpu.memory_space<vmem_shared>>)
    %dma_wait3A_293 = arith.constant 0 : i32
    %dma_wait3A_294 = tpu.memref_slice %arg13[%add3A_85, %dma_wait3A_293] : memref<50008x32xf32, #tpu.memory_space<vmem_shared>> -> memref<125x32xf32, #tpu.memory_space<vmem_shared>>
    %dma_wait3A_295 = arith.constant 0 : i32
    %dma_wait3A_296 = tpu.memref_slice %arg13[%add3A_85, %dma_wait3A_295] : memref<50008x32xf32, #tpu.memory_space<vmem_shared>> -> memref<125x32xf32, #tpu.memory_space<vmem_shared>>
    tpu.wait_dma2 semaphore(%arg20 : memref<!tpu.dma_semaphore, #tpu.memory_space<semaphore_mem>>) src(%arg12 : memref<125x32xf32, #tpu.memory_space<vmem>>) dst(%dma_wait3A_296 : memref<125x32xf32, #tpu.memory_space<vmem_shared>>)
    %dma_wait3A_297 = arith.constant 0 : i32
    %dma_wait3A_298 = tpu.memref_slice %arg13[%add3A_93, %dma_wait3A_297] : memref<50008x32xf32, #tpu.memory_space<vmem_shared>> -> memref<125x32xf32, #tpu.memory_space<vmem_shared>>
    %dma_wait3A_299 = arith.constant 0 : i32
    %dma_wait3A_300 = tpu.memref_slice %arg13[%add3A_93, %dma_wait3A_299] : memref<50008x32xf32, #tpu.memory_space<vmem_shared>> -> memref<125x32xf32, #tpu.memory_space<vmem_shared>>
    tpu.wait_dma2 semaphore(%arg20 : memref<!tpu.dma_semaphore, #tpu.memory_space<semaphore_mem>>) src(%arg12 : memref<125x32xf32, #tpu.memory_space<vmem>>) dst(%dma_wait3A_300 : memref<125x32xf32, #tpu.memory_space<vmem_shared>>)
    %dma_wait3A_301 = arith.constant 0 : i32
    %dma_wait3A_302 = tpu.memref_slice %arg13[%add3A_101, %dma_wait3A_301] : memref<50008x32xf32, #tpu.memory_space<vmem_shared>> -> memref<125x32xf32, #tpu.memory_space<vmem_shared>>
    %dma_wait3A_303 = arith.constant 0 : i32
    %dma_wait3A_304 = tpu.memref_slice %arg13[%add3A_101, %dma_wait3A_303] : memref<50008x32xf32, #tpu.memory_space<vmem_shared>> -> memref<125x32xf32, #tpu.memory_space<vmem_shared>>
    tpu.wait_dma2 semaphore(%arg20 : memref<!tpu.dma_semaphore, #tpu.memory_space<semaphore_mem>>) src(%arg12 : memref<125x32xf32, #tpu.memory_space<vmem>>) dst(%dma_wait3A_304 : memref<125x32xf32, #tpu.memory_space<vmem_shared>>)
    %dma_wait3A_305 = arith.constant 0 : i32
    %dma_wait3A_306 = tpu.memref_slice %arg13[%add3A_109, %dma_wait3A_305] : memref<50008x32xf32, #tpu.memory_space<vmem_shared>> -> memref<125x32xf32, #tpu.memory_space<vmem_shared>>
    %dma_wait3A_307 = arith.constant 0 : i32
    %dma_wait3A_308 = tpu.memref_slice %arg13[%add3A_109, %dma_wait3A_307] : memref<50008x32xf32, #tpu.memory_space<vmem_shared>> -> memref<125x32xf32, #tpu.memory_space<vmem_shared>>
    tpu.wait_dma2 semaphore(%arg20 : memref<!tpu.dma_semaphore, #tpu.memory_space<semaphore_mem>>) src(%arg12 : memref<125x32xf32, #tpu.memory_space<vmem>>) dst(%dma_wait3A_308 : memref<125x32xf32, #tpu.memory_space<vmem_shared>>)
    %dma_wait3A_309 = arith.constant 0 : i32
    %dma_wait3A_310 = tpu.memref_slice %arg13[%add3A_117, %dma_wait3A_309] : memref<50008x32xf32, #tpu.memory_space<vmem_shared>> -> memref<125x32xf32, #tpu.memory_space<vmem_shared>>
    %dma_wait3A_311 = arith.constant 0 : i32
    %dma_wait3A_312 = tpu.memref_slice %arg13[%add3A_117, %dma_wait3A_311] : memref<50008x32xf32, #tpu.memory_space<vmem_shared>> -> memref<125x32xf32, #tpu.memory_space<vmem_shared>>
    tpu.wait_dma2 semaphore(%arg20 : memref<!tpu.dma_semaphore, #tpu.memory_space<semaphore_mem>>) src(%arg12 : memref<125x32xf32, #tpu.memory_space<vmem>>) dst(%dma_wait3A_312 : memref<125x32xf32, #tpu.memory_space<vmem_shared>>)
    %dma_wait3A_313 = arith.constant 0 : i32
    %dma_wait3A_314 = tpu.memref_slice %arg13[%add3A_125, %dma_wait3A_313] : memref<50008x32xf32, #tpu.memory_space<vmem_shared>> -> memref<125x32xf32, #tpu.memory_space<vmem_shared>>
    %dma_wait3A_315 = arith.constant 0 : i32
    %dma_wait3A_316 = tpu.memref_slice %arg13[%add3A_125, %dma_wait3A_315] : memref<50008x32xf32, #tpu.memory_space<vmem_shared>> -> memref<125x32xf32, #tpu.memory_space<vmem_shared>>
    tpu.wait_dma2 semaphore(%arg20 : memref<!tpu.dma_semaphore, #tpu.memory_space<semaphore_mem>>) src(%arg12 : memref<125x32xf32, #tpu.memory_space<vmem>>) dst(%dma_wait3A_316 : memref<125x32xf32, #tpu.memory_space<vmem_shared>>)
    %dma_wait3A_317 = arith.constant 0 : i32
    %dma_wait3A_318 = tpu.memref_slice %arg13[%add3A_133, %dma_wait3A_317] : memref<50008x32xf32, #tpu.memory_space<vmem_shared>> -> memref<125x32xf32, #tpu.memory_space<vmem_shared>>
    %dma_wait3A_319 = arith.constant 0 : i32
    %dma_wait3A_320 = tpu.memref_slice %arg13[%add3A_133, %dma_wait3A_319] : memref<50008x32xf32, #tpu.memory_space<vmem_shared>> -> memref<125x32xf32, #tpu.memory_space<vmem_shared>>
    tpu.wait_dma2 semaphore(%arg20 : memref<!tpu.dma_semaphore, #tpu.memory_space<semaphore_mem>>) src(%arg12 : memref<125x32xf32, #tpu.memory_space<vmem>>) dst(%dma_wait3A_320 : memref<125x32xf32, #tpu.memory_space<vmem_shared>>)
    %dma_wait3A_321 = arith.constant 0 : i32
    %dma_wait3A_322 = tpu.memref_slice %arg13[%add3A_141, %dma_wait3A_321] : memref<50008x32xf32, #tpu.memory_space<vmem_shared>> -> memref<125x32xf32, #tpu.memory_space<vmem_shared>>
    %dma_wait3A_323 = arith.constant 0 : i32
    %dma_wait3A_324 = tpu.memref_slice %arg13[%add3A_141, %dma_wait3A_323] : memref<50008x32xf32, #tpu.memory_space<vmem_shared>> -> memref<125x32xf32, #tpu.memory_space<vmem_shared>>
    tpu.wait_dma2 semaphore(%arg20 : memref<!tpu.dma_semaphore, #tpu.memory_space<semaphore_mem>>) src(%arg12 : memref<125x32xf32, #tpu.memory_space<vmem>>) dst(%dma_wait3A_324 : memref<125x32xf32, #tpu.memory_space<vmem_shared>>)
    %dma_wait3A_325 = arith.constant 0 : i32
    %dma_wait3A_326 = tpu.memref_slice %arg13[%add3A_149, %dma_wait3A_325] : memref<50008x32xf32, #tpu.memory_space<vmem_shared>> -> memref<125x32xf32, #tpu.memory_space<vmem_shared>>
    %dma_wait3A_327 = arith.constant 0 : i32
    %dma_wait3A_328 = tpu.memref_slice %arg13[%add3A_149, %dma_wait3A_327] : memref<50008x32xf32, #tpu.memory_space<vmem_shared>> -> memref<125x32xf32, #tpu.memory_space<vmem_shared>>
    tpu.wait_dma2 semaphore(%arg20 : memref<!tpu.dma_semaphore, #tpu.memory_space<semaphore_mem>>) src(%arg12 : memref<125x32xf32, #tpu.memory_space<vmem>>) dst(%dma_wait3A_328 : memref<125x32xf32, #tpu.memory_space<vmem_shared>>)
    %dma_wait3A_329 = arith.constant 0 : i32
    %dma_wait3A_330 = tpu.memref_slice %arg13[%add3A_157, %dma_wait3A_329] : memref<50008x32xf32, #tpu.memory_space<vmem_shared>> -> memref<125x32xf32, #tpu.memory_space<vmem_shared>>
    %dma_wait3A_331 = arith.constant 0 : i32
    %dma_wait3A_332 = tpu.memref_slice %arg13[%add3A_157, %dma_wait3A_331] : memref<50008x32xf32, #tpu.memory_space<vmem_shared>> -> memref<125x32xf32, #tpu.memory_space<vmem_shared>>
    tpu.wait_dma2 semaphore(%arg20 : memref<!tpu.dma_semaphore, #tpu.memory_space<semaphore_mem>>) src(%arg12 : memref<125x32xf32, #tpu.memory_space<vmem>>) dst(%dma_wait3A_332 : memref<125x32xf32, #tpu.memory_space<vmem_shared>>)
    %dma_wait3A_333 = arith.constant 0 : i32
    %dma_wait3A_334 = tpu.memref_slice %arg13[%add3A_165, %dma_wait3A_333] : memref<50008x32xf32, #tpu.memory_space<vmem_shared>> -> memref<125x32xf32, #tpu.memory_space<vmem_shared>>
    %dma_wait3A_335 = arith.constant 0 : i32
    %dma_wait3A_336 = tpu.memref_slice %arg13[%add3A_165, %dma_wait3A_335] : memref<50008x32xf32, #tpu.memory_space<vmem_shared>> -> memref<125x32xf32, #tpu.memory_space<vmem_shared>>
    tpu.wait_dma2 semaphore(%arg20 : memref<!tpu.dma_semaphore, #tpu.memory_space<semaphore_mem>>) src(%arg12 : memref<125x32xf32, #tpu.memory_space<vmem>>) dst(%dma_wait3A_336 : memref<125x32xf32, #tpu.memory_space<vmem_shared>>)
    %dma_wait3A_337 = arith.constant 0 : i32
    %dma_wait3A_338 = tpu.memref_slice %arg13[%add3A_173, %dma_wait3A_337] : memref<50008x32xf32, #tpu.memory_space<vmem_shared>> -> memref<125x32xf32, #tpu.memory_space<vmem_shared>>
    %dma_wait3A_339 = arith.constant 0 : i32
    %dma_wait3A_340 = tpu.memref_slice %arg13[%add3A_173, %dma_wait3A_339] : memref<50008x32xf32, #tpu.memory_space<vmem_shared>> -> memref<125x32xf32, #tpu.memory_space<vmem_shared>>
    tpu.wait_dma2 semaphore(%arg20 : memref<!tpu.dma_semaphore, #tpu.memory_space<semaphore_mem>>) src(%arg12 : memref<125x32xf32, #tpu.memory_space<vmem>>) dst(%dma_wait3A_340 : memref<125x32xf32, #tpu.memory_space<vmem_shared>>)
    %dma_wait3A_341 = arith.constant 0 : i32
    %dma_wait3A_342 = tpu.memref_slice %arg13[%add3A_181, %dma_wait3A_341] : memref<50008x32xf32, #tpu.memory_space<vmem_shared>> -> memref<125x32xf32, #tpu.memory_space<vmem_shared>>
    %dma_wait3A_343 = arith.constant 0 : i32
    %dma_wait3A_344 = tpu.memref_slice %arg13[%add3A_181, %dma_wait3A_343] : memref<50008x32xf32, #tpu.memory_space<vmem_shared>> -> memref<125x32xf32, #tpu.memory_space<vmem_shared>>
    tpu.wait_dma2 semaphore(%arg20 : memref<!tpu.dma_semaphore, #tpu.memory_space<semaphore_mem>>) src(%arg12 : memref<125x32xf32, #tpu.memory_space<vmem>>) dst(%dma_wait3A_344 : memref<125x32xf32, #tpu.memory_space<vmem_shared>>)
    %dma_wait3A_345 = arith.constant 0 : i32
    %dma_wait3A_346 = tpu.memref_slice %arg13[%add3A_189, %dma_wait3A_345] : memref<50008x32xf32, #tpu.memory_space<vmem_shared>> -> memref<125x32xf32, #tpu.memory_space<vmem_shared>>
    %dma_wait3A_347 = arith.constant 0 : i32
    %dma_wait3A_348 = tpu.memref_slice %arg13[%add3A_189, %dma_wait3A_347] : memref<50008x32xf32, #tpu.memory_space<vmem_shared>> -> memref<125x32xf32, #tpu.memory_space<vmem_shared>>
    tpu.wait_dma2 semaphore(%arg20 : memref<!tpu.dma_semaphore, #tpu.memory_space<semaphore_mem>>) src(%arg12 : memref<125x32xf32, #tpu.memory_space<vmem>>) dst(%dma_wait3A_348 : memref<125x32xf32, #tpu.memory_space<vmem_shared>>)
    %dma_wait3A_349 = arith.constant 0 : i32
    %dma_wait3A_350 = tpu.memref_slice %arg13[%add3A_197, %dma_wait3A_349] : memref<50008x32xf32, #tpu.memory_space<vmem_shared>> -> memref<125x32xf32, #tpu.memory_space<vmem_shared>>
    %dma_wait3A_351 = arith.constant 0 : i32
    %dma_wait3A_352 = tpu.memref_slice %arg13[%add3A_197, %dma_wait3A_351] : memref<50008x32xf32, #tpu.memory_space<vmem_shared>> -> memref<125x32xf32, #tpu.memory_space<vmem_shared>>
    tpu.wait_dma2 semaphore(%arg20 : memref<!tpu.dma_semaphore, #tpu.memory_space<semaphore_mem>>) src(%arg12 : memref<125x32xf32, #tpu.memory_space<vmem>>) dst(%dma_wait3A_352 : memref<125x32xf32, #tpu.memory_space<vmem_shared>>)
    %barrier3A = arith.constant 0 : index
    tpu.barrier barrier_id(%barrier3A)
    %dma_wait3A_353 = arith.constant 0 : i32
    %dma_wait3A_354 = arith.constant 0 : i32
    %dma_wait3A_355 = tpu.memref_slice %arg2[%arg0, %dma_wait3A_353, %dma_wait3A_354] : memref<2x50000x32xf32, #tpu.memory_space<hbm>> -> memref<1x50000x32xf32, #tpu.memory_space<hbm>>
    %dma_wait3A_356 = tpu.memref_squeeze %dma_wait3A_355 : memref<1x50000x32xf32, #tpu.memory_space<hbm>> -> memref<50000x32xf32, #tpu.memory_space<hbm>>
    %dma_wait3A_357 = arith.constant 0 : i32
    %dma_wait3A_358 = arith.constant 0 : i32
    %dma_wait3A_359 = tpu.memref_slice %dma_wait3A_356[%dma_wait3A_357, %dma_wait3A_358] : memref<50000x32xf32, #tpu.memory_space<hbm>> -> memref<50000x32xf32, #tpu.memory_space<hbm>>
    tpu.wait_indirect_dma semaphore(%arg16 : memref<!tpu.dma_semaphore, #tpu.memory_space<semaphore_mem>>) src(%dma_wait3A_359 : memref<50000x32xf32, #tpu.memory_space<hbm>>) dst(%arg10 : memref<288x32xf32, #tpu.memory_space<vmem>>)
    %scan3A_360 = arith.constant 0 : i32
    %scan3A_361 = arith.constant 0 : i32
    %scan3A_362 = arith.constant 87 : i32
    %scan3A_363 = arith.addi %scan3A_361, %scan3A_362 : i32
    %scan3A_364 = arith.constant 1 : i32
    scf.for %scan3A_374 = %scan3A_361 to %scan3A_363 step %scan3A_364  : i32 {
      %mul3A_375 = arith.constant 2 : i32
      %mul3A_376 = arith.muli %mul3A_375, %scan3A_374 : i32
      %dma_start3A_377 = arith.constant 0 : i32
      %dma_start3A_378 = arith.constant 0 : i32
      %dma_start3A_379 = tpu.memref_slice %arg8[%dma_start3A_377, %dma_start3A_378] : memref<1x288xi32, #tpu.memory_space<vmem>> -> memref<1x288xi32, #tpu.memory_space<vmem>>
      %dma_start3A_380 = tpu.memref_squeeze %dma_start3A_379 : memref<1x288xi32, #tpu.memory_space<vmem>> -> memref<288xi32, #tpu.memory_space<vmem>>
      %dma_start3A_381 = arith.constant 0 : i32
      %dma_start3A_382 = arith.constant 0 : i32
      %dma_start3A_383 = tpu.memref_slice %arg13[%dma_start3A_381, %dma_start3A_382] : memref<50008x32xf32, #tpu.memory_space<vmem_shared>> -> memref<50008x32xf32, #tpu.memory_space<vmem_shared>>
      tpu.enqueue_indirect_dma source(%arg10 : memref<288x32xf32, #tpu.memory_space<vmem>>) target(%dma_start3A_383 : memref<50008x32xf32, #tpu.memory_space<vmem_shared>>) offsets(%dma_start3A_380 : memref<288xi32, #tpu.memory_space<vmem>>) semaphore(%arg18 : memref<!tpu.dma_semaphore, #tpu.memory_space<semaphore_mem>>) {add = true}
      %add3A_384 = arith.constant 1 : i32
      %add3A_385 = arith.addi %mul3A_376, %add3A_384 : i32
      %min3A = arith.constant 173 : i32
      %min3A_386 = arith.minsi %add3A_385, %min3A : i32
      %mul3A_387 = arith.constant 50112 : i32
      %mul3A_388 = arith.muli %arg1, %mul3A_387 : i32
      %mul3A_389 = arith.constant 288 : i32
      %mul3A_390 = arith.muli %min3A_386, %mul3A_389 : i32
      %add3A_391 = arith.addi %mul3A_388, %mul3A_390 : i32
      %dma_wait3A_392 = tpu.memref_slice %arg3[%add3A_391] : memref<801792xi32, #tpu.memory_space<hbm>> -> memref<288xi32, #tpu.memory_space<hbm>>
      %dma_wait3A_393 = tpu.memref_slice %arg3[%add3A_391] : memref<801792xi32, #tpu.memory_space<hbm>> -> memref<288xi32, #tpu.memory_space<hbm>>
      tpu.wait_dma2 semaphore(%arg15 : memref<!tpu.dma_semaphore, #tpu.memory_space<semaphore_mem>>) src(%dma_wait3A_393 : memref<288xi32, #tpu.memory_space<hbm>>) dst(%arg7 : memref<288xi32, #tpu.memory_space<vmem>>)
      %dma_wait3A_394 = arith.constant 0 : i32
      %dma_wait3A_395 = arith.constant 0 : i32
      %dma_wait3A_396 = tpu.memref_slice %arg9[%dma_wait3A_394, %dma_wait3A_395] : memref<1x288xi32, #tpu.memory_space<vmem>> -> memref<1x288xi32, #tpu.memory_space<vmem>>
      %dma_wait3A_397 = tpu.memref_squeeze %dma_wait3A_396 : memref<1x288xi32, #tpu.memory_space<vmem>> -> memref<288xi32, #tpu.memory_space<vmem>>
      %dma_wait3A_398 = tpu.memref_slice %arg4[%add3A_391] : memref<801792xi32, #tpu.memory_space<hbm>> -> memref<288xi32, #tpu.memory_space<hbm>>
      %dma_wait3A_399 = arith.constant 0 : i32
      %dma_wait3A_400 = tpu.memref_slice %arg9[%dma_wait3A_394, %dma_wait3A_399] : memref<1x288xi32, #tpu.memory_space<vmem>> -> memref<1x288xi32, #tpu.memory_space<vmem>>
      %dma_wait3A_401 = tpu.memref_squeeze %dma_wait3A_400 : memref<1x288xi32, #tpu.memory_space<vmem>> -> memref<288xi32, #tpu.memory_space<vmem>>
      %dma_wait3A_402 = tpu.memref_slice %arg4[%add3A_391] : memref<801792xi32, #tpu.memory_space<hbm>> -> memref<288xi32, #tpu.memory_space<hbm>>
      tpu.wait_dma2 semaphore(%arg15 : memref<!tpu.dma_semaphore, #tpu.memory_space<semaphore_mem>>) src(%dma_wait3A_402 : memref<288xi32, #tpu.memory_space<hbm>>) dst(%dma_wait3A_401 : memref<288xi32, #tpu.memory_space<vmem>>)
      %dma_start3A_403 = arith.constant 0 : i32
      %dma_start3A_404 = arith.constant 0 : i32
      %dma_start3A_405 = tpu.memref_slice %arg2[%arg0, %dma_start3A_403, %dma_start3A_404] : memref<2x50000x32xf32, #tpu.memory_space<hbm>> -> memref<1x50000x32xf32, #tpu.memory_space<hbm>>
      %dma_start3A_406 = tpu.memref_squeeze %dma_start3A_405 : memref<1x50000x32xf32, #tpu.memory_space<hbm>> -> memref<50000x32xf32, #tpu.memory_space<hbm>>
      %dma_start3A_407 = arith.constant 0 : i32
      %dma_start3A_408 = arith.constant 0 : i32
      %dma_start3A_409 = tpu.memref_slice %dma_start3A_406[%dma_start3A_407, %dma_start3A_408] : memref<50000x32xf32, #tpu.memory_space<hbm>> -> memref<50000x32xf32, #tpu.memory_space<hbm>>
      tpu.enqueue_indirect_dma source(%dma_start3A_409 : memref<50000x32xf32, #tpu.memory_space<hbm>>) target(%arg11 : memref<288x32xf32, #tpu.memory_space<vmem>>) offsets(%arg7 : memref<288xi32, #tpu.memory_space<vmem>>) semaphore(%arg17 : memref<!tpu.dma_semaphore, #tpu.memory_space<semaphore_mem>>)
      %add3A_410 = arith.constant 2 : i32
      %add3A_411 = arith.addi %mul3A_376, %add3A_410 : i32
      %min3A_412 = arith.constant 173 : i32
      %min3A_413 = arith.minsi %add3A_411, %min3A_412 : i32
      %mul3A_414 = arith.constant 50112 : i32
      %mul3A_415 = arith.muli %arg1, %mul3A_414 : i32
      %mul3A_416 = arith.constant 288 : i32
      %mul3A_417 = arith.muli %min3A_413, %mul3A_416 : i32
      %add3A_418 = arith.addi %mul3A_415, %mul3A_417 : i32
      %dma_start3A_419 = tpu.memref_slice %arg3[%add3A_418] : memref<801792xi32, #tpu.memory_space<hbm>> -> memref<288xi32, #tpu.memory_space<hbm>>
      %dma_start3A_420 = tpu.memref_slice %arg3[%add3A_418] : memref<801792xi32, #tpu.memory_space<hbm>> -> memref<288xi32, #tpu.memory_space<hbm>>
      tpu.enqueue_dma source(%dma_start3A_420 : memref<288xi32, #tpu.memory_space<hbm>>) target(%arg6 : memref<288xi32, #tpu.memory_space<vmem>>) target_semaphore(%arg14 : memref<!tpu.dma_semaphore, #tpu.memory_space<semaphore_mem>>)
      %dma_start3A_421 = arith.constant 0 : i32
      %dma_start3A_422 = arith.constant 0 : i32
      %dma_start3A_423 = tpu.memref_slice %arg8[%dma_start3A_421, %dma_start3A_422] : memref<1x288xi32, #tpu.memory_space<vmem>> -> memref<1x288xi32, #tpu.memory_space<vmem>>
      %dma_start3A_424 = tpu.memref_squeeze %dma_start3A_423 : memref<1x288xi32, #tpu.memory_space<vmem>> -> memref<288xi32, #tpu.memory_space<vmem>>
      %dma_start3A_425 = tpu.memref_slice %arg4[%add3A_418] : memref<801792xi32, #tpu.memory_space<hbm>> -> memref<288xi32, #tpu.memory_space<hbm>>
      %dma_start3A_426 = arith.constant 0 : i32
      %dma_start3A_427 = tpu.memref_slice %arg8[%dma_start3A_421, %dma_start3A_426] : memref<1x288xi32, #tpu.memory_space<vmem>> -> memref<1x288xi32, #tpu.memory_space<vmem>>
      %dma_start3A_428 = tpu.memref_squeeze %dma_start3A_427 : memref<1x288xi32, #tpu.memory_space<vmem>> -> memref<288xi32, #tpu.memory_space<vmem>>
      %dma_start3A_429 = tpu.memref_slice %arg4[%add3A_418] : memref<801792xi32, #tpu.memory_space<hbm>> -> memref<288xi32, #tpu.memory_space<hbm>>
      tpu.enqueue_dma source(%dma_start3A_429 : memref<288xi32, #tpu.memory_space<hbm>>) target(%dma_start3A_428 : memref<288xi32, #tpu.memory_space<vmem>>) target_semaphore(%arg14 : memref<!tpu.dma_semaphore, #tpu.memory_space<semaphore_mem>>)
      %dma_wait3A_430 = arith.constant 0 : i32
      %dma_wait3A_431 = arith.constant 0 : i32
      %dma_wait3A_432 = tpu.memref_slice %arg8[%dma_wait3A_430, %dma_wait3A_431] : memref<1x288xi32, #tpu.memory_space<vmem>> -> memref<1x288xi32, #tpu.memory_space<vmem>>
      %dma_wait3A_433 = tpu.memref_squeeze %dma_wait3A_432 : memref<1x288xi32, #tpu.memory_space<vmem>> -> memref<288xi32, #tpu.memory_space<vmem>>
      %dma_wait3A_434 = arith.constant 0 : i32
      %dma_wait3A_435 = arith.constant 0 : i32
      %dma_wait3A_436 = tpu.memref_slice %arg13[%dma_wait3A_434, %dma_wait3A_435] : memref<50008x32xf32, #tpu.memory_space<vmem_shared>> -> memref<50008x32xf32, #tpu.memory_space<vmem_shared>>
      tpu.wait_indirect_dma semaphore(%arg18 : memref<!tpu.dma_semaphore, #tpu.memory_space<semaphore_mem>>) src(%arg10 : memref<288x32xf32, #tpu.memory_space<vmem>>) dst(%dma_wait3A_436 : memref<50008x32xf32, #tpu.memory_space<vmem_shared>>)
      %dma_wait3A_437 = arith.constant 0 : i32
      %dma_wait3A_438 = arith.constant 0 : i32
      %dma_wait3A_439 = tpu.memref_slice %arg2[%arg0, %dma_wait3A_437, %dma_wait3A_438] : memref<2x50000x32xf32, #tpu.memory_space<hbm>> -> memref<1x50000x32xf32, #tpu.memory_space<hbm>>
      %dma_wait3A_440 = tpu.memref_squeeze %dma_wait3A_439 : memref<1x50000x32xf32, #tpu.memory_space<hbm>> -> memref<50000x32xf32, #tpu.memory_space<hbm>>
      %dma_wait3A_441 = arith.constant 0 : i32
      %dma_wait3A_442 = arith.constant 0 : i32
      %dma_wait3A_443 = tpu.memref_slice %dma_wait3A_440[%dma_wait3A_441, %dma_wait3A_442] : memref<50000x32xf32, #tpu.memory_space<hbm>> -> memref<50000x32xf32, #tpu.memory_space<hbm>>
      tpu.wait_indirect_dma semaphore(%arg17 : memref<!tpu.dma_semaphore, #tpu.memory_space<semaphore_mem>>) src(%dma_wait3A_443 : memref<50000x32xf32, #tpu.memory_space<hbm>>) dst(%arg11 : memref<288x32xf32, #tpu.memory_space<vmem>>)
      %mul3A_444 = arith.constant 2 : i32
      %mul3A_445 = arith.muli %mul3A_444, %scan3A_374 : i32
      %add3A_446 = arith.constant 1 : i32
      %add3A_447 = arith.addi %mul3A_445, %add3A_446 : i32
      %dma_start3A_448 = arith.constant 0 : i32
      %dma_start3A_449 = arith.constant 0 : i32
      %dma_start3A_450 = tpu.memref_slice %arg9[%dma_start3A_448, %dma_start3A_449] : memref<1x288xi32, #tpu.memory_space<vmem>> -> memref<1x288xi32, #tpu.memory_space<vmem>>
      %dma_start3A_451 = tpu.memref_squeeze %dma_start3A_450 : memref<1x288xi32, #tpu.memory_space<vmem>> -> memref<288xi32, #tpu.memory_space<vmem>>
      %dma_start3A_452 = arith.constant 0 : i32
      %dma_start3A_453 = arith.constant 0 : i32
      %dma_start3A_454 = tpu.memref_slice %arg13[%dma_start3A_452, %dma_start3A_453] : memref<50008x32xf32, #tpu.memory_space<vmem_shared>> -> memref<50008x32xf32, #tpu.memory_space<vmem_shared>>
      tpu.enqueue_indirect_dma source(%arg11 : memref<288x32xf32, #tpu.memory_space<vmem>>) target(%dma_start3A_454 : memref<50008x32xf32, #tpu.memory_space<vmem_shared>>) offsets(%dma_start3A_451 : memref<288xi32, #tpu.memory_space<vmem>>) semaphore(%arg19 : memref<!tpu.dma_semaphore, #tpu.memory_space<semaphore_mem>>) {add = true}
      %add3A_455 = arith.constant 1 : i32
      %add3A_456 = arith.addi %add3A_447, %add3A_455 : i32
      %min3A_457 = arith.constant 173 : i32
      %min3A_458 = arith.minsi %add3A_456, %min3A_457 : i32
      %mul3A_459 = arith.constant 50112 : i32
      %mul3A_460 = arith.muli %arg1, %mul3A_459 : i32
      %mul3A_461 = arith.constant 288 : i32
      %mul3A_462 = arith.muli %min3A_458, %mul3A_461 : i32
      %add3A_463 = arith.addi %mul3A_460, %mul3A_462 : i32
      %dma_wait3A_464 = tpu.memref_slice %arg3[%add3A_463] : memref<801792xi32, #tpu.memory_space<hbm>> -> memref<288xi32, #tpu.memory_space<hbm>>
      %dma_wait3A_465 = tpu.memref_slice %arg3[%add3A_463] : memref<801792xi32, #tpu.memory_space<hbm>> -> memref<288xi32, #tpu.memory_space<hbm>>
      tpu.wait_dma2 semaphore(%arg14 : memref<!tpu.dma_semaphore, #tpu.memory_space<semaphore_mem>>) src(%dma_wait3A_465 : memref<288xi32, #tpu.memory_space<hbm>>) dst(%arg6 : memref<288xi32, #tpu.memory_space<vmem>>)
      %dma_wait3A_466 = arith.constant 0 : i32
      %dma_wait3A_467 = arith.constant 0 : i32
      %dma_wait3A_468 = tpu.memref_slice %arg8[%dma_wait3A_466, %dma_wait3A_467] : memref<1x288xi32, #tpu.memory_space<vmem>> -> memref<1x288xi32, #tpu.memory_space<vmem>>
      %dma_wait3A_469 = tpu.memref_squeeze %dma_wait3A_468 : memref<1x288xi32, #tpu.memory_space<vmem>> -> memref<288xi32, #tpu.memory_space<vmem>>
      %dma_wait3A_470 = tpu.memref_slice %arg4[%add3A_463] : memref<801792xi32, #tpu.memory_space<hbm>> -> memref<288xi32, #tpu.memory_space<hbm>>
      %dma_wait3A_471 = arith.constant 0 : i32
      %dma_wait3A_472 = tpu.memref_slice %arg8[%dma_wait3A_466, %dma_wait3A_471] : memref<1x288xi32, #tpu.memory_space<vmem>> -> memref<1x288xi32, #tpu.memory_space<vmem>>
      %dma_wait3A_473 = tpu.memref_squeeze %dma_wait3A_472 : memref<1x288xi32, #tpu.memory_space<vmem>> -> memref<288xi32, #tpu.memory_space<vmem>>
      %dma_wait3A_474 = tpu.memref_slice %arg4[%add3A_463] : memref<801792xi32, #tpu.memory_space<hbm>> -> memref<288xi32, #tpu.memory_space<hbm>>
      tpu.wait_dma2 semaphore(%arg14 : memref<!tpu.dma_semaphore, #tpu.memory_space<semaphore_mem>>) src(%dma_wait3A_474 : memref<288xi32, #tpu.memory_space<hbm>>) dst(%dma_wait3A_473 : memref<288xi32, #tpu.memory_space<vmem>>)
      %dma_start3A_475 = arith.constant 0 : i32
      %dma_start3A_476 = arith.constant 0 : i32
      %dma_start3A_477 = tpu.memref_slice %arg2[%arg0, %dma_start3A_475, %dma_start3A_476] : memref<2x50000x32xf32, #tpu.memory_space<hbm>> -> memref<1x50000x32xf32, #tpu.memory_space<hbm>>
      %dma_start3A_478 = tpu.memref_squeeze %dma_start3A_477 : memref<1x50000x32xf32, #tpu.memory_space<hbm>> -> memref<50000x32xf32, #tpu.memory_space<hbm>>
      %dma_start3A_479 = arith.constant 0 : i32
      %dma_start3A_480 = arith.constant 0 : i32
      %dma_start3A_481 = tpu.memref_slice %dma_start3A_478[%dma_start3A_479, %dma_start3A_480] : memref<50000x32xf32, #tpu.memory_space<hbm>> -> memref<50000x32xf32, #tpu.memory_space<hbm>>
      tpu.enqueue_indirect_dma source(%dma_start3A_481 : memref<50000x32xf32, #tpu.memory_space<hbm>>) target(%arg10 : memref<288x32xf32, #tpu.memory_space<vmem>>) offsets(%arg6 : memref<288xi32, #tpu.memory_space<vmem>>) semaphore(%arg16 : memref<!tpu.dma_semaphore, #tpu.memory_space<semaphore_mem>>)
      %add3A_482 = arith.constant 2 : i32
      %add3A_483 = arith.addi %add3A_447, %add3A_482 : i32
      %min3A_484 = arith.constant 173 : i32
      %min3A_485 = arith.minsi %add3A_483, %min3A_484 : i32
      %mul3A_486 = arith.constant 50112 : i32
      %mul3A_487 = arith.muli %arg1, %mul3A_486 : i32
      %mul3A_488 = arith.constant 288 : i32
      %mul3A_489 = arith.muli %min3A_485, %mul3A_488 : i32
      %add3A_490 = arith.addi %mul3A_487, %mul3A_489 : i32
      %dma_start3A_491 = tpu.memref_slice %arg3[%add3A_490] : memref<801792xi32, #tpu.memory_space<hbm>> -> memref<288xi32, #tpu.memory_space<hbm>>
      %dma_start3A_492 = tpu.memref_slice %arg3[%add3A_490] : memref<801792xi32, #tpu.memory_space<hbm>> -> memref<288xi32, #tpu.memory_space<hbm>>
      tpu.enqueue_dma source(%dma_start3A_492 : memref<288xi32, #tpu.memory_space<hbm>>) target(%arg7 : memref<288xi32, #tpu.memory_space<vmem>>) target_semaphore(%arg15 : memref<!tpu.dma_semaphore, #tpu.memory_space<semaphore_mem>>)
      %dma_start3A_493 = arith.constant 0 : i32
      %dma_start3A_494 = arith.constant 0 : i32
      %dma_start3A_495 = tpu.memref_slice %arg9[%dma_start3A_493, %dma_start3A_494] : memref<1x288xi32, #tpu.memory_space<vmem>> -> memref<1x288xi32, #tpu.memory_space<vmem>>
      %dma_start3A_496 = tpu.memref_squeeze %dma_start3A_495 : memref<1x288xi32, #tpu.memory_space<vmem>> -> memref<288xi32, #tpu.memory_space<vmem>>
      %dma_start3A_497 = tpu.memref_slice %arg4[%add3A_490] : memref<801792xi32, #tpu.memory_space<hbm>> -> memref<288xi32, #tpu.memory_space<hbm>>
      %dma_start3A_498 = arith.constant 0 : i32
      %dma_start3A_499 = tpu.memref_slice %arg9[%dma_start3A_493, %dma_start3A_498] : memref<1x288xi32, #tpu.memory_space<vmem>> -> memref<1x288xi32, #tpu.memory_space<vmem>>
      %dma_start3A_500 = tpu.memref_squeeze %dma_start3A_499 : memref<1x288xi32, #tpu.memory_space<vmem>> -> memref<288xi32, #tpu.memory_space<vmem>>
      %dma_start3A_501 = tpu.memref_slice %arg4[%add3A_490] : memref<801792xi32, #tpu.memory_space<hbm>> -> memref<288xi32, #tpu.memory_space<hbm>>
      tpu.enqueue_dma source(%dma_start3A_501 : memref<288xi32, #tpu.memory_space<hbm>>) target(%dma_start3A_500 : memref<288xi32, #tpu.memory_space<vmem>>) target_semaphore(%arg15 : memref<!tpu.dma_semaphore, #tpu.memory_space<semaphore_mem>>)
      %dma_wait3A_502 = arith.constant 0 : i32
      %dma_wait3A_503 = arith.constant 0 : i32
      %dma_wait3A_504 = tpu.memref_slice %arg9[%dma_wait3A_502, %dma_wait3A_503] : memref<1x288xi32, #tpu.memory_space<vmem>> -> memref<1x288xi32, #tpu.memory_space<vmem>>
      %dma_wait3A_505 = tpu.memref_squeeze %dma_wait3A_504 : memref<1x288xi32, #tpu.memory_space<vmem>> -> memref<288xi32, #tpu.memory_space<vmem>>
      %dma_wait3A_506 = arith.constant 0 : i32
      %dma_wait3A_507 = arith.constant 0 : i32
      %dma_wait3A_508 = tpu.memref_slice %arg13[%dma_wait3A_506, %dma_wait3A_507] : memref<50008x32xf32, #tpu.memory_space<vmem_shared>> -> memref<50008x32xf32, #tpu.memory_space<vmem_shared>>
      tpu.wait_indirect_dma semaphore(%arg19 : memref<!tpu.dma_semaphore, #tpu.memory_space<semaphore_mem>>) src(%arg11 : memref<288x32xf32, #tpu.memory_space<vmem>>) dst(%dma_wait3A_508 : memref<50008x32xf32, #tpu.memory_space<vmem_shared>>)
      %dma_wait3A_509 = arith.constant 0 : i32
      %dma_wait3A_510 = arith.constant 0 : i32
      %dma_wait3A_511 = tpu.memref_slice %arg2[%arg0, %dma_wait3A_509, %dma_wait3A_510] : memref<2x50000x32xf32, #tpu.memory_space<hbm>> -> memref<1x50000x32xf32, #tpu.memory_space<hbm>>
      %dma_wait3A_512 = tpu.memref_squeeze %dma_wait3A_511 : memref<1x50000x32xf32, #tpu.memory_space<hbm>> -> memref<50000x32xf32, #tpu.memory_space<hbm>>
      %dma_wait3A_513 = arith.constant 0 : i32
      %dma_wait3A_514 = arith.constant 0 : i32
      %dma_wait3A_515 = tpu.memref_slice %dma_wait3A_512[%dma_wait3A_513, %dma_wait3A_514] : memref<50000x32xf32, #tpu.memory_space<hbm>> -> memref<50000x32xf32, #tpu.memory_space<hbm>>
      tpu.wait_indirect_dma semaphore(%arg16 : memref<!tpu.dma_semaphore, #tpu.memory_space<semaphore_mem>>) src(%dma_wait3A_515 : memref<50000x32xf32, #tpu.memory_space<hbm>>) dst(%arg10 : memref<288x32xf32, #tpu.memory_space<vmem>>)
    }
    %scan3A_365 = arith.constant 87 : i32
    %barrier3A_366 = arith.constant 0 : index
    tpu.barrier barrier_id(%barrier3A_366)
    %mul3A_367 = arith.constant 3125 : i32
    %mul3A_368 = arith.muli %arg1, %mul3A_367 : i32
    %mul3A_369 = arith.constant 50000 : i32
    %mul3A_370 = arith.muli %arg0, %mul3A_369 : i32
    %mul3A_371 = arith.constant 3125 : i32
    %mul3A_372 = arith.muli %arg1, %mul3A_371 : i32
    %add3A_373 = arith.addi %mul3A_370, %mul3A_372 : i32
    "tpu.region"() ({
      %run_scoped3A = tpu.sem_alloc : memref<!tpu.dma_semaphore, #tpu.memory_space<semaphore_mem>>
      %dma_start3A_374 = arith.constant 0 : i32
      %dma_start3A_375 = tpu.memref_slice %arg5[%add3A_373, %dma_start3A_374] : memref<100000x32xf32, #tpu.memory_space<hbm>> -> memref<3125x32xf32, #tpu.memory_space<hbm>>
      %dma_start3A_376 = arith.constant 0 : i32
      %dma_start3A_377 = tpu.memref_slice %arg13[%mul3A_368, %dma_start3A_376] : memref<50008x32xf32, #tpu.memory_space<vmem_shared>> -> memref<3125x32xf32, #tpu.memory_space<vmem_shared>>
      tpu.enqueue_dma source(%dma_start3A_377 : memref<3125x32xf32, #tpu.memory_space<vmem_shared>>) target(%dma_start3A_375 : memref<3125x32xf32, #tpu.memory_space<hbm>>) target_semaphore(%run_scoped3A : memref<!tpu.dma_semaphore, #tpu.memory_space<semaphore_mem>>)
      %dma_wait3A_378 = arith.constant 0 : i32
      %dma_wait3A_379 = tpu.memref_slice %arg5[%add3A_373, %dma_wait3A_378] : memref<100000x32xf32, #tpu.memory_space<hbm>> -> memref<3125x32xf32, #tpu.memory_space<hbm>>
      %dma_wait3A_380 = arith.constant 0 : i32
      %dma_wait3A_381 = tpu.memref_slice %arg13[%mul3A_368, %dma_wait3A_380] : memref<50008x32xf32, #tpu.memory_space<vmem_shared>> -> memref<3125x32xf32, #tpu.memory_space<vmem_shared>>
      tpu.wait_dma2 semaphore(%run_scoped3A : memref<!tpu.dma_semaphore, #tpu.memory_space<semaphore_mem>>) src(%dma_wait3A_381 : memref<3125x32xf32, #tpu.memory_space<vmem_shared>>) dst(%dma_wait3A_379 : memref<3125x32xf32, #tpu.memory_space<hbm>>)
      tpu.yield
    }) : () -> ()
    return
  }
}

module attributes {stable_mosaic.version = 14 : i64} {
  func.func @body(%arg0: i32, %arg1: memref<2000x128xf32, #tpu.memory_space<vmem>>, %arg2: memref<128x64xf32, #tpu.memory_space<vmem>>, %arg3: memref<1x64xf32, #tpu.memory_space<vmem>>, %arg4: memref<2x2000x32xf32, #tpu.memory_space<vmem>>) attributes {dimension_semantics = [#tpu.dimension_semantics<arbitrary>], iteration_bounds = array<i64: 25>, scalar_prefetch = 0 : i64, scratch_operands = 0 : i64, tpu.core_type = #tpu.core_type<tc>, window_params = [{transform_indices = @transform_0, window_bounds = array<i64: 2000, 128>}, {pipeline_mode = #tpu.pipeline_mode<synchronous>, transform_indices = @transform_1, window_bounds = array<i64: 128, 64>}, {pipeline_mode = #tpu.pipeline_mode<synchronous>, transform_indices = @transform_2, window_bounds = array<i64: 1, 64>}, {transform_indices = @transform_3, window_bounds = array<i64: 2, 2000, 32>}]} {
    %get3A = arith.constant 0 : index
    %get3A_0 = arith.constant 0 : index
    %get3A_1 = vector.load %arg1[%get3A, %get3A_0] : memref<2000x128xf32, #tpu.memory_space<vmem>>, vector<2000x128xf32>
    %get3A_2 = arith.constant 0 : index
    %get3A_3 = arith.constant 0 : index
    %get3A_4 = vector.load %arg2[%get3A_2, %get3A_3] : memref<128x64xf32, #tpu.memory_space<vmem>>, vector<128x64xf32>
    %dot_general3A = arith.constant dense<0.000000e+00> : vector<2000x64xf32>
    %dot_general3A_5 = tpu.matmul %get3A_1, %get3A_4, %dot_general3A {dimension_numbers = #tpu.dot_dimension_numbers<[1], [0], [0], [1], [0, 0, 1, 1], [], []>, transpose_lhs_hint = false} : vector<2000x128xf32>, vector<128x64xf32>, vector<2000x64xf32> -> vector<2000x64xf32>
    %get3A_6 = arith.constant 0 : index
    %get3A_7 = arith.constant 0 : index
    %get3A_8 = vector.load %arg3[%get3A_6, %get3A_7] : memref<1x64xf32, #tpu.memory_space<vmem>>, vector<1x64xf32>
    %add3A = vector.broadcast %get3A_8 : vector<1x64xf32> to vector<2000x64xf32>
    %add3A_9 = arith.addf %dot_general3A_5, %add3A : vector<2000x64xf32>
    %max3A = arith.constant 0.000000e+00 : f32
    %max3A_10 = vector.broadcast %max3A : f32 to vector<2000x64xf32>
    %max3A_11 = arith.maximumf %add3A_9, %max3A_10 : vector<2000x64xf32>
    %slice3A = vector.extract_strided_slice %max3A_11 {offsets = [0, 0], sizes = [2000, 32], strides = [1, 1]} : vector<2000x64xf32> to vector<2000x32xf32>
    %swap3A = arith.constant 0 : index
    %swap3A_12 = arith.constant 0 : index
    %swap3A_13 = arith.constant 0 : index
    %swap3A_14 = vector.load %arg4[%swap3A, %swap3A_12, %swap3A_13] : memref<2x2000x32xf32, #tpu.memory_space<vmem>>, vector<1x2000x32xf32>
    %swap3A_15 = vector.shape_cast %swap3A_14 : vector<1x2000x32xf32> to vector<2000x32xf32>
    %swap3A_16 = vector.shape_cast %slice3A : vector<2000x32xf32> to vector<1x2000x32xf32>
    tpu.vector_store %arg4[%swap3A, %swap3A_12, %swap3A_13], %swap3A_16 {strides = array<i32>} : memref<2x2000x32xf32, #tpu.memory_space<vmem>>, vector<1x2000x32xf32>,
    %slice3A_17 = vector.extract_strided_slice %max3A_11 {offsets = [0, 32], sizes = [2000, 32], strides = [1, 1]} : vector<2000x64xf32> to vector<2000x32xf32>
    %swap3A_18 = arith.constant 1 : index
    %swap3A_19 = arith.constant 0 : index
    %swap3A_20 = arith.constant 0 : index
    %swap3A_21 = vector.load %arg4[%swap3A_18, %swap3A_19, %swap3A_20] : memref<2x2000x32xf32, #tpu.memory_space<vmem>>, vector<1x2000x32xf32>
    %swap3A_22 = vector.shape_cast %swap3A_21 : vector<1x2000x32xf32> to vector<2000x32xf32>
    %swap3A_23 = vector.shape_cast %slice3A_17 : vector<2000x32xf32> to vector<1x2000x32xf32>
    tpu.vector_store %arg4[%swap3A_18, %swap3A_19, %swap3A_20], %swap3A_23 {strides = array<i32>} : memref<2x2000x32xf32, #tpu.memory_space<vmem>>, vector<1x2000x32xf32>,
    return
  }
  func.func @transform_0(%arg0: i32) -> (i32, i32) {
    %c0_i32 = arith.constant 0 : i32
    %c0_i32_0 = arith.constant 0 : i32
    return %arg0, %c0_i32 : i32, i32
  }
  func.func @transform_1(%arg0: i32) -> (i32, i32) {
    %c0_i32 = arith.constant 0 : i32
    %c0_i32_0 = arith.constant 0 : i32
    %c0_i32_1 = arith.constant 0 : i32
    return %c0_i32, %c0_i32_0 : i32, i32
  }
  func.func @transform_2(%arg0: i32) -> (i32, i32) {
    %c0_i32 = arith.constant 0 : i32
    %c0_i32_0 = arith.constant 0 : i32
    %c0_i32_1 = arith.constant 0 : i32
    return %c0_i32, %c0_i32_0 : i32, i32
  }
  func.func @transform_3(%arg0: i32) -> (i32, i32, i32) {
    %c0_i32 = arith.constant 0 : i32
    %c0_i32_0 = arith.constant 0 : i32
    %c0_i32_1 = arith.constant 0 : i32
    return %c0_i32, %arg0, %c0_i32_0 : i32, i32, i32
  }
}

module attributes {stable_mosaic.version = 14 : i64} {
  func.func @body(%arg0: i32, %arg1: memref<2x2000x32xf32, #tpu.memory_space<vmem>>, %arg2: memref<2x2000x32xf32, #tpu.memory_space<vmem>>, %arg3: memref<64x64xf32, #tpu.memory_space<vmem>>, %arg4: memref<1x64xf32, #tpu.memory_space<vmem>>, %arg5: memref<2x2000x32xf32, #tpu.memory_space<vmem>>) attributes {dimension_semantics = [#tpu.dimension_semantics<arbitrary>], iteration_bounds = array<i64: 25>, scalar_prefetch = 0 : i64, scratch_operands = 0 : i64, tpu.core_type = #tpu.core_type<tc>, window_params = [{transform_indices = @transform_0, window_bounds = array<i64: 2, 2000, 32>}, {transform_indices = @transform_1, window_bounds = array<i64: 2, 2000, 32>}, {pipeline_mode = #tpu.pipeline_mode<synchronous>, transform_indices = @transform_2, window_bounds = array<i64: 64, 64>}, {pipeline_mode = #tpu.pipeline_mode<synchronous>, transform_indices = @transform_3, window_bounds = array<i64: 1, 64>}, {transform_indices = @transform_4, window_bounds = array<i64: 2, 2000, 32>}]} {
    %get3A = arith.constant 0 : index
    %get3A_0 = arith.constant 0 : index
    %get3A_1 = arith.constant 0 : index
    %get3A_2 = vector.load %arg1[%get3A, %get3A_0, %get3A_1] : memref<2x2000x32xf32, #tpu.memory_space<vmem>>, vector<1x2000x32xf32>
    %get3A_3 = vector.shape_cast %get3A_2 : vector<1x2000x32xf32> to vector<2000x32xf32>
    %get3A_4 = arith.constant 0 : index
    %get3A_5 = arith.constant 0 : index
    %get3A_6 = arith.constant 0 : index
    %get3A_7 = vector.load %arg2[%get3A_4, %get3A_5, %get3A_6] : memref<2x2000x32xf32, #tpu.memory_space<vmem>>, vector<1x2000x32xf32>
    %get3A_8 = vector.shape_cast %get3A_7 : vector<1x2000x32xf32> to vector<2000x32xf32>
    %add3A = arith.addf %get3A_3, %get3A_8 : vector<2000x32xf32>
    %get3A_9 = arith.constant 1 : index
    %get3A_10 = arith.constant 0 : index
    %get3A_11 = arith.constant 0 : index
    %get3A_12 = vector.load %arg1[%get3A_9, %get3A_10, %get3A_11] : memref<2x2000x32xf32, #tpu.memory_space<vmem>>, vector<1x2000x32xf32>
    %get3A_13 = vector.shape_cast %get3A_12 : vector<1x2000x32xf32> to vector<2000x32xf32>
    %get3A_14 = arith.constant 1 : index
    %get3A_15 = arith.constant 0 : index
    %get3A_16 = arith.constant 0 : index
    %get3A_17 = vector.load %arg2[%get3A_14, %get3A_15, %get3A_16] : memref<2x2000x32xf32, #tpu.memory_space<vmem>>, vector<1x2000x32xf32>
    %get3A_18 = vector.shape_cast %get3A_17 : vector<1x2000x32xf32> to vector<2000x32xf32>
    %add3A_19 = arith.addf %get3A_13, %get3A_18 : vector<2000x32xf32>
    %concatenate3A = tpu.concatenate %add3A, %add3A_19 in 1 : vector<2000x32xf32>, vector<2000x32xf32> -> vector<2000x64xf32>
    %get3A_20 = arith.constant 0 : index
    %get3A_21 = arith.constant 0 : index
    %get3A_22 = vector.load %arg3[%get3A_20, %get3A_21] : memref<64x64xf32, #tpu.memory_space<vmem>>, vector<64x64xf32>
    %dot_general3A = arith.constant dense<0.000000e+00> : vector<2000x64xf32>
    %dot_general3A_23 = tpu.matmul %concatenate3A, %get3A_22, %dot_general3A {dimension_numbers = #tpu.dot_dimension_numbers<[1], [0], [0], [1], [0, 0, 1, 1], [], []>, transpose_lhs_hint = false} : vector<2000x64xf32>, vector<64x64xf32>, vector<2000x64xf32> -> vector<2000x64xf32>
    %get3A_24 = arith.constant 0 : index
    %get3A_25 = arith.constant 0 : index
    %get3A_26 = vector.load %arg4[%get3A_24, %get3A_25] : memref<1x64xf32, #tpu.memory_space<vmem>>, vector<1x64xf32>
    %add3A_27 = vector.broadcast %get3A_26 : vector<1x64xf32> to vector<2000x64xf32>
    %add3A_28 = arith.addf %dot_general3A_23, %add3A_27 : vector<2000x64xf32>
    %max3A = arith.constant 0.000000e+00 : f32
    %max3A_29 = vector.broadcast %max3A : f32 to vector<2000x64xf32>
    %max3A_30 = arith.maximumf %add3A_28, %max3A_29 : vector<2000x64xf32>
    %slice3A = vector.extract_strided_slice %max3A_30 {offsets = [0, 0], sizes = [2000, 32], strides = [1, 1]} : vector<2000x64xf32> to vector<2000x32xf32>
    %swap3A = arith.constant 0 : index
    %swap3A_31 = arith.constant 0 : index
    %swap3A_32 = arith.constant 0 : index
    %swap3A_33 = vector.load %arg5[%swap3A, %swap3A_31, %swap3A_32] : memref<2x2000x32xf32, #tpu.memory_space<vmem>>, vector<1x2000x32xf32>
    %swap3A_34 = vector.shape_cast %swap3A_33 : vector<1x2000x32xf32> to vector<2000x32xf32>
    %swap3A_35 = vector.shape_cast %slice3A : vector<2000x32xf32> to vector<1x2000x32xf32>
    tpu.vector_store %arg5[%swap3A, %swap3A_31, %swap3A_32], %swap3A_35 {strides = array<i32>} : memref<2x2000x32xf32, #tpu.memory_space<vmem>>, vector<1x2000x32xf32>,
    %slice3A_36 = vector.extract_strided_slice %max3A_30 {offsets = [0, 32], sizes = [2000, 32], strides = [1, 1]} : vector<2000x64xf32> to vector<2000x32xf32>
    %swap3A_37 = arith.constant 1 : index
    %swap3A_38 = arith.constant 0 : index
    %swap3A_39 = arith.constant 0 : index
    %swap3A_40 = vector.load %arg5[%swap3A_37, %swap3A_38, %swap3A_39] : memref<2x2000x32xf32, #tpu.memory_space<vmem>>, vector<1x2000x32xf32>
    %swap3A_41 = vector.shape_cast %swap3A_40 : vector<1x2000x32xf32> to vector<2000x32xf32>
    %swap3A_42 = vector.shape_cast %slice3A_36 : vector<2000x32xf32> to vector<1x2000x32xf32>
    tpu.vector_store %arg5[%swap3A_37, %swap3A_38, %swap3A_39], %swap3A_42 {strides = array<i32>} : memref<2x2000x32xf32, #tpu.memory_space<vmem>>, vector<1x2000x32xf32>,
    return
  }
  func.func @transform_0(%arg0: i32) -> (i32, i32, i32) {
    %c0_i32 = arith.constant 0 : i32
    %c0_i32_0 = arith.constant 0 : i32
    %c0_i32_1 = arith.constant 0 : i32
    return %c0_i32, %arg0, %c0_i32_0 : i32, i32, i32
  }
  func.func @transform_1(%arg0: i32) -> (i32, i32, i32) {
    %c0_i32 = arith.constant 0 : i32
    %c0_i32_0 = arith.constant 0 : i32
    %c0_i32_1 = arith.constant 0 : i32
    return %c0_i32, %arg0, %c0_i32_0 : i32, i32, i32
  }
  func.func @transform_2(%arg0: i32) -> (i32, i32) {
    %c0_i32 = arith.constant 0 : i32
    %c0_i32_0 = arith.constant 0 : i32
    %c0_i32_1 = arith.constant 0 : i32
    return %c0_i32, %c0_i32_0 : i32, i32
  }
  func.func @transform_3(%arg0: i32) -> (i32, i32) {
    %c0_i32 = arith.constant 0 : i32
    %c0_i32_0 = arith.constant 0 : i32
    %c0_i32_1 = arith.constant 0 : i32
    return %c0_i32, %c0_i32_0 : i32, i32
  }
  func.func @transform_4(%arg0: i32) -> (i32, i32, i32) {
    %c0_i32 = arith.constant 0 : i32
    %c0_i32_0 = arith.constant 0 : i32
    %c0_i32_1 = arith.constant 0 : i32
    return %c0_i32, %arg0, %c0_i32_0 : i32, i32, i32
  }
}

module attributes {stable_mosaic.version = 14 : i64} {
  func.func @body(%arg0: i32, %arg1: memref<2x2000x32xf32, #tpu.memory_space<vmem>>, %arg2: memref<2x2000x32xf32, #tpu.memory_space<vmem>>, %arg3: memref<64x64xf32, #tpu.memory_space<vmem>>, %arg4: memref<1x64xf32, #tpu.memory_space<vmem>>, %arg5: memref<64x5xf32, #tpu.memory_space<vmem>>, %arg6: memref<1x5xf32, #tpu.memory_space<vmem>>, %arg7: memref<1x5xf32, #tpu.memory_space<vmem>>, %arg8: memref<1x64xf32, #tpu.memory_space<vmem>>) attributes {dimension_semantics = [#tpu.dimension_semantics<arbitrary>], iteration_bounds = array<i64: 25>, scalar_prefetch = 0 : i64, scratch_operands = 1 : i64, tpu.core_type = #tpu.core_type<tc>, window_params = [{transform_indices = @transform_0, window_bounds = array<i64: 2, 2000, 32>}, {transform_indices = @transform_1, window_bounds = array<i64: 2, 2000, 32>}, {pipeline_mode = #tpu.pipeline_mode<synchronous>, transform_indices = @transform_2, window_bounds = array<i64: 64, 64>}, {pipeline_mode = #tpu.pipeline_mode<synchronous>, transform_indices = @transform_3, window_bounds = array<i64: 1, 64>}, {pipeline_mode = #tpu.pipeline_mode<synchronous>, transform_indices = @transform_4, window_bounds = array<i64: 64, 5>}, {pipeline_mode = #tpu.pipeline_mode<synchronous>, transform_indices = @transform_5, window_bounds = array<i64: 1, 5>}, {pipeline_mode = #tpu.pipeline_mode<synchronous>, transform_indices = @transform_6, window_bounds = array<i64: 1, 5>}]} {
    %get3A = arith.constant 0 : index
    %get3A_0 = arith.constant 0 : index
    %get3A_1 = arith.constant 0 : index
    %get3A_2 = vector.load %arg1[%get3A, %get3A_0, %get3A_1] : memref<2x2000x32xf32, #tpu.memory_space<vmem>>, vector<1x2000x32xf32>
    %get3A_3 = vector.shape_cast %get3A_2 : vector<1x2000x32xf32> to vector<2000x32xf32>
    %get3A_4 = arith.constant 0 : index
    %get3A_5 = arith.constant 0 : index
    %get3A_6 = arith.constant 0 : index
    %get3A_7 = vector.load %arg2[%get3A_4, %get3A_5, %get3A_6] : memref<2x2000x32xf32, #tpu.memory_space<vmem>>, vector<1x2000x32xf32>
    %get3A_8 = vector.shape_cast %get3A_7 : vector<1x2000x32xf32> to vector<2000x32xf32>
    %add3A = arith.addf %get3A_3, %get3A_8 : vector<2000x32xf32>
    %get3A_9 = arith.constant 1 : index
    %get3A_10 = arith.constant 0 : index
    %get3A_11 = arith.constant 0 : index
    %get3A_12 = vector.load %arg1[%get3A_9, %get3A_10, %get3A_11] : memref<2x2000x32xf32, #tpu.memory_space<vmem>>, vector<1x2000x32xf32>
    %get3A_13 = vector.shape_cast %get3A_12 : vector<1x2000x32xf32> to vector<2000x32xf32>
    %get3A_14 = arith.constant 1 : index
    %get3A_15 = arith.constant 0 : index
    %get3A_16 = arith.constant 0 : index
    %get3A_17 = vector.load %arg2[%get3A_14, %get3A_15, %get3A_16] : memref<2x2000x32xf32, #tpu.memory_space<vmem>>, vector<1x2000x32xf32>
    %get3A_18 = vector.shape_cast %get3A_17 : vector<1x2000x32xf32> to vector<2000x32xf32>
    %add3A_19 = arith.addf %get3A_13, %get3A_18 : vector<2000x32xf32>
    %concatenate3A = tpu.concatenate %add3A, %add3A_19 in 1 : vector<2000x32xf32>, vector<2000x32xf32> -> vector<2000x64xf32>
    %get3A_20 = arith.constant 0 : index
    %get3A_21 = arith.constant 0 : index
    %get3A_22 = vector.load %arg3[%get3A_20, %get3A_21] : memref<64x64xf32, #tpu.memory_space<vmem>>, vector<64x64xf32>
    %dot_general3A = arith.constant dense<0.000000e+00> : vector<2000x64xf32>
    %dot_general3A_23 = tpu.matmul %concatenate3A, %get3A_22, %dot_general3A {dimension_numbers = #tpu.dot_dimension_numbers<[1], [0], [0], [1], [0, 0, 1, 1], [], []>, transpose_lhs_hint = false} : vector<2000x64xf32>, vector<64x64xf32>, vector<2000x64xf32> -> vector<2000x64xf32>
    %get3A_24 = arith.constant 0 : index
    %get3A_25 = arith.constant 0 : index
    %get3A_26 = vector.load %arg4[%get3A_24, %get3A_25] : memref<1x64xf32, #tpu.memory_space<vmem>>, vector<1x64xf32>
    %add3A_27 = vector.broadcast %get3A_26 : vector<1x64xf32> to vector<2000x64xf32>
    %add3A_28 = arith.addf %dot_general3A_23, %add3A_27 : vector<2000x64xf32>
    %max3A = arith.constant 0.000000e+00 : f32
    %max3A_29 = vector.broadcast %max3A : f32 to vector<2000x64xf32>
    %max3A_30 = arith.maximumf %add3A_28, %max3A_29 : vector<2000x64xf32>
    %reduce_sum3A = arith.constant dense<0.000000e+00> : vector<64xf32>
    %reduce_sum3A_31 = vector.multi_reduction <add>, %max3A_30, %reduce_sum3A [0] : vector<2000x64xf32> to vector<64xf32>
    %broadcast_in_dim3A = vector.shape_cast %reduce_sum3A_31 : vector<64xf32> to vector<1x64xf32>
    %eq3A = arith.constant 0 : i32
    %eq3A_32 = arith.cmpi eq, %arg0, %eq3A : i32
    %convert_element_type3A = arith.extui %eq3A_32 : i1 to i32
    %cond3A = arith.constant 0 : i32
    %cond3A_33 = arith.cmpi ne, %convert_element_type3A, %cond3A : i32
    scf.if %cond3A_33 {
      %swap3A = arith.constant 0 : index
      %swap3A_43 = arith.constant 0 : index
      %swap3A_44 = vector.load %arg8[%swap3A, %swap3A_43] : memref<1x64xf32, #tpu.memory_space<vmem>>, vector<1x64xf32>
      tpu.vector_store %arg8[%swap3A, %swap3A_43], %broadcast_in_dim3A {strides = array<i32>} : memref<1x64xf32, #tpu.memory_space<vmem>>, vector<1x64xf32>,
    } else {
    }
    %ne3A = arith.constant 0 : i32
    %ne3A_34 = arith.cmpi ne, %arg0, %ne3A : i32
    %convert_element_type3A_35 = arith.extui %ne3A_34 : i1 to i32
    %cond3A_36 = arith.constant 0 : i32
    %cond3A_37 = arith.cmpi ne, %convert_element_type3A_35, %cond3A_36 : i32
    scf.if %cond3A_37 {
      %get3A_43 = arith.constant 0 : index
      %get3A_44 = arith.constant 0 : index
      %get3A_45 = vector.load %arg8[%get3A_43, %get3A_44] : memref<1x64xf32, #tpu.memory_space<vmem>>, vector<1x64xf32>
      %add3A_46 = arith.addf %get3A_45, %broadcast_in_dim3A : vector<1x64xf32>
      %swap3A = arith.constant 0 : index
      %swap3A_47 = arith.constant 0 : index
      %swap3A_48 = vector.load %arg8[%swap3A, %swap3A_47] : memref<1x64xf32, #tpu.memory_space<vmem>>, vector<1x64xf32>
      tpu.vector_store %arg8[%swap3A, %swap3A_47], %add3A_46 {strides = array<i32>} : memref<1x64xf32, #tpu.memory_space<vmem>>, vector<1x64xf32>,
    } else {
    }
    %eq3A_38 = arith.constant 24 : i32
    %eq3A_39 = arith.cmpi eq, %arg0, %eq3A_38 : i32
    %convert_element_type3A_40 = arith.extui %eq3A_39 : i1 to i32
    %cond3A_41 = arith.constant 0 : i32
    %cond3A_42 = arith.cmpi ne, %convert_element_type3A_40, %cond3A_41 : i32
    scf.if %cond3A_42 {
      %get3A_43 = arith.constant 0 : index
      %get3A_44 = arith.constant 0 : index
      %get3A_45 = vector.load %arg8[%get3A_43, %get3A_44] : memref<1x64xf32, #tpu.memory_space<vmem>>, vector<1x64xf32>
      %mul3A = arith.constant 2.000000e-05 : f32
      %mul3A_46 = vector.broadcast %mul3A : f32 to vector<1x64xf32>
      %mul3A_47 = arith.mulf %get3A_45, %mul3A_46 : vector<1x64xf32>
      %get3A_48 = arith.constant 0 : index
      %get3A_49 = arith.constant 0 : index
      %get3A_50 = vector.load %arg5[%get3A_48, %get3A_49] : memref<64x5xf32, #tpu.memory_space<vmem>>, vector<64x5xf32>
      %dot_general3A_51 = arith.constant dense<0.000000e+00> : vector<1x5xf32>
      %dot_general3A_52 = tpu.matmul %mul3A_47, %get3A_50, %dot_general3A_51 {dimension_numbers = #tpu.dot_dimension_numbers<[1], [0], [0], [1], [0, 0, 1, 1], [], []>, transpose_lhs_hint = false} : vector<1x64xf32>, vector<64x5xf32>, vector<1x5xf32> -> vector<1x5xf32>
      %get3A_53 = arith.constant 0 : index
      %get3A_54 = arith.constant 0 : index
      %get3A_55 = vector.load %arg6[%get3A_53, %get3A_54] : memref<1x5xf32, #tpu.memory_space<vmem>>, vector<1x5xf32>
      %add3A_56 = arith.addf %dot_general3A_52, %get3A_55 : vector<1x5xf32>
      %swap3A = arith.constant 0 : index
      %swap3A_57 = arith.constant 0 : index
      %swap3A_58 = vector.load %arg7[%swap3A, %swap3A_57] : memref<1x5xf32, #tpu.memory_space<vmem>>, vector<1x5xf32>
      tpu.vector_store %arg7[%swap3A, %swap3A_57], %add3A_56 {strides = array<i32>} : memref<1x5xf32, #tpu.memory_space<vmem>>, vector<1x5xf32>,
    } else {
    }
    return
  }
  func.func @transform_0(%arg0: i32) -> (i32, i32, i32) {
    %c0_i32 = arith.constant 0 : i32
    %c0_i32_0 = arith.constant 0 : i32
    %c0_i32_1 = arith.constant 0 : i32
    return %c0_i32, %arg0, %c0_i32_0 : i32, i32, i32
  }
  func.func @transform_1(%arg0: i32) -> (i32, i32, i32) {
    %c0_i32 = arith.constant 0 : i32
    %c0_i32_0 = arith.constant 0 : i32
    %c0_i32_1 = arith.constant 0 : i32
    return %c0_i32, %arg0, %c0_i32_0 : i32, i32, i32
  }
  func.func @transform_2(%arg0: i32) -> (i32, i32) {
    %c0_i32 = arith.constant 0 : i32
    %c0_i32_0 = arith.constant 0 : i32
    %c0_i32_1 = arith.constant 0 : i32
    return %c0_i32, %c0_i32_0 : i32, i32
  }
  func.func @transform_3(%arg0: i32) -> (i32, i32) {
    %c0_i32 = arith.constant 0 : i32
    %c0_i32_0 = arith.constant 0 : i32
    %c0_i32_1 = arith.constant 0 : i32
    return %c0_i32, %c0_i32_0 : i32, i32
  }
  func.func @transform_4(%arg0: i32) -> (i32, i32) {
    %c0_i32 = arith.constant 0 : i32
    %c0_i32_0 = arith.constant 0 : i32
    %c0_i32_1 = arith.constant 0 : i32
    return %c0_i32, %c0_i32_0 : i32, i32
  }
  func.func @transform_5(%arg0: i32) -> (i32, i32) {
    %c0_i32 = arith.constant 0 : i32
    %c0_i32_0 = arith.constant 0 : i32
    %c0_i32_1 = arith.constant 0 : i32
    return %c0_i32, %c0_i32_0 : i32, i32
  }
  func.func @transform_6(%arg0: i32) -> (i32, i32) {
    %c0_i32 = arith.constant 0 : i32
    %c0_i32_0 = arith.constant 0 : i32
    %c0_i32_1 = arith.constant 0 : i32
    return %c0_i32, %c0_i32_0 : i32, i32
  }
}

</mosaic_0001>

<sc_bundles>
// kernel: kernel.10.cloned.1.call-start
scs
__scs_entry_jumppad:
0x0: {  	(pc) =	sbr.rel $0x88, $3  }
0x1: {  	(tag) =	ssettag $0x0;
	lr =	simm.s32 $0x1  }
0x2: {  	[smem:$0x3F99] =	sst lr;
	_ =	strace $0xD0000000  }
0x3: {  	_ = 	snop  }
0x4: {  	_ = 	snop  }
0x5: {  	_ = 	snop  }
0x6: {  	_ = 	snop  }
0x7: {  	_ = 	snop  }
__scs_overlays_trampoline_lowered:
0x8: {  	[smem:$0x3FA8] =	sst s0  }
0x9: {  	[smem:$0x3FA9] =	sst s1  }
0xa: {  	[smem:$0x3FAA] =	sst s2  }
0xb: {  	[smem:$0x3FAB] =	sst s3  }
0xc: {  	[smem:$0x3FAC] =	sst s4  }
0xd: {  	[smem:$0x3FAD] =	sst s5  }
0xe: {  	[smem:$0x3FAE] =	sst s6  }
0xf: {  	[smem:$0x3FAF] =	sst s7  }
0x10: {  	[smem:$0x3FB0] =	sst s8  }
0x11: {  	[smem:$0x3FB1] =	sst s9;
	s0 =	simm.s32 @!p0 $0x0  }
0x12: {  	s1 =	sld [smem:$0x3F97];
	s0 =	simm.s32 @p0 $0x1  }
0x13: {  	[smem:$0x3FB2] =	sst s0;
	s0 =	simm.s32 @!p1 $0x0  }
0x14: {  	s2 =	sld [smem:$0x3F96];
	s0 =	simm.s32 @p1 $0x1  }
0x15: {  	[smem:$0x3FB3] =	sst s0;
	s0 =	simm.s32 @!p2 $0x0  }
0x16: {  	s3 =	sld [smem:$0x3FDB];
	s0 =	simm.s32 @p2 $0x1  }
0x17: {  	s4 =	simm.s32 $0x1BF5;
	[smem:$0x3FB5] =	sst s0  }
0x18: {  	s0 =	sld [smem:$0x3F98];
	_ =	swait.ge [sflag:s4], $0x0  }
0x19: {  	s7 =	sld [smem:$0x3F99]  }
0x1a: {  	s8 =	sadd.s32 $0xFFFFE003, lr  }
0x1b: {  	s9 =	sadd.s32 $0xFFFFFEF7, lr;
	s5 =	simm.s32 $0xFFFFFFFF;
	p2 =	slt.u32 s8, $0xFFFFF086  }
0x1c: {  	p1 =	slt.u32 s9, $0xF7A;
	s5 =	simm.s32 @!p2 $0x0  }
0x1d: {  	s5 =	simm.s32 @p1 $0x1;
	p0 =	seq.s32 s7, s2  }
0x1e: {  	s7 =	smul.u32 @!p0 $0xF7A, s2;
	p2 =	seq.s32 @!p0 s5, $0x0  }
0x1f: {  	s9 =	smul.u32 $0xF7A, s1;
	s8 =	simm.s32 @!p0 $0x1BF5;
	p2 =	por !p2, p0  }
0x20: {  	[sflag:s8] =	ssyncset.s32 @!p0 $0xFFFFF086;
	s6 =	sadd.s32 @!p0 s3, s7;
	s7 =	simm.s32 @!p0 $0x108  }
0x21: {  	s3 =	sadd.s32 s3, s9;
	s6 =	sadd.s32 @!p0 $0x88, s6;
	s7 =	simm.s32 @p2 $0x1082  }
0x22: {  	[simem:s7], [sflag:s8] =	dma.local @!p0 [hbm:s6], $0xF7A  }
0x23: {  	s9 =	sor.u32 $0xD0000000, s2;
	s6 =	simm.s32 $0x108;
	_ =	swait.ge @!p0 [sflag:s8], $0x0  }
0x24: {  	s3 =	sadd.s32 $0x88, s3;
	s6 =	simm.s32 @!p1 $0x1082;
	[sflag:s4] =	ssyncset.s32 $0xFFFFF086  }
0x25: {  	[simem:s6], [sflag:s4] =	dma.local [hbm:s3], $0xF7A  }
0x26: {  	[smem:$0x3F99] =	sst s1;
	(tag) =	ssettag s2;
	_ =	strace s9  }
0x27: {  	s1 =	sld [smem:$0x3FA9]  }
0x28: {  	s2 =	sld [smem:$0x3FAA]  }
0x29: {  	s4 =	sld [smem:$0x3FAC]  }
0x2a: {  	p0 =	seq.s32 s5, $0x0;
	s5 =	sld [smem:$0x3FAD]  }
0x2b: {  	s6 =	sld [smem:$0x3FAE]  }
0x2c: {  	s7 =	sld [smem:$0x3FAF]  }
0x2d: {  	s3 =	simm.s32 $0x108;
	s8 =	sld [smem:$0x3FB0]  }
0x2e: {  	s3 =	simm.s32 @!p0 $0x1082;
	s9 =	sld [smem:$0x3FB1]  }
0x2f: {  	lr =	sadd.s32 s0, s3;
	s0 =	sld [smem:$0x3FA8]  }
0x30: {  	s3 =	sld [smem:$0x3FAB]  }
0x31: {  	[smem:$0x3FB4] =	sst s10  }
0x32: {  	s10 =	sld [smem:$0x3FB2];
	_ =	sdelay $0x3  }
0x33: {  	p0 =	seq.s32 s10, $0x1;
	s10 =	sld [smem:$0x3FB4];
	_ =	sdelay $0x3  }
0x34: {  	[smem:$0x3FB4] =	sst s10  }
0x35: {  	s10 =	sld [smem:$0x3FB3];
	_ =	sdelay $0x3  }
0x36: {  	p1 =	seq.s32 s10, $0x1;
	s10 =	sld [smem:$0x3FB4];
	_ =	sdelay $0x3  }
0x37: {  	[smem:$0x3FB4] =	sst s10  }
0x38: {  	s10 =	sld [smem:$0x3FB5]  }
0x39: {  	_ = 	snop;
	(pc) =	sbr.ind lr, $3  }
0x3a: {  	_ = 	snop  }
0x3b: {  	_ = 	snop  }
0x3c: {  	p2 =	seq.s32 s10, $0x1;
	s10 =	sld [smem:$0x3FB4]  }
0x3d: {  	_ =	shalt  }
0x3e: {  	_ =	shalt  }
0x3f: {  	_ =	shalt  }
0x40: {  	_ =	shalt  }
0x41: {  	_ =	shalt  }
0x42: {  	_ =	shalt  }
0x43: {  	_ =	shalt  }
0x44: {  	_ =	shalt  }
0x45: {  	_ =	shalt  }
0x46: {  	_ =	shalt  }
0x47: {  	_ =	shalt  }
0x48: {  	_ =	shalt  }
0x49: {  	_ =	shalt  }
0x4a: {  	_ =	shalt  }
0x4b: {  	_ =	shalt  }
0x4c: {  	_ =	shalt  }
0x4d: {  	_ =	shalt  }
0x4e: {  	_ =	shalt  }
0x4f: {  	_ =	shalt  }
0x50: {  	_ =	shalt  }
0x51: {  	_ =	shalt  }
0x52: {  	_ =	shalt  }
0x53: {  	_ =	shalt  }
0x54: {  	_ =	shalt  }
0x55: {  	_ =	shalt  }
0x56: {  	_ =	shalt  }
0x57: {  	_ =	shalt  }
0x58: {  	_ =	shalt  }
0x59: {  	_ =	shalt  }
0x5a: {  	_ =	shalt  }
0x5b: {  	_ =	shalt  }
0x5c: {  	_ =	shalt  }
0x5d: {  	_ =	shalt  }
0x5e: {  	_ =	shalt  }
0x5f: {  	_ =	shalt  }
0x60: {  	_ =	shalt  }
0x61: {  	_ =	shalt  }
0x62: {  	_ =	shalt  }
0x63: {  	_ =	shalt  }
0x64: {  	_ =	shalt  }
0x65: {  	_ =	shalt  }
0x66: {  	_ =	shalt  }
0x67: {  	_ =	shalt  }
0x68: {  	_ =	shalt  }
0x69: {  	_ =	shalt  }
0x6a: {  	_ =	shalt  }
0x6b: {  	_ =	shalt  }
0x6c: {  	_ =	shalt  }
0x6d: {  	_ =	shalt  }
0x6e: {  	_ =	shalt  }
0x6f: {  	_ =	shalt  }
0x70: {  	_ =	shalt  }
0x71: {  	_ =	shalt  }
0x72: {  	_ =	shalt  }
0x73: {  	_ =	shalt  }
0x74: {  	_ =	shalt  }
0x75: {  	_ =	shalt  }
0x76: {  	_ =	shalt  }
0x77: {  	_ =	shalt  }
0x78: {  	_ =	shalt  }
0x79: {  	_ =	shalt  }
0x7a: {  	_ =	shalt  }
0x7b: {  	_ =	shalt  }
0x7c: {  	_ =	shalt  }
0x7d: {  	_ =	shalt  }
0x7e: {  	_ =	shalt  }
0x7f: {  	_ =	shalt  }
0x80: {  	_ =	shalt  }
0x81: {  	_ =	shalt  }
0x82: {  	_ =	shalt  }
0x83: {  	_ =	shalt  }
0x84: {  	_ =	shalt  }
0x85: {  	_ =	shalt  }
0x86: {  	_ =	shalt  }
0x87: {  	_ =	shalt  }
.Lfunc_end0:
.L_simem_size_0:
called_computation.1_lowered:
.L_overlay_start_0:
0x88: {  	s2 =	sld [smem:$0x3FD9]  }
0x89: {  	s3 =	sld [smem:$0x3FFE];
	_ =	sdelay $0x1  }
0x8a: {  	s1 =	srdreg.scid  }
0x8b: {  	s0 =	sand.u32 $0x1, s1  }
0x8c: {  	s16 =	sshll.u32 s0, $0xA;
	s2 =	sadd.s32 s3, s2  }
0x8d: {  	s2 =	sadd.s32 s2, s16  }
0x8e: {  	[smem:$0x3FC0] =	sst s2  }
0x8f: {  	_ = 	snop  }
0x90: {  	(tm) =	ssettm $0x1  }
0x91: {  	s17 =	sld [smem:$0x3FFB];
	_ =	sdelay $0x3  }
0x92: {  	_ =	strace s17  }
0x93: {  	s2 =	sld [smem:$0x3FFC];
	_ =	sdelay $0x3  }
0x94: {  	_ =	strace s2  }
0x95: {  	s2 =	sld [smem:$0x3FFD];
	_ =	sdelay $0x3  }
0x96: {  	_ =	strace s2  }
0x97: {  	_ =	strace $0x8FFFFFFF  }
0x98: {  	s18 =	sld [smem:$0x3FDB];
	_ =	sdelay $0x1  }
0x99: {  	s19 =	simm.s32 $_scs_section_size  }
0x9a: {  	s4 =	simm.s32 $_size__tile_overlayer_lowered;
	s5 =	simm.s32 $_tile_overlayer_lowered  }
0x9b: {  	s22 =	simm.s32 $0x1BFF;
	s21 =	sshll.u32 s5, $0x1;
	s2 =	sadd.s32 s19, s18  }
0x9c: {  	s6 =	simm.s32 $0x0;
	s20 =	sshll.u32 s4, $0x1;
	s4 =	sadd.s32 s21, s2  }
0x9d: {  	[timem:s6], [sflag:s22] =	dma.local [hbm:s4], s20  }
0x9e: {  	_ =	swait.ge [sflag:s22], s20  }
0x9f: {  	s3 =	ssub.s32 $0x0, s20;
	[sflag:s22] =	ssyncset.done $0x0  }
0xa0: {  	[sflag:s22] =	ssyncadd.s32 s3;
	_ =	sdelay $0x1  }
0xa1: {  	s23 =	simm.s32 $0x1B8B  }
0xa2: {  	_ =	swait.ge [sflag:s23], $0x1  }
0xa3: {  	[sflag:s23] =	ssyncset.done $0x0  }
0xa4: {  	s25 =	simm.s32 $0x1B8E;
	s24 =	sld [smem:$0x3FFE];
	[sflag:s23] =	ssyncadd.s32 $0xFFFFFFFF  }
0xa5: {  	s26 =	simm.s32 $execute0_lowered;
	[smem:$0x3FD2] =	sst s25  }
0xa6: {  	s4 =	sshll.u32 s26, $0x1;
	_ =	strace $0x80000049;
	[dreg:$0x1] =	wrdreg $0xFFFFFFFF  }
0xa7: {  	s28 =	simm.s32 $_size_execute0_lowered;
	s2 =	sadd.s32 s2, s4;
	[dreg:$0x0] =	wrdreg $0x0  }
0xa8: {  	s4 =	sshll.u32 s28, $0x1;
	[dreg:$0x2] =	wrdreg s2  }
0xa9: {  	[dreg:$0x3] =	wrdreg s4  }
0xaa: {  	[dreg:$0x4] =	wrdreg $0xC0  }
0xab: {  	_ =	task [dreg:s6], $0x5FFFF  }
0xac: {  	[dreg:$0x1] =	wrdreg $0xFFFFFFFF  }
0xad: {  	[dreg:$0x0] =	wrdreg $0x60  }
0xae: {  	[dreg:$0x2] =	wrdreg s24  }
0xaf: {  	[dreg:$0x3] =	wrdreg $0x5C200  }
0xb0: {  	[dreg:$0x4] =	wrdreg $0x9  }
0xb1: {  	_ =	task.clear_ibuf [dreg:s6], $0x5FFFF;
	_ =	strace $0x90000049  }
0xb2: {  	s29 =	simm.s32 $0x9;
	_ =	strace $0x8000004B  }
0xb3: {  	_ =	swait.ge [sflag:s29], $0x1  }
0xb4: {  	[sflag:s29] =	ssyncadd.s32 $0xFFFFFFFF  }
0xb5: {  	_ =	strace $0x9000004B  }
0xb6: {  	_ =	sfence  }
0xb7: {  	s30 =	sld [smem:$0x0];
	_ =	sdelay $0x2  }
0xb8: {  	s31 =	sshll.u32 s1, $0xD;
	s1 =	sshrl.u32 s1, $0x2  }
0xb9: {  	s3 =	sand.u32 $0x4000, s31;
	s1 =	sadd.s32 s1, s30  }
0xba: {  	s0 =	sor.u32 s3, s0;
	s1 =	sshll.u32 s1, $0x11  }
0xbb: {  	s0 =	sor.u32 s1, s0  }
0xbc: {  	s0 =	sadd.s32 $0x8F2B, s0  }
0xbd: {  	[sflag:s0] =	ssyncadd.remote.s32 $0x1  }
0xbe: {  	_ =	sfence.sel $0xFFFF  }
0xbf: {  	[dreg:$0x0] =	wrdreg $0xFFFFFFFF;
	(pc) =	sbr.abs _section_cstart, $3  }
0xc0: {  	[dreg:$0x1] =	wrdreg $0xFFFFFFFF  }
0xc1: {  	_ =	task.clear_ibuf [dreg:s6], $0x2FFFF;
	_ =	strace $0x9FFFFFFF  }
0xc2: {  	(tm) =	ssettm $0x7FFFFFFF  }
0xc3: {  	_ =	shalt  }
tec
execute0_lowered:
.L_overlay_start_1:
0x0: {  	(tag) =	ssettag $0x1  }
0x1: {  	s10 =	stileid.u32  }
0x2: {  	s0 =	rddreg [dreg:$0x0];
	s5 =	smul.u32 $0x30D4, s10  }
0x3: {  	s3 =	srdreg.scid;
	s8 =	smul.u32 $0x61A80, s10  }
0x4: {  	s2 =	simm.s32 $0x0;
	s3 =	sand.u32 $0x1, s3;
	s14 =	smul.u32 $0xC3C0, s10  }
0x5: {  	[smem:$0x7FF] =	sst s2;
	s7 =	sadd.s32 $0x201A00, s0;
	s4 =	smul.u32 $0x30D40, s3  }
0x6: {  	s1 =	rddreg [dreg:$0x1];
	s9 =	sadd.s32 $0x1E9200, s0;
	_ =	strace $0x8000004A  }
0x7: {  	s6 =	sadd.s32 s4, s0;
	s4 =	sadd.s32 s5, s4;
	s5 =	sshrl.u32 s14, $0x3  }
0x8: {  	s13 =	sshrl.u32 s8, $0x2;
	s0 =	sadd.s32 s4, s0;
	s11 =	sadd.s32 s7, s5  }
0x9: {  	s4 =	sadd.s32 s13, s1;
	s23 =	sadd.s32 s9, s5;
	[dreg:$0xa] =	wrdreg s11  }
0xa: {  	s15 =	sadd.s32 $0xFA0, s4;
	[dreg:$0xb] =	wrdreg s23  }
0xb: {  	s16 =	sadd.s32 $0x1F40, s4;
	[dreg:$0x3] =	wrdreg s15  }
0xc: {  	s17 =	sadd.s32 $0x2EE0, s4;
	[dreg:$0x4] =	wrdreg s16  }
0xd: {  	s28 =	simm.s32 $0x2;
	s18 =	sadd.s32 $0x3E80, s4;
	[dreg:$0x5] =	wrdreg s17  }
0xe: {  	s29 =	simm.s32 $0x2880;
	s19 =	sadd.s32 $0x4E20, s4;
	[dreg:$0x6] =	wrdreg s18  }
0xf: {  	s30 =	simm.s32 $0x5;
	s20 =	sadd.s32 $0x5DC0, s4;
	[dreg:$0x7] =	wrdreg s19  }
0x10: {  	s22 =	sadd.s32 $0x24, s5;
	s21 =	sadd.s32 $0x6D60, s4;
	[dreg:$0x8] =	wrdreg s20  }
0x11: {  	s25 =	sadd.s32 $0x1854, s5;
	s24 =	sadd.s32 s7, s22;
	[dreg:$0x9] =	wrdreg s21  }
0x12: {  	s5 =	sadd.s32 $0x1830, s5;
	s8 =	sadd.s32 s9, s22;
	[dreg:$0xc] =	wrdreg s24  }
0x13: {  	s31 =	simm.s32 $0x4;
	s26 =	sadd.s32 s7, s5;
	[dreg:$0xd] =	wrdreg s8  }
0x14: {  	s10 =	smul.u32 $0x1878, s10;
	s5 =	sadd.s32 s9, s5;
	[dreg:$0xe] =	wrdreg s26  }
0x15: {  	s3 =	ssub.s32 $0x2, s3;
	s0 =	sadd.s32 $0x62800, s0;
	[dreg:$0xf] =	wrdreg s5  }
0x16: {  	s12 =	sshrl.u32 s3, $0x1;
	s11 =	sadd.s32 $0x9C40, s4;
	[dreg:$0x11] =	wrdreg s0  }
0x17: {  	s3 =	ssub.s32 s3, s12;
	s12 =	sadd.s32 $0xABE0, s4;
	[dreg:$0x14] =	wrdreg s11  }
0x18: {  	s23 =	sadd.s32 $0xC00, s6;
	s13 =	sadd.s32 $0xBB80, s4;
	[dreg:$0x15] =	wrdreg s12  }
0x19: {  	s14 =	sadd.s32 $0xCB20, s4;
	s22 =	sadd.s32 $0x109A0, s4;
	[dreg:$0x16] =	wrdreg s13  }
0x1a: {  	s16 =	sadd.s32 s7, s25;
	s17 =	sadd.s32 s9, s25;
	[dreg:$0x17] =	wrdreg s14  }
0x1b: {  	s20 =	sadd.s32 s10, s9;
	s8 =	sadd.s32 $0x7D00, s4;
	[dreg:$0x1b] =	wrdreg s22  }
0x1c: {  	s21 =	sadd.s32 s10, s7;
	s9 =	smax.u32 s3, $0x1;
	[dreg:$0x10] =	wrdreg s8  }
0x1d: {  	s10 =	sadd.s32 $0x8CA0, s4;
	s15 =	sadd.s32 $0xDAC0, s4;
	[dreg:$0x12] =	wrdreg s9  }
0x1e: {  	s18 =	sadd.s32 $0xEA60, s4;
	s19 =	sadd.s32 $0xFA00, s4;
	[dreg:$0x13] =	wrdreg s10  }
0x1f: {  	s24 =	sadd.s32 $0x11940, s4;
	s25 =	sadd.s32 $0x128E0, s4;
	[dreg:$0x18] =	wrdreg s15  }
0x20: {  	s26 =	sadd.s32 $0x13880, s4;
	s11 =	sadd.s32 $0x157C0, s4;
	[dreg:$0x19] =	wrdreg s18  }
0x21: {  	s12 =	sadd.s32 $0x16760, s4;
	s13 =	sadd.s32 $0x17700, s4;
	[dreg:$0x1a] =	wrdreg s19  }
0x22: {  	s14 =	simm.s32 $0x4C80;
	s22 =	simm.s32 $0x1;
	[dreg:$0x1c] =	wrdreg s24  }
0x23: {  	s0 =	simm.s32 $0x6;
	s3 =	simm.s32 $0x8;
	[dreg:$0x1d] =	wrdreg s25  }
0x24: {  	s5 =	simm.s32 $0x0;
	[dreg:$0x1e] =	wrdreg s26;
	s10 =	sadd.s32 $0x14820, s4  }
0x25: {  	s15 =	simm.s32 $0x240;
	s18 =	simm.s32 $0x120;
	s19 =	simm.s32 $0x360  }
0x26: {  	v0 =	vimm.f32 $0.0e+00;
	s24 =	simm.s32 $0x480;
	s25 =	simm.s32 $0x7;
	s26 =	simm.s32 $0x3  }
.LBB2_1:
0x27: {  	s6 =	simm.s32 $0x80;
	s7 =	simm.s32 $0x0  }
.LBB2_2:
0x28: {  	p0 =	sne.s32 s6, $0x3E00;
	[tilespmem:s7+$0x4C80] =	vst v0;
	s8 =	smov.u32 s6;
	s6 =	sadd.s32 $0x80, s6  }
.Ltmp0:
0x29: {  	[tilespmem:s7+$0x4C90] =	vst v0;
	(pc) =	sbr.rel @p0 .LBB2_2-.Ltmp0, $2  }
0x2a: {  	_ =	sdelay $0x2  }
0x2b: {  	s7 =	sshra.s32 s8, $0x2  }
0x2c: {  	[tilespmem:s7+$0x4C80] =	vst v0  }
0x2d: {  	[tilespmem:s7+$0x4C90] =	vst v0  }
0x2e: {  	[spmem:s4] =	stream.linear.scatter [tilespmem:s14], [sflag:$0x7], $0xFA0, $0x38;
	[tilespmem:$0x1E2D0] =	vst v63  }
0x2f: {  	s6 =	rddreg [dreg:$0x3]  }
0x30: {  	[spmem:s6] =	stream.linear.scatter [tilespmem:s14], [sflag:$0x7], $0xFA0, $0x38;
	[tilespmem:$0x1E2D0] =	vst v63  }
0x31: {  	s7 =	rddreg [dreg:$0x4]  }
0x32: {  	[spmem:s7] =	stream.linear.scatter [tilespmem:s14], [sflag:$0x7], $0xFA0, $0x38;
	[tilespmem:$0x1E2D0] =	vst v63  }
0x33: {  	s8 =	rddreg [dreg:$0x5]  }
0x34: {  	[spmem:s8] =	stream.linear.scatter [tilespmem:s14], [sflag:$0x7], $0xFA0, $0x38;
	[tilespmem:$0x1E2D0] =	vst v63  }
0x35: {  	s9 =	rddreg [dreg:$0x6]  }
0x36: {  	[spmem:s9] =	stream.linear.scatter [tilespmem:s14], [sflag:$0x7], $0xFA0, $0x38;
	[tilespmem:$0x1E2D0] =	vst v63  }
0x37: {  	s7 =	rddreg [dreg:$0x7]  }
0x38: {  	[spmem:s7] =	stream.linear.scatter [tilespmem:s14], [sflag:$0x7], $0xFA0, $0x38;
	[tilespmem:$0x1E2D0] =	vst v63  }
0x39: {  	s8 =	rddreg [dreg:$0x8]  }
0x3a: {  	[spmem:s8] =	stream.linear.scatter [tilespmem:s14], [sflag:$0x7], $0xFA0, $0x38;
	[tilespmem:$0x1E2D0] =	vst v63  }
0x3b: {  	s9 =	rddreg [dreg:$0x9]  }
0x3c: {  	[spmem:s9] =	stream.linear.scatter [tilespmem:s14], [sflag:$0x7], $0xFA0, $0x38;
	[tilespmem:$0x1E2D0] =	vst v63  }
0x3d: {  	s7 =	rddreg [dreg:$0x10]  }
0x3e: {  	[spmem:s7] =	stream.linear.scatter [tilespmem:s14], [sflag:$0x7], $0xFA0, $0x38;
	[tilespmem:$0x1E2D0] =	vst v63  }
0x3f: {  	s8 =	rddreg [dreg:$0x13]  }
0x40: {  	[spmem:s8] =	stream.linear.scatter [tilespmem:s14], [sflag:$0x7], $0xFA0, $0x38;
	[tilespmem:$0x1E2D0] =	vst v63  }
0x41: {  	s9 =	rddreg [dreg:$0x14]  }
0x42: {  	[spmem:s9] =	stream.linear.scatter [tilespmem:s14], [sflag:$0x7], $0xFA0, $0x38;
	[tilespmem:$0x1E2D0] =	vst v63  }
0x43: {  	s7 =	rddreg [dreg:$0x15]  }
0x44: {  	[spmem:s7] =	stream.linear.scatter [tilespmem:s14], [sflag:$0x7], $0xFA0, $0x38;
	[tilespmem:$0x1E2D0] =	vst v63  }
0x45: {  	s8 =	rddreg [dreg:$0x16]  }
0x46: {  	[spmem:s8] =	stream.linear.scatter [tilespmem:s14], [sflag:$0x7], $0xFA0, $0x38;
	[tilespmem:$0x1E2D0] =	vst v63  }
0x47: {  	s9 =	rddreg [dreg:$0x17]  }
0x48: {  	[spmem:s9] =	stream.linear.scatter [tilespmem:s14], [sflag:$0x7], $0xFA0, $0x38;
	[tilespmem:$0x1E2D0] =	vst v63  }
0x49: {  	s7 =	rddreg [dreg:$0x18]  }
0x4a: {  	[spmem:s7] =	stream.linear.scatter [tilespmem:s14], [sflag:$0x7], $0xFA0, $0x38;
	[tilespmem:$0x1E2D0] =	vst v63  }
0x4b: {  	s8 =	rddreg [dreg:$0x19]  }
0x4c: {  	[spmem:s8] =	stream.linear.scatter [tilespmem:s14], [sflag:$0x7], $0xFA0, $0x38;
	[tilespmem:$0x1E2D0] =	vst v63  }
0x4d: {  	s9 =	rddreg [dreg:$0x1a]  }
0x4e: {  	[spmem:s9] =	stream.linear.scatter [tilespmem:s14], [sflag:$0x7], $0xFA0, $0x38;
	[tilespmem:$0x1E2D0] =	vst v63  }
0x4f: {  	s7 =	rddreg [dreg:$0x1b]  }
0x50: {  	[spmem:s7] =	stream.linear.scatter [tilespmem:s14], [sflag:$0x7], $0xFA0, $0x38;
	[tilespmem:$0x1E2D0] =	vst v63  }
0x51: {  	s8 =	rddreg [dreg:$0x1c]  }
0x52: {  	[spmem:s8] =	stream.linear.scatter [tilespmem:s14], [sflag:$0x7], $0xFA0, $0x38;
	[tilespmem:$0x1E2D0] =	vst v63  }
0x53: {  	s9 =	rddreg [dreg:$0x1d]  }
0x54: {  	[spmem:s9] =	stream.linear.scatter [tilespmem:s14], [sflag:$0x7], $0xFA0, $0x38;
	[tilespmem:$0x1E2D0] =	vst v63  }
0x55: {  	s7 =	rddreg [dreg:$0x1e]  }
0x56: {  	[spmem:s7] =	stream.linear.scatter [tilespmem:s14], [sflag:$0x7], $0xFA0, $0x38;
	[tilespmem:$0x1E2D0] =	vst v63  }
0x57: {  	_ = 	snop  }
0x58: {  	[spmem:s10] =	stream.linear.scatter [tilespmem:s14], [sflag:$0x7], $0xFA0, $0x38;
	[tilespmem:$0x1E2D0] =	vst v63  }
0x59: {  	_ = 	snop  }
0x5a: {  	[spmem:s11] =	stream.linear.scatter [tilespmem:s14], [sflag:$0x7], $0xFA0, $0x38;
	[tilespmem:$0x1E2D0] =	vst v63  }
0x5b: {  	_ = 	snop  }
0x5c: {  	[spmem:s12] =	stream.linear.scatter [tilespmem:s14], [sflag:$0x7], $0xFA0, $0x38;
	[tilespmem:$0x1E2D0] =	vst v63  }
0x5d: {  	_ = 	snop  }
0x5e: {  	[spmem:s13] =	stream.linear.scatter [tilespmem:s14], [sflag:$0x7], $0xFA0, $0x38;
	[tilespmem:$0x1E2D0] =	vst v63  }
0x5f: {  	s8 =	rddreg [dreg:$0xa]  }
0x60: {  	[tilespmem:s2], [sflag:$0x1] =	stream.linear.gather [hbm4b:s8+s2], $0x120, $0x38;
	[tilespmem:$0x1E2D0] =	vst v63  }
0x61: {  	s9 =	rddreg [dreg:$0xb]  }
0x62: {  	[tilespmem:s15], [sflag:$0x1] =	stream.linear.gather [hbm4b:s9+s2], $0x120, $0x38;
	[tilespmem:$0x1E2D0] =	vst v63  }
0x63: {  	s7 =	rddreg [dreg:$0xc]  }
0x64: {  	[tilespmem:s18], [sflag:$0x2] =	stream.linear.gather [hbm4b:s7+s2], $0x120, $0x38;
	[tilespmem:$0x1E2D0] =	vst v63  }
0x65: {  	s8 =	rddreg [dreg:$0xd]  }
0x66: {  	[tilespmem:s19], [sflag:$0x2] =	stream.linear.gather [hbm4b:s8+s2], $0x120, $0x38;
	[tilespmem:$0x1E2D0] =	vst v63  }
0x67: {  	_ =	swait.ge [sflag:s22], $0x120  }
0x68: {  	[sflag:s22] =	ssyncset.done $0x0  }
0x69: {  	[sflag:s22] =	ssyncadd.s32 $0xFFFFFEE0  }
0x6a: {  	_ =	swait.ge [sflag:s22], $0x120  }
0x6b: {  	[sflag:s22] =	ssyncset.done $0x0  }
0x6c: {  	[sflag:s22] =	ssyncadd.s32 $0xFFFFFEE0  }
0x6d: {  	[tilespmem:s24], [sflag:$0x3] =	stream.indirect.gather [hbm4b:s23+s18], $0x20, s2, s18, $0xb8;
	[tilespmem:$0x1E2D0] =	vst v63  }
0x6e: {  	_ =	swait.ge [sflag:s25], $0xFA0  }
0x6f: {  	[sflag:s25] =	ssyncset.done $0x0  }
0x70: {  	[sflag:s25] =	ssyncadd.s32 $0xFFFFF060  }
0x71: {  	_ =	swait.ge [sflag:s25], $0xFA0  }
0x72: {  	[sflag:s25] =	ssyncset.done $0x0  }
0x73: {  	[sflag:s25] =	ssyncadd.s32 $0xFFFFF060  }
0x74: {  	_ =	swait.ge [sflag:s25], $0xFA0  }
0x75: {  	[sflag:s25] =	ssyncset.done $0x0  }
0x76: {  	[sflag:s25] =	ssyncadd.s32 $0xFFFFF060  }
0x77: {  	_ =	swait.ge [sflag:s25], $0xFA0  }
0x78: {  	[sflag:s25] =	ssyncset.done $0x0  }
0x79: {  	[sflag:s25] =	ssyncadd.s32 $0xFFFFF060  }
0x7a: {  	_ =	swait.ge [sflag:s25], $0xFA0  }
0x7b: {  	[sflag:s25] =	ssyncset.done $0x0  }
0x7c: {  	[sflag:s25] =	ssyncadd.s32 $0xFFFFF060  }
0x7d: {  	_ =	swait.ge [sflag:s25], $0xFA0  }
0x7e: {  	[sflag:s25] =	ssyncset.done $0x0  }
0x7f: {  	[sflag:s25] =	ssyncadd.s32 $0xFFFFF060  }
0x80: {  	_ =	swait.ge [sflag:s25], $0xFA0  }
0x81: {  	[sflag:s25] =	ssyncset.done $0x0  }
0x82: {  	[sflag:s25] =	ssyncadd.s32 $0xFFFFF060  }
0x83: {  	_ =	swait.ge [sflag:s25], $0xFA0  }
0x84: {  	[sflag:s25] =	ssyncset.done $0x0  }
0x85: {  	[sflag:s25] =	ssyncadd.s32 $0xFFFFF060  }
0x86: {  	_ =	swait.ge [sflag:s25], $0xFA0  }
0x87: {  	[sflag:s25] =	ssyncset.done $0x0  }
0x88: {  	[sflag:s25] =	ssyncadd.s32 $0xFFFFF060  }
0x89: {  	_ =	swait.ge [sflag:s25], $0xFA0  }
0x8a: {  	[sflag:s25] =	ssyncset.done $0x0  }
0x8b: {  	[sflag:s25] =	ssyncadd.s32 $0xFFFFF060  }
0x8c: {  	_ =	swait.ge [sflag:s25], $0xFA0  }
0x8d: {  	[sflag:s25] =	ssyncset.done $0x0  }
0x8e: {  	[sflag:s25] =	ssyncadd.s32 $0xFFFFF060  }
0x8f: {  	_ =	swait.ge [sflag:s25], $0xFA0  }
0x90: {  	[sflag:s25] =	ssyncset.done $0x0  }
0x91: {  	[sflag:s25] =	ssyncadd.s32 $0xFFFFF060  }
0x92: {  	_ =	swait.ge [sflag:s25], $0xFA0  }
0x93: {  	[sflag:s25] =	ssyncset.done $0x0  }
0x94: {  	[sflag:s25] =	ssyncadd.s32 $0xFFFFF060  }
0x95: {  	_ =	swait.ge [sflag:s25], $0xFA0  }
0x96: {  	[sflag:s25] =	ssyncset.done $0x0  }
0x97: {  	[sflag:s25] =	ssyncadd.s32 $0xFFFFF060  }
0x98: {  	_ =	swait.ge [sflag:s25], $0xFA0  }
0x99: {  	[sflag:s25] =	ssyncset.done $0x0  }
0x9a: {  	[sflag:s25] =	ssyncadd.s32 $0xFFFFF060  }
0x9b: {  	_ =	swait.ge [sflag:s25], $0xFA0  }
0x9c: {  	[sflag:s25] =	ssyncset.done $0x0  }
0x9d: {  	[sflag:s25] =	ssyncadd.s32 $0xFFFFF060  }
0x9e: {  	_ =	swait.ge [sflag:s25], $0xFA0  }
0x9f: {  	[sflag:s25] =	ssyncset.done $0x0  }
0xa0: {  	[sflag:s25] =	ssyncadd.s32 $0xFFFFF060  }
0xa1: {  	_ =	swait.ge [sflag:s25], $0xFA0  }
0xa2: {  	[sflag:s25] =	ssyncset.done $0x0  }
0xa3: {  	[sflag:s25] =	ssyncadd.s32 $0xFFFFF060  }
0xa4: {  	_ =	swait.ge [sflag:s25], $0xFA0  }
0xa5: {  	[sflag:s25] =	ssyncset.done $0x0  }
0xa6: {  	[sflag:s25] =	ssyncadd.s32 $0xFFFFF060  }
0xa7: {  	_ =	swait.ge [sflag:s25], $0xFA0  }
0xa8: {  	[sflag:s25] =	ssyncset.done $0x0  }
0xa9: {  	[sflag:s25] =	ssyncadd.s32 $0xFFFFF060  }
0xaa: {  	_ =	swait.ge [sflag:s25], $0xFA0  }
0xab: {  	[sflag:s25] =	ssyncset.done $0x0  }
0xac: {  	[sflag:s25] =	ssyncadd.s32 $0xFFFFF060  }
0xad: {  	_ =	swait.ge [sflag:s25], $0xFA0  }
0xae: {  	[sflag:s25] =	ssyncset.done $0x0  }
0xaf: {  	[sflag:s25] =	ssyncadd.s32 $0xFFFFF060  }
0xb0: {  	_ =	swait.ge [sflag:s25], $0xFA0  }
0xb1: {  	[sflag:s25] =	ssyncset.done $0x0  }
0xb2: {  	[sflag:s25] =	ssyncadd.s32 $0xFFFFF060  }
0xb3: {  	_ =	swait.ge [sflag:s25], $0xFA0  }
0xb4: {  	[sflag:s25] =	ssyncset.done $0x0  }
0xb5: {  	[sflag:s25] =	ssyncadd.s32 $0xFFFFF060  }
0xb6: {  	_ =	swait.ge [sflag:s25], $0xFA0  }
0xb7: {  	[sflag:s25] =	ssyncset.done $0x0  }
0xb8: {  	[sflag:s25] =	ssyncadd.s32 $0xFFFFF060  }
0xb9: {  	[bflag:$0x0] =	sbarrier.arrive $0xFFFF  }
0xba: {  	_ =	swait.ge [sflag:s26], $0x2400  }
0xbb: {  	[sflag:s26] =	ssyncset.done $0x0  }
0xbc: {  	[sflag:s26] =	ssyncadd.s32 $0xFFFFDC00  }
0xbd: {  	[spmem:s1] =	stream.indirect.scatter.add.f32 [tilespmem:s24], [sflag:$0x5], $0x20, s15, s18, $0xb8;
	[tilespmem:$0x1E2D0] =	vst v63  }
0xbe: {  	_ =	swait.ge [sflag:s28], $0x120  }
0xbf: {  	[sflag:s28] =	ssyncset.done $0x0  }
0xc0: {  	[sflag:s28] =	ssyncadd.s32 $0xFFFFFEE0  }
0xc1: {  	_ =	swait.ge [sflag:s28], $0x120  }
0xc2: {  	[sflag:s28] =	ssyncset.done $0x0  }
0xc3: {  	s6 =	sadd.s32 $0xFFFFE818, s21;
	[sflag:s28] =	ssyncadd.s32 $0xFFFFFEE0  }
0xc4: {  	[tilespmem:s29], [sflag:$0x4] =	stream.indirect.gather [hbm4b:s23+s18], $0x20, s18, s18, $0xb8;
	[tilespmem:$0x1E2D0] =	vst v63  }
0xc5: {  	s9 =	sadd.s32 $0x1830, s6;
	s8 =	sadd.s32 $0xFFFFE818, s20  }
0xc6: {  	[tilespmem:s2], [sflag:$0x1] =	stream.linear.gather [hbm4b:s9+s2], $0x120, $0x38;
	[tilespmem:$0x1E2D0] =	vst v63  }
0xc7: {  	s9 =	sadd.s32 $0x1830, s8  }
0xc8: {  	[tilespmem:s15], [sflag:$0x1] =	stream.linear.gather [hbm4b:s9+s2], $0x120, $0x38;
	[tilespmem:$0x1E2D0] =	vst v63  }
0xc9: {  	_ =	swait.ge [sflag:s30], $0x2400  }
0xca: {  	[sflag:s30] =	ssyncset.done $0x0  }
0xcb: {  	[sflag:s30] =	ssyncadd.s32 $0xFFFFDC00  }
0xcc: {  	_ =	swait.ge [sflag:s31], $0x2400  }
0xcd: {  	[sflag:s31] =	ssyncset.done $0x0  }
0xce: {  	[sflag:s31] =	ssyncadd.s32 $0xFFFFDC00  }
0xcf: {  	[spmem:s1] =	stream.indirect.scatter.add.f32 [tilespmem:s29], [sflag:$0x6], $0x20, s19, s18, $0xb8;
	[tilespmem:$0x1E2D0] =	vst v63  }
0xd0: {  	_ =	swait.ge [sflag:s22], $0x120  }
0xd1: {  	[sflag:s22] =	ssyncset.done $0x0  }
0xd2: {  	[sflag:s22] =	ssyncadd.s32 $0xFFFFFEE0  }
0xd3: {  	_ =	swait.ge [sflag:s22], $0x120  }
0xd4: {  	[sflag:s22] =	ssyncset.done $0x0  }
0xd5: {  	[sflag:s22] =	ssyncadd.s32 $0xFFFFFEE0  }
0xd6: {  	[tilespmem:s24], [sflag:$0x3] =	stream.indirect.gather [hbm4b:s23+s18], $0x20, s2, s18, $0xb8;
	[tilespmem:$0x1E2D0] =	vst v63  }
0xd7: {  	s6 =	sadd.s32 $0x1854, s6  }
0xd8: {  	[tilespmem:s18], [sflag:$0x2] =	stream.linear.gather [hbm4b:s6+s2], $0x120, $0x38;
	[tilespmem:$0x1E2D0] =	vst v63  }
0xd9: {  	s9 =	sadd.s32 $0x1854, s8  }
0xda: {  	[tilespmem:s19], [sflag:$0x2] =	stream.linear.gather [hbm4b:s9+s2], $0x120, $0x38;
	[tilespmem:$0x1E2D0] =	vst v63  }
0xdb: {  	_ =	swait.ge [sflag:s0], $0x2400  }
0xdc: {  	[sflag:s0] =	ssyncset.done $0x0  }
0xdd: {  	[sflag:s0] =	ssyncadd.s32 $0xFFFFDC00  }
0xde: {  	_ =	swait.ge [sflag:s26], $0x2400  }
0xdf: {  	s6 =	simm.s32 $0xFFFFE860;
	[sflag:s26] =	ssyncset.done $0x0  }
.LBB2_4:
0xe0: {  	p0 =	sne.s32 s6, $0xFFFFFFB8  }
0xe1: {  	[sflag:s26] =	ssyncadd.s32 $0xFFFFDC00;
	s7 =	smov.u32 s6;
	s6 =	sadd.s32 $0x48, s6  }
0xe2: {  	[spmem:s1] =	stream.indirect.scatter.add.f32 [tilespmem:s24], [sflag:$0x5], $0x20, s15, s18, $0xb8;
	[tilespmem:$0x1E2D0] =	vst v63  }
0xe3: {  	_ =	swait.ge [sflag:s28], $0x120  }
0xe4: {  	[sflag:s28] =	ssyncset.done $0x0  }
0xe5: {  	[sflag:s28] =	ssyncadd.s32 $0xFFFFFEE0  }
0xe6: {  	_ =	swait.ge [sflag:s28], $0x120  }
0xe7: {  	[sflag:s28] =	ssyncset.done $0x0  }
0xe8: {  	s8 =	sadd.s32 s7, s21;
	[sflag:s28] =	ssyncadd.s32 $0xFFFFFEE0  }
0xe9: {  	[tilespmem:s29], [sflag:$0x4] =	stream.indirect.gather [hbm4b:s23+s18], $0x20, s18, s18, $0xb8;
	[tilespmem:$0x1E2D0] =	vst v63  }
0xea: {  	s7 =	sadd.s32 s7, s20;
	s9 =	sadd.s32 $0x1830, s8  }
0xeb: {  	[tilespmem:s2], [sflag:$0x1] =	stream.linear.gather [hbm4b:s9+s2], $0x120, $0x38;
	[tilespmem:$0x1E2D0] =	vst v63  }
0xec: {  	s9 =	sadd.s32 $0x1830, s7  }
0xed: {  	[tilespmem:s15], [sflag:$0x1] =	stream.linear.gather [hbm4b:s9+s2], $0x120, $0x38;
	[tilespmem:$0x1E2D0] =	vst v63  }
0xee: {  	_ =	swait.ge [sflag:s30], $0x2400  }
0xef: {  	[sflag:s30] =	ssyncset.done $0x0  }
0xf0: {  	[sflag:s30] =	ssyncadd.s32 $0xFFFFDC00  }
0xf1: {  	_ =	swait.ge [sflag:s31], $0x2400  }
0xf2: {  	[sflag:s31] =	ssyncset.done $0x0  }
0xf3: {  	[sflag:s31] =	ssyncadd.s32 $0xFFFFDC00  }
0xf4: {  	[spmem:s1] =	stream.indirect.scatter.add.f32 [tilespmem:s29], [sflag:$0x6], $0x20, s19, s18, $0xb8;
	[tilespmem:$0x1E2D0] =	vst v63  }
0xf5: {  	_ =	swait.ge [sflag:s22], $0x120  }
0xf6: {  	[sflag:s22] =	ssyncset.done $0x0  }
0xf7: {  	[sflag:s22] =	ssyncadd.s32 $0xFFFFFEE0  }
0xf8: {  	_ =	swait.ge [sflag:s22], $0x120  }
0xf9: {  	[sflag:s22] =	ssyncset.done $0x0  }
0xfa: {  	[sflag:s22] =	ssyncadd.s32 $0xFFFFFEE0  }
0xfb: {  	[tilespmem:s24], [sflag:$0x3] =	stream.indirect.gather [hbm4b:s23+s18], $0x20, s2, s18, $0xb8;
	[tilespmem:$0x1E2D0] =	vst v63  }
0xfc: {  	s8 =	sadd.s32 $0x1854, s8  }
0xfd: {  	[tilespmem:s18], [sflag:$0x2] =	stream.linear.gather [hbm4b:s8+s2], $0x120, $0x38;
	[tilespmem:$0x1E2D0] =	vst v63  }
0xfe: {  	s7 =	sadd.s32 $0x1854, s7  }
0xff: {  	[tilespmem:s19], [sflag:$0x2] =	stream.linear.gather [hbm4b:s7+s2], $0x120, $0x38;
	[tilespmem:$0x1E2D0] =	vst v63  }
.Ltmp1:
0x100: {  	_ =	swait.ge [sflag:s0], $0x2400;
	(pc) =	sbr.rel @p0 .LBB2_4-.Ltmp1, $4  }
0x101: {  	[sflag:s0] =	ssyncset.done $0x0  }
0x102: {  	[sflag:s0] =	ssyncadd.s32 $0xFFFFDC00  }
0x103: {  	_ =	swait.ge [sflag:s26], $0x2400  }
0x104: {  	[sflag:s26] =	ssyncset.done $0x0  }
0x105: {  	[sflag:s26] =	ssyncadd.s32 $0xFFFFDC00  }
0x106: {  	[spmem:s1] =	stream.indirect.scatter.add.f32 [tilespmem:s24], [sflag:$0x5], $0x20, s15, s18, $0xb8;
	[tilespmem:$0x1E2D0] =	vst v63  }
0x107: {  	_ =	swait.ge [sflag:s28], $0x120  }
0x108: {  	[sflag:s28] =	ssyncset.done $0x0  }
0x109: {  	[sflag:s28] =	ssyncadd.s32 $0xFFFFFEE0  }
0x10a: {  	_ =	swait.ge [sflag:s28], $0x120  }
0x10b: {  	[sflag:s28] =	ssyncset.done $0x0  }
0x10c: {  	[sflag:s28] =	ssyncadd.s32 $0xFFFFFEE0  }
0x10d: {  	[tilespmem:s29], [sflag:$0x4] =	stream.indirect.gather [hbm4b:s23+s18], $0x20, s18, s18, $0xb8;
	[tilespmem:$0x1E2D0] =	vst v63  }
0x10e: {  	s6 =	rddreg [dreg:$0xe]  }
0x10f: {  	[tilespmem:s2], [sflag:$0x1] =	stream.linear.gather [hbm4b:s6+s2], $0x120, $0x38;
	[tilespmem:$0x1E2D0] =	vst v63  }
0x110: {  	s7 =	rddreg [dreg:$0xf]  }
0x111: {  	[tilespmem:s15], [sflag:$0x1] =	stream.linear.gather [hbm4b:s7+s2], $0x120, $0x38;
	[tilespmem:$0x1E2D0] =	vst v63  }
0x112: {  	_ =	swait.ge [sflag:s30], $0x2400  }
0x113: {  	[sflag:s30] =	ssyncset.done $0x0  }
0x114: {  	[sflag:s30] =	ssyncadd.s32 $0xFFFFDC00  }
0x115: {  	_ =	swait.ge [sflag:s31], $0x2400  }
0x116: {  	[sflag:s31] =	ssyncset.done $0x0  }
0x117: {  	[sflag:s31] =	ssyncadd.s32 $0xFFFFDC00  }
0x118: {  	[spmem:s1] =	stream.indirect.scatter.add.f32 [tilespmem:s29], [sflag:$0x6], $0x20, s19, s18, $0xb8;
	[tilespmem:$0x1E2D0] =	vst v63  }
0x119: {  	_ =	swait.ge [sflag:s22], $0x120  }
0x11a: {  	[sflag:s22] =	ssyncset.done $0x0  }
0x11b: {  	[sflag:s22] =	ssyncadd.s32 $0xFFFFFEE0  }
0x11c: {  	_ =	swait.ge [sflag:s22], $0x120  }
0x11d: {  	[sflag:s22] =	ssyncset.done $0x0  }
0x11e: {  	[sflag:s22] =	ssyncadd.s32 $0xFFFFFEE0  }
0x11f: {  	[tilespmem:s24], [sflag:$0x3] =	stream.indirect.gather [hbm4b:s23+s18], $0x20, s2, s18, $0xb8;
	[tilespmem:$0x1E2D0] =	vst v63  }
0x120: {  	_ = 	snop  }
0x121: {  	[tilespmem:s18], [sflag:$0x2] =	stream.linear.gather [hbm4b:s16+s2], $0x120, $0x38;
	[tilespmem:$0x1E2D0] =	vst v63  }
0x122: {  	_ = 	snop  }
0x123: {  	[tilespmem:s19], [sflag:$0x2] =	stream.linear.gather [hbm4b:s17+s2], $0x120, $0x38;
	[tilespmem:$0x1E2D0] =	vst v63  }
0x124: {  	_ =	swait.ge [sflag:s0], $0x2400  }
0x125: {  	[sflag:s0] =	ssyncset.done $0x0  }
0x126: {  	[sflag:s0] =	ssyncadd.s32 $0xFFFFDC00  }
0x127: {  	_ =	swait.ge [sflag:s26], $0x2400  }
0x128: {  	[sflag:s26] =	ssyncset.done $0x0  }
0x129: {  	[sflag:s26] =	ssyncadd.s32 $0xFFFFDC00  }
0x12a: {  	[spmem:s1] =	stream.indirect.scatter.add.f32 [tilespmem:s24], [sflag:$0x5], $0x20, s15, s18, $0xb8;
	[tilespmem:$0x1E2D0] =	vst v63  }
0x12b: {  	_ =	swait.ge [sflag:s28], $0x120  }
0x12c: {  	[sflag:s28] =	ssyncset.done $0x0  }
0x12d: {  	[sflag:s28] =	ssyncadd.s32 $0xFFFFFEE0  }
0x12e: {  	_ =	swait.ge [sflag:s28], $0x120  }
0x12f: {  	[sflag:s28] =	ssyncset.done $0x0  }
0x130: {  	[sflag:s28] =	ssyncadd.s32 $0xFFFFFEE0  }
0x131: {  	[tilespmem:s29], [sflag:$0x4] =	stream.indirect.gather [hbm4b:s23+s18], $0x20, s18, s18, $0xb8;
	[tilespmem:$0x1E2D0] =	vst v63  }
0x132: {  	_ = 	snop  }
0x133: {  	[tilespmem:s2], [sflag:$0x1] =	stream.linear.gather [hbm4b:s16+s2], $0x120, $0x38;
	[tilespmem:$0x1E2D0] =	vst v63  }
0x134: {  	_ = 	snop  }
0x135: {  	[tilespmem:s15], [sflag:$0x1] =	stream.linear.gather [hbm4b:s17+s2], $0x120, $0x38;
	[tilespmem:$0x1E2D0] =	vst v63  }
0x136: {  	_ =	swait.ge [sflag:s30], $0x2400  }
0x137: {  	[sflag:s30] =	ssyncset.done $0x0  }
0x138: {  	[sflag:s30] =	ssyncadd.s32 $0xFFFFDC00  }
0x139: {  	_ =	swait.ge [sflag:s31], $0x2400  }
0x13a: {  	[sflag:s31] =	ssyncset.done $0x0  }
0x13b: {  	[sflag:s31] =	ssyncadd.s32 $0xFFFFDC00  }
0x13c: {  	[spmem:s1] =	stream.indirect.scatter.add.f32 [tilespmem:s29], [sflag:$0x6], $0x20, s19, s18, $0xb8;
	[tilespmem:$0x1E2D0] =	vst v63  }
0x13d: {  	_ =	swait.ge [sflag:s22], $0x120  }
0x13e: {  	[sflag:s22] =	ssyncset.done $0x0  }
0x13f: {  	[sflag:s22] =	ssyncadd.s32 $0xFFFFFEE0  }
0x140: {  	_ =	swait.ge [sflag:s22], $0x120  }
0x141: {  	[sflag:s22] =	ssyncset.done $0x0  }
0x142: {  	[sflag:s22] =	ssyncadd.s32 $0xFFFFFEE0  }
0x143: {  	[tilespmem:s24], [sflag:$0x3] =	stream.indirect.gather [hbm4b:s23+s18], $0x20, s2, s18, $0xb8;
	[tilespmem:$0x1E2D0] =	vst v63  }
0x144: {  	_ = 	snop  }
0x145: {  	[tilespmem:s18], [sflag:$0x2] =	stream.linear.gather [hbm4b:s16+s2], $0x120, $0x38;
	[tilespmem:$0x1E2D0] =	vst v63  }
0x146: {  	_ = 	snop  }
0x147: {  	[tilespmem:s19], [sflag:$0x2] =	stream.linear.gather [hbm4b:s17+s2], $0x120, $0x38;
	[tilespmem:$0x1E2D0] =	vst v63  }
0x148: {  	_ =	swait.ge [sflag:s0], $0x2400  }
0x149: {  	[sflag:s0] =	ssyncset.done $0x0  }
0x14a: {  	[sflag:s0] =	ssyncadd.s32 $0xFFFFDC00  }
0x14b: {  	_ =	swait.ge [sflag:s26], $0x2400  }
0x14c: {  	[sflag:s26] =	ssyncset.done $0x0  }
0x14d: {  	s8 =	stileid.u32;
	[sflag:s26] =	ssyncadd.s32 $0xFFFFDC00  }
0x14e: {  	s6 =	sshll.u32 s8, $0x6;
	[bflag:$0x0] =	sbarrier.arrive $0xFFFF  }
0x14f: {  	s6 =	sor.u32 $0x1C08, s6;
	s7 =	sshrl.u32 s4, $0x3;
	s8 =	rddreg [dreg:$0x11]  }
0x150: {  	[hbm:s8], [sflag:s6] =	dma.local [spmem:s7], $0x30D4  }
0x151: {  	_ =	swait.ge [sflag:s3], $0x30D4  }
0x152: {  	s5 =	sadd.s32 $0x1, s5;
	s9 =	rddreg [dreg:$0x12]  }
0x153: {  	p0 =	sne.s32 s5, s9  }
.Ltmp2:
0x154: {  	_ = 	snop;
	(pc) =	sbr.rel @p0 .LBB2_1-.Ltmp2, $3  }
0x155: {  	_ =	sdelay $0x1  }
0x156: {  	[sflag:s3] =	ssyncset.done $0x0  }
0x157: {  	[sflag:s3] =	ssyncadd.s32 $0xFFFFCF2C  }
0x158: {  	_ =	sfence.sel $0x180000  }
0x159: {  	[bflag:$0x0] =	sbarrier.arrive $0xFFFF  }
0x15a: {  	_ =	strace $0x9000004A  }
0x15b: {  	s0 =	stileid.u32;
	[bflag:$0x2] =	sbarrier.arrive $0xFFFF  }
0x15c: {  	p0 =	sne.s32 s0, $0x0;
	s0 =	rddreg [dreg:$0x2]  }
0x15d: {  	s0 =	sadd.s32 @!p0 $0x100000, s0  }
0x15e: {  	[sflag:s0] =	ssyncadd.tile.s32 @!p0 $0x1;
	_ =	shalt  }
.Lfunc_end2:
_tile_overlayer_lowered:
.L_overlay_start_2:
0x15f: {  	(tag) =	ssettag $0x2  }
0x160: {  	s0 =	rddreg [dreg:$0x0];
	s2 =	stileid.u32  }
0x161: {  	s1 =	rddreg [dreg:$0x1];
	p0 =	sne.s32 s2, $0x0  }
0x162: {  	s3 =	rddreg [dreg:$0x2];
	[bflag:$0x3] =	sbarrier.arrive $0xFFFF;
	s2 =	simm.s32 @!p0 $0x1C08  }
0x163: {  	[timem:s3], [sflag:s2] =	dma.local @!p0 [hbm:s0], s1  }
0x164: {  	s0 =	simm.s32 @!p0 $0x8  }
0x165: {  	_ =	swait.ge @!p0 [sflag:s0], s1  }
0x166: {  	s1 =	ssub.s32 @!p0 $0x0, s1;
	[sflag:s0] =	ssyncset.done @!p0 $0x0  }
0x167: {  	[sflag:s0] =	ssyncadd.s32 @!p0 s1  }
0x168: {  	[bflag:$0x3] =	sbarrier.arrive $0xFFFF  }
0x169: {  	_ =	shalt  }

// kernel: kernel.7.cloned.1.call-start
scs
__scs_entry_jumppad:
0x0: {  	(pc) =	sbr.rel $0x88, $3  }
0x1: {  	(tag) =	ssettag $0x0;
	lr =	simm.s32 $0x1  }
0x2: {  	[smem:$0x3F99] =	sst lr;
	_ =	strace $0xD0000000  }
0x3: {  	_ = 	snop  }
0x4: {  	_ = 	snop  }
0x5: {  	_ = 	snop  }
0x6: {  	_ = 	snop  }
0x7: {  	_ = 	snop  }
__scs_overlays_trampoline_lowered:
0x8: {  	[smem:$0x3FA8] =	sst s0  }
0x9: {  	[smem:$0x3FA9] =	sst s1  }
0xa: {  	[smem:$0x3FAA] =	sst s2  }
0xb: {  	[smem:$0x3FAB] =	sst s3  }
0xc: {  	[smem:$0x3FAC] =	sst s4  }
0xd: {  	[smem:$0x3FAD] =	sst s5  }
0xe: {  	[smem:$0x3FAE] =	sst s6  }
0xf: {  	[smem:$0x3FAF] =	sst s7  }
0x10: {  	[smem:$0x3FB0] =	sst s8  }
0x11: {  	[smem:$0x3FB1] =	sst s9;
	s0 =	simm.s32 @!p0 $0x0  }
0x12: {  	s1 =	sld [smem:$0x3F97];
	s0 =	simm.s32 @p0 $0x1  }
0x13: {  	[smem:$0x3FB2] =	sst s0;
	s0 =	simm.s32 @!p1 $0x0  }
0x14: {  	s2 =	sld [smem:$0x3F96];
	s0 =	simm.s32 @p1 $0x1  }
0x15: {  	[smem:$0x3FB3] =	sst s0;
	s0 =	simm.s32 @!p2 $0x0  }
0x16: {  	s3 =	sld [smem:$0x3FDB];
	s0 =	simm.s32 @p2 $0x1  }
0x17: {  	s4 =	simm.s32 $0x1BF5;
	[smem:$0x3FB5] =	sst s0  }
0x18: {  	s0 =	sld [smem:$0x3F98];
	_ =	swait.ge [sflag:s4], $0x0  }
0x19: {  	s7 =	sld [smem:$0x3F99]  }
0x1a: {  	s8 =	sadd.s32 $0xFFFFE003, lr  }
0x1b: {  	s9 =	sadd.s32 $0xFFFFFEF7, lr;
	s5 =	simm.s32 $0xFFFFFFFF;
	p2 =	slt.u32 s8, $0xFFFFF086  }
0x1c: {  	p1 =	slt.u32 s9, $0xF7A;
	s5 =	simm.s32 @!p2 $0x0  }
0x1d: {  	s5 =	simm.s32 @p1 $0x1;
	p0 =	seq.s32 s7, s2  }
0x1e: {  	s7 =	smul.u32 @!p0 $0xF7A, s2;
	p2 =	seq.s32 @!p0 s5, $0x0  }
0x1f: {  	s9 =	smul.u32 $0xF7A, s1;
	s8 =	simm.s32 @!p0 $0x1BF5;
	p2 =	por !p2, p0  }
0x20: {  	[sflag:s8] =	ssyncset.s32 @!p0 $0xFFFFF086;
	s6 =	sadd.s32 @!p0 s3, s7;
	s7 =	simm.s32 @!p0 $0x108  }
0x21: {  	s3 =	sadd.s32 s3, s9;
	s6 =	sadd.s32 @!p0 $0x88, s6;
	s7 =	simm.s32 @p2 $0x1082  }
0x22: {  	[simem:s7], [sflag:s8] =	dma.local @!p0 [hbm:s6], $0xF7A  }
0x23: {  	s9 =	sor.u32 $0xD0000000, s2;
	s6 =	simm.s32 $0x108;
	_ =	swait.ge @!p0 [sflag:s8], $0x0  }
0x24: {  	s3 =	sadd.s32 $0x88, s3;
	s6 =	simm.s32 @!p1 $0x1082;
	[sflag:s4] =	ssyncset.s32 $0xFFFFF086  }
0x25: {  	[simem:s6], [sflag:s4] =	dma.local [hbm:s3], $0xF7A  }
0x26: {  	[smem:$0x3F99] =	sst s1;
	(tag) =	ssettag s2;
	_ =	strace s9  }
0x27: {  	s1 =	sld [smem:$0x3FA9]  }
0x28: {  	s2 =	sld [smem:$0x3FAA]  }
0x29: {  	s4 =	sld [smem:$0x3FAC]  }
0x2a: {  	p0 =	seq.s32 s5, $0x0;
	s5 =	sld [smem:$0x3FAD]  }
0x2b: {  	s6 =	sld [smem:$0x3FAE]  }
0x2c: {  	s7 =	sld [smem:$0x3FAF]  }
0x2d: {  	s3 =	simm.s32 $0x108;
	s8 =	sld [smem:$0x3FB0]  }
0x2e: {  	s3 =	simm.s32 @!p0 $0x1082;
	s9 =	sld [smem:$0x3FB1]  }
0x2f: {  	lr =	sadd.s32 s0, s3;
	s0 =	sld [smem:$0x3FA8]  }
0x30: {  	s3 =	sld [smem:$0x3FAB]  }
0x31: {  	[smem:$0x3FB4] =	sst s10  }
0x32: {  	s10 =	sld [smem:$0x3FB2];
	_ =	sdelay $0x3  }
0x33: {  	p0 =	seq.s32 s10, $0x1;
	s10 =	sld [smem:$0x3FB4];
	_ =	sdelay $0x3  }
0x34: {  	[smem:$0x3FB4] =	sst s10  }
0x35: {  	s10 =	sld [smem:$0x3FB3];
	_ =	sdelay $0x3  }
0x36: {  	p1 =	seq.s32 s10, $0x1;
	s10 =	sld [smem:$0x3FB4];
	_ =	sdelay $0x3  }
0x37: {  	[smem:$0x3FB4] =	sst s10  }
0x38: {  	s10 =	sld [smem:$0x3FB5]  }
0x39: {  	_ = 	snop;
	(pc) =	sbr.ind lr, $3  }
0x3a: {  	_ = 	snop  }
0x3b: {  	_ = 	snop  }
0x3c: {  	p2 =	seq.s32 s10, $0x1;
	s10 =	sld [smem:$0x3FB4]  }
0x3d: {  	_ =	shalt  }
0x3e: {  	_ =	shalt  }
0x3f: {  	_ =	shalt  }
0x40: {  	_ =	shalt  }
0x41: {  	_ =	shalt  }
0x42: {  	_ =	shalt  }
0x43: {  	_ =	shalt  }
0x44: {  	_ =	shalt  }
0x45: {  	_ =	shalt  }
0x46: {  	_ =	shalt  }
0x47: {  	_ =	shalt  }
0x48: {  	_ =	shalt  }
0x49: {  	_ =	shalt  }
0x4a: {  	_ =	shalt  }
0x4b: {  	_ =	shalt  }
0x4c: {  	_ =	shalt  }
0x4d: {  	_ =	shalt  }
0x4e: {  	_ =	shalt  }
0x4f: {  	_ =	shalt  }
0x50: {  	_ =	shalt  }
0x51: {  	_ =	shalt  }
0x52: {  	_ =	shalt  }
0x53: {  	_ =	shalt  }
0x54: {  	_ =	shalt  }
0x55: {  	_ =	shalt  }
0x56: {  	_ =	shalt  }
0x57: {  	_ =	shalt  }
0x58: {  	_ =	shalt  }
0x59: {  	_ =	shalt  }
0x5a: {  	_ =	shalt  }
0x5b: {  	_ =	shalt  }
0x5c: {  	_ =	shalt  }
0x5d: {  	_ =	shalt  }
0x5e: {  	_ =	shalt  }
0x5f: {  	_ =	shalt  }
0x60: {  	_ =	shalt  }
0x61: {  	_ =	shalt  }
0x62: {  	_ =	shalt  }
0x63: {  	_ =	shalt  }
0x64: {  	_ =	shalt  }
0x65: {  	_ =	shalt  }
0x66: {  	_ =	shalt  }
0x67: {  	_ =	shalt  }
0x68: {  	_ =	shalt  }
0x69: {  	_ =	shalt  }
0x6a: {  	_ =	shalt  }
0x6b: {  	_ =	shalt  }
0x6c: {  	_ =	shalt  }
0x6d: {  	_ =	shalt  }
0x6e: {  	_ =	shalt  }
0x6f: {  	_ =	shalt  }
0x70: {  	_ =	shalt  }
0x71: {  	_ =	shalt  }
0x72: {  	_ =	shalt  }
0x73: {  	_ =	shalt  }
0x74: {  	_ =	shalt  }
0x75: {  	_ =	shalt  }
0x76: {  	_ =	shalt  }
0x77: {  	_ =	shalt  }
0x78: {  	_ =	shalt  }
0x79: {  	_ =	shalt  }
0x7a: {  	_ =	shalt  }
0x7b: {  	_ =	shalt  }
0x7c: {  	_ =	shalt  }
0x7d: {  	_ =	shalt  }
0x7e: {  	_ =	shalt  }
0x7f: {  	_ =	shalt  }
0x80: {  	_ =	shalt  }
0x81: {  	_ =	shalt  }
0x82: {  	_ =	shalt  }
0x83: {  	_ =	shalt  }
0x84: {  	_ =	shalt  }
0x85: {  	_ =	shalt  }
0x86: {  	_ =	shalt  }
0x87: {  	_ =	shalt  }
.Lfunc_end0:
.L_simem_size_0:
called_computation_lowered:
.L_overlay_start_0:
0x88: {  	s2 =	sld [smem:$0x3FD9]  }
0x89: {  	s3 =	sld [smem:$0x3FFE];
	_ =	sdelay $0x1  }
0x8a: {  	s1 =	srdreg.scid  }
0x8b: {  	s0 =	sand.u32 $0x1, s1  }
0x8c: {  	s16 =	sshll.u32 s0, $0xA;
	s2 =	sadd.s32 s3, s2  }
0x8d: {  	s2 =	sadd.s32 s2, s16  }
0x8e: {  	[smem:$0x3FC0] =	sst s2  }
0x8f: {  	_ = 	snop  }
0x90: {  	(tm) =	ssettm $0x1  }
0x91: {  	s17 =	sld [smem:$0x3FFB];
	_ =	sdelay $0x3  }
0x92: {  	_ =	strace s17  }
0x93: {  	s2 =	sld [smem:$0x3FFC];
	_ =	sdelay $0x3  }
0x94: {  	_ =	strace s2  }
0x95: {  	s2 =	sld [smem:$0x3FFD];
	_ =	sdelay $0x3  }
0x96: {  	_ =	strace s2  }
0x97: {  	_ =	strace $0x8FFFFFFF  }
0x98: {  	s18 =	sld [smem:$0x3FDB];
	_ =	sdelay $0x1  }
0x99: {  	s19 =	simm.s32 $_scs_section_size  }
0x9a: {  	s4 =	simm.s32 $_size__tile_overlayer_lowered;
	s5 =	simm.s32 $_tile_overlayer_lowered  }
0x9b: {  	s22 =	simm.s32 $0x1BFF;
	s21 =	sshll.u32 s5, $0x1;
	s2 =	sadd.s32 s19, s18  }
0x9c: {  	s6 =	simm.s32 $0x0;
	s20 =	sshll.u32 s4, $0x1;
	s4 =	sadd.s32 s21, s2  }
0x9d: {  	[timem:s6], [sflag:s22] =	dma.local [hbm:s4], s20  }
0x9e: {  	_ =	swait.ge [sflag:s22], s20  }
0x9f: {  	s3 =	ssub.s32 $0x0, s20;
	[sflag:s22] =	ssyncset.done $0x0  }
0xa0: {  	[sflag:s22] =	ssyncadd.s32 s3;
	_ =	sdelay $0x1  }
0xa1: {  	s23 =	simm.s32 $0x1B8B  }
0xa2: {  	_ =	swait.ge [sflag:s23], $0x1  }
0xa3: {  	[sflag:s23] =	ssyncset.done $0x0  }
0xa4: {  	s25 =	simm.s32 $0x1B8E;
	s24 =	sld [smem:$0x3FFE];
	[sflag:s23] =	ssyncadd.s32 $0xFFFFFFFF  }
0xa5: {  	s26 =	simm.s32 $execute0_lowered;
	[smem:$0x3FD2] =	sst s25  }
0xa6: {  	s4 =	sshll.u32 s26, $0x1;
	_ =	strace $0x80000046;
	[dreg:$0x1] =	wrdreg $0xFFFFFFFF  }
0xa7: {  	s28 =	simm.s32 $_size_execute0_lowered;
	s2 =	sadd.s32 s2, s4;
	[dreg:$0x0] =	wrdreg $0x0  }
0xa8: {  	s4 =	sshll.u32 s28, $0x1;
	[dreg:$0x2] =	wrdreg s2  }
0xa9: {  	[dreg:$0x3] =	wrdreg s4  }
0xaa: {  	[dreg:$0x4] =	wrdreg $0xC0  }
0xab: {  	_ =	task [dreg:s6], $0x5FFFF  }
0xac: {  	[dreg:$0x1] =	wrdreg $0xFFFFFFFF  }
0xad: {  	[dreg:$0x0] =	wrdreg $0x60  }
0xae: {  	[dreg:$0x2] =	wrdreg s24  }
0xaf: {  	[dreg:$0x3] =	wrdreg $0x5C200  }
0xb0: {  	[dreg:$0x4] =	wrdreg $0x9  }
0xb1: {  	_ =	task.clear_ibuf [dreg:s6], $0x5FFFF;
	_ =	strace $0x90000046  }
0xb2: {  	s29 =	simm.s32 $0x9;
	_ =	strace $0x80000048  }
0xb3: {  	_ =	swait.ge [sflag:s29], $0x1  }
0xb4: {  	[sflag:s29] =	ssyncadd.s32 $0xFFFFFFFF  }
0xb5: {  	_ =	strace $0x90000048  }
0xb6: {  	_ =	sfence  }
0xb7: {  	s30 =	sld [smem:$0x0];
	_ =	sdelay $0x2  }
0xb8: {  	s31 =	sshll.u32 s1, $0xD;
	s1 =	sshrl.u32 s1, $0x2  }
0xb9: {  	s3 =	sand.u32 $0x4000, s31;
	s1 =	sadd.s32 s1, s30  }
0xba: {  	s0 =	sor.u32 s3, s0;
	s1 =	sshll.u32 s1, $0x11  }
0xbb: {  	s0 =	sor.u32 s1, s0  }
0xbc: {  	s0 =	sadd.s32 $0x8F2B, s0  }
0xbd: {  	[sflag:s0] =	ssyncadd.remote.s32 $0x1  }
0xbe: {  	_ =	sfence.sel $0xFFFF  }
0xbf: {  	[dreg:$0x0] =	wrdreg $0xFFFFFFFF;
	(pc) =	sbr.abs _section_cstart, $3  }
0xc0: {  	[dreg:$0x1] =	wrdreg $0xFFFFFFFF  }
0xc1: {  	_ =	task.clear_ibuf [dreg:s6], $0x2FFFF;
	_ =	strace $0x9FFFFFFF  }
0xc2: {  	(tm) =	ssettm $0x7FFFFFFF  }
0xc3: {  	_ =	shalt  }
tec
execute0_lowered:
.L_overlay_start_1:
0x0: {  	(tag) =	ssettag $0x1  }
0x1: {  	s10 =	stileid.u32  }
0x2: {  	s0 =	rddreg [dreg:$0x0];
	s5 =	smul.u32 $0x30D4, s10  }
0x3: {  	s3 =	srdreg.scid;
	s8 =	smul.u32 $0x61A80, s10  }
0x4: {  	s2 =	simm.s32 $0x0;
	s3 =	sand.u32 $0x1, s3;
	s14 =	smul.u32 $0xC3C0, s10  }
0x5: {  	[smem:$0x7FF] =	sst s2;
	s7 =	sadd.s32 $0x201A00, s0;
	s4 =	smul.u32 $0x30D40, s3  }
0x6: {  	s1 =	rddreg [dreg:$0x1];
	s9 =	sadd.s32 $0x1E9200, s0;
	_ =	strace $0x80000047  }
0x7: {  	s6 =	sadd.s32 s4, s0;
	s4 =	sadd.s32 s5, s4;
	s5 =	sshrl.u32 s14, $0x3  }
0x8: {  	s13 =	sshrl.u32 s8, $0x2;
	s0 =	sadd.s32 s4, s0;
	s11 =	sadd.s32 s7, s5  }
0x9: {  	s4 =	sadd.s32 s13, s1;
	s23 =	sadd.s32 s9, s5;
	[dreg:$0xa] =	wrdreg s11  }
0xa: {  	s15 =	sadd.s32 $0xFA0, s4;
	[dreg:$0xb] =	wrdreg s23  }
0xb: {  	s16 =	sadd.s32 $0x1F40, s4;
	[dreg:$0x3] =	wrdreg s15  }
0xc: {  	s17 =	sadd.s32 $0x2EE0, s4;
	[dreg:$0x4] =	wrdreg s16  }
0xd: {  	s28 =	simm.s32 $0x2;
	s18 =	sadd.s32 $0x3E80, s4;
	[dreg:$0x5] =	wrdreg s17  }
0xe: {  	s29 =	simm.s32 $0x2880;
	s19 =	sadd.s32 $0x4E20, s4;
	[dreg:$0x6] =	wrdreg s18  }
0xf: {  	s30 =	simm.s32 $0x5;
	s20 =	sadd.s32 $0x5DC0, s4;
	[dreg:$0x7] =	wrdreg s19  }
0x10: {  	s22 =	sadd.s32 $0x24, s5;
	s21 =	sadd.s32 $0x6D60, s4;
	[dreg:$0x8] =	wrdreg s20  }
0x11: {  	s25 =	sadd.s32 $0x1854, s5;
	s24 =	sadd.s32 s7, s22;
	[dreg:$0x9] =	wrdreg s21  }
0x12: {  	s5 =	sadd.s32 $0x1830, s5;
	s8 =	sadd.s32 s9, s22;
	[dreg:$0xc] =	wrdreg s24  }
0x13: {  	s31 =	simm.s32 $0x4;
	s26 =	sadd.s32 s7, s5;
	[dreg:$0xd] =	wrdreg s8  }
0x14: {  	s10 =	smul.u32 $0x1878, s10;
	s5 =	sadd.s32 s9, s5;
	[dreg:$0xe] =	wrdreg s26  }
0x15: {  	s3 =	ssub.s32 $0x2, s3;
	s0 =	sadd.s32 $0x21A200, s0;
	[dreg:$0xf] =	wrdreg s5  }
0x16: {  	s12 =	sshrl.u32 s3, $0x1;
	s11 =	sadd.s32 $0x9C40, s4;
	[dreg:$0x11] =	wrdreg s0  }
0x17: {  	s3 =	ssub.s32 s3, s12;
	s12 =	sadd.s32 $0xABE0, s4;
	[dreg:$0x14] =	wrdreg s11  }
0x18: {  	s23 =	sadd.s32 $0x187600, s6;
	s13 =	sadd.s32 $0xBB80, s4;
	[dreg:$0x15] =	wrdreg s12  }
0x19: {  	s14 =	sadd.s32 $0xCB20, s4;
	s22 =	sadd.s32 $0x109A0, s4;
	[dreg:$0x16] =	wrdreg s13  }
0x1a: {  	s16 =	sadd.s32 s7, s25;
	s17 =	sadd.s32 s9, s25;
	[dreg:$0x17] =	wrdreg s14  }
0x1b: {  	s20 =	sadd.s32 s10, s9;
	s8 =	sadd.s32 $0x7D00, s4;
	[dreg:$0x1b] =	wrdreg s22  }
0x1c: {  	s21 =	sadd.s32 s10, s7;
	s9 =	smax.u32 s3, $0x1;
	[dreg:$0x10] =	wrdreg s8  }
0x1d: {  	s10 =	sadd.s32 $0x8CA0, s4;
	s15 =	sadd.s32 $0xDAC0, s4;
	[dreg:$0x12] =	wrdreg s9  }
0x1e: {  	s18 =	sadd.s32 $0xEA60, s4;
	s19 =	sadd.s32 $0xFA00, s4;
	[dreg:$0x13] =	wrdreg s10  }
0x1f: {  	s24 =	sadd.s32 $0x11940, s4;
	s25 =	sadd.s32 $0x128E0, s4;
	[dreg:$0x18] =	wrdreg s15  }
0x20: {  	s26 =	sadd.s32 $0x13880, s4;
	s11 =	sadd.s32 $0x157C0, s4;
	[dreg:$0x19] =	wrdreg s18  }
0x21: {  	s12 =	sadd.s32 $0x16760, s4;
	s13 =	sadd.s32 $0x17700, s4;
	[dreg:$0x1a] =	wrdreg s19  }
0x22: {  	s14 =	simm.s32 $0x4C80;
	s22 =	simm.s32 $0x1;
	[dreg:$0x1c] =	wrdreg s24  }
0x23: {  	s0 =	simm.s32 $0x6;
	s3 =	simm.s32 $0x8;
	[dreg:$0x1d] =	wrdreg s25  }
0x24: {  	s5 =	simm.s32 $0x0;
	[dreg:$0x1e] =	wrdreg s26;
	s10 =	sadd.s32 $0x14820, s4  }
0x25: {  	s15 =	simm.s32 $0x240;
	s18 =	simm.s32 $0x120;
	s19 =	simm.s32 $0x360  }
0x26: {  	v0 =	vimm.f32 $0.0e+00;
	s24 =	simm.s32 $0x480;
	s25 =	simm.s32 $0x7;
	s26 =	simm.s32 $0x3  }
.LBB2_1:
0x27: {  	s6 =	simm.s32 $0x80;
	s7 =	simm.s32 $0x0  }
.LBB2_2:
0x28: {  	p0 =	sne.s32 s6, $0x3E00;
	[tilespmem:s7+$0x4C80] =	vst v0;
	s8 =	smov.u32 s6;
	s6 =	sadd.s32 $0x80, s6  }
.Ltmp0:
0x29: {  	[tilespmem:s7+$0x4C90] =	vst v0;
	(pc) =	sbr.rel @p0 .LBB2_2-.Ltmp0, $2  }
0x2a: {  	_ =	sdelay $0x2  }
0x2b: {  	s7 =	sshra.s32 s8, $0x2  }
0x2c: {  	[tilespmem:s7+$0x4C80] =	vst v0  }
0x2d: {  	[tilespmem:s7+$0x4C90] =	vst v0  }
0x2e: {  	[spmem:s4] =	stream.linear.scatter [tilespmem:s14], [sflag:$0x7], $0xFA0, $0x38;
	[tilespmem:$0x1E2D0] =	vst v63  }
0x2f: {  	s6 =	rddreg [dreg:$0x3]  }
0x30: {  	[spmem:s6] =	stream.linear.scatter [tilespmem:s14], [sflag:$0x7], $0xFA0, $0x38;
	[tilespmem:$0x1E2D0] =	vst v63  }
0x31: {  	s7 =	rddreg [dreg:$0x4]  }
0x32: {  	[spmem:s7] =	stream.linear.scatter [tilespmem:s14], [sflag:$0x7], $0xFA0, $0x38;
	[tilespmem:$0x1E2D0] =	vst v63  }
0x33: {  	s8 =	rddreg [dreg:$0x5]  }
0x34: {  	[spmem:s8] =	stream.linear.scatter [tilespmem:s14], [sflag:$0x7], $0xFA0, $0x38;
	[tilespmem:$0x1E2D0] =	vst v63  }
0x35: {  	s9 =	rddreg [dreg:$0x6]  }
0x36: {  	[spmem:s9] =	stream.linear.scatter [tilespmem:s14], [sflag:$0x7], $0xFA0, $0x38;
	[tilespmem:$0x1E2D0] =	vst v63  }
0x37: {  	s7 =	rddreg [dreg:$0x7]  }
0x38: {  	[spmem:s7] =	stream.linear.scatter [tilespmem:s14], [sflag:$0x7], $0xFA0, $0x38;
	[tilespmem:$0x1E2D0] =	vst v63  }
0x39: {  	s8 =	rddreg [dreg:$0x8]  }
0x3a: {  	[spmem:s8] =	stream.linear.scatter [tilespmem:s14], [sflag:$0x7], $0xFA0, $0x38;
	[tilespmem:$0x1E2D0] =	vst v63  }
0x3b: {  	s9 =	rddreg [dreg:$0x9]  }
0x3c: {  	[spmem:s9] =	stream.linear.scatter [tilespmem:s14], [sflag:$0x7], $0xFA0, $0x38;
	[tilespmem:$0x1E2D0] =	vst v63  }
0x3d: {  	s7 =	rddreg [dreg:$0x10]  }
0x3e: {  	[spmem:s7] =	stream.linear.scatter [tilespmem:s14], [sflag:$0x7], $0xFA0, $0x38;
	[tilespmem:$0x1E2D0] =	vst v63  }
0x3f: {  	s8 =	rddreg [dreg:$0x13]  }
0x40: {  	[spmem:s8] =	stream.linear.scatter [tilespmem:s14], [sflag:$0x7], $0xFA0, $0x38;
	[tilespmem:$0x1E2D0] =	vst v63  }
0x41: {  	s9 =	rddreg [dreg:$0x14]  }
0x42: {  	[spmem:s9] =	stream.linear.scatter [tilespmem:s14], [sflag:$0x7], $0xFA0, $0x38;
	[tilespmem:$0x1E2D0] =	vst v63  }
0x43: {  	s7 =	rddreg [dreg:$0x15]  }
0x44: {  	[spmem:s7] =	stream.linear.scatter [tilespmem:s14], [sflag:$0x7], $0xFA0, $0x38;
	[tilespmem:$0x1E2D0] =	vst v63  }
0x45: {  	s8 =	rddreg [dreg:$0x16]  }
0x46: {  	[spmem:s8] =	stream.linear.scatter [tilespmem:s14], [sflag:$0x7], $0xFA0, $0x38;
	[tilespmem:$0x1E2D0] =	vst v63  }
0x47: {  	s9 =	rddreg [dreg:$0x17]  }
0x48: {  	[spmem:s9] =	stream.linear.scatter [tilespmem:s14], [sflag:$0x7], $0xFA0, $0x38;
	[tilespmem:$0x1E2D0] =	vst v63  }
0x49: {  	s7 =	rddreg [dreg:$0x18]  }
0x4a: {  	[spmem:s7] =	stream.linear.scatter [tilespmem:s14], [sflag:$0x7], $0xFA0, $0x38;
	[tilespmem:$0x1E2D0] =	vst v63  }
0x4b: {  	s8 =	rddreg [dreg:$0x19]  }
0x4c: {  	[spmem:s8] =	stream.linear.scatter [tilespmem:s14], [sflag:$0x7], $0xFA0, $0x38;
	[tilespmem:$0x1E2D0] =	vst v63  }
0x4d: {  	s9 =	rddreg [dreg:$0x1a]  }
0x4e: {  	[spmem:s9] =	stream.linear.scatter [tilespmem:s14], [sflag:$0x7], $0xFA0, $0x38;
	[tilespmem:$0x1E2D0] =	vst v63  }
0x4f: {  	s7 =	rddreg [dreg:$0x1b]  }
0x50: {  	[spmem:s7] =	stream.linear.scatter [tilespmem:s14], [sflag:$0x7], $0xFA0, $0x38;
	[tilespmem:$0x1E2D0] =	vst v63  }
0x51: {  	s8 =	rddreg [dreg:$0x1c]  }
0x52: {  	[spmem:s8] =	stream.linear.scatter [tilespmem:s14], [sflag:$0x7], $0xFA0, $0x38;
	[tilespmem:$0x1E2D0] =	vst v63  }
0x53: {  	s9 =	rddreg [dreg:$0x1d]  }
0x54: {  	[spmem:s9] =	stream.linear.scatter [tilespmem:s14], [sflag:$0x7], $0xFA0, $0x38;
	[tilespmem:$0x1E2D0] =	vst v63  }
0x55: {  	s7 =	rddreg [dreg:$0x1e]  }
0x56: {  	[spmem:s7] =	stream.linear.scatter [tilespmem:s14], [sflag:$0x7], $0xFA0, $0x38;
	[tilespmem:$0x1E2D0] =	vst v63  }
0x57: {  	_ = 	snop  }
0x58: {  	[spmem:s10] =	stream.linear.scatter [tilespmem:s14], [sflag:$0x7], $0xFA0, $0x38;
	[tilespmem:$0x1E2D0] =	vst v63  }
0x59: {  	_ = 	snop  }
0x5a: {  	[spmem:s11] =	stream.linear.scatter [tilespmem:s14], [sflag:$0x7], $0xFA0, $0x38;
	[tilespmem:$0x1E2D0] =	vst v63  }
0x5b: {  	_ = 	snop  }
0x5c: {  	[spmem:s12] =	stream.linear.scatter [tilespmem:s14], [sflag:$0x7], $0xFA0, $0x38;
	[tilespmem:$0x1E2D0] =	vst v63  }
0x5d: {  	_ = 	snop  }
0x5e: {  	[spmem:s13] =	stream.linear.scatter [tilespmem:s14], [sflag:$0x7], $0xFA0, $0x38;
	[tilespmem:$0x1E2D0] =	vst v63  }
0x5f: {  	s8 =	rddreg [dreg:$0xa]  }
0x60: {  	[tilespmem:s2], [sflag:$0x1] =	stream.linear.gather [hbm4b:s8+s2], $0x120, $0x38;
	[tilespmem:$0x1E2D0] =	vst v63  }
0x61: {  	s9 =	rddreg [dreg:$0xb]  }
0x62: {  	[tilespmem:s15], [sflag:$0x1] =	stream.linear.gather [hbm4b:s9+s2], $0x120, $0x38;
	[tilespmem:$0x1E2D0] =	vst v63  }
0x63: {  	s7 =	rddreg [dreg:$0xc]  }
0x64: {  	[tilespmem:s18], [sflag:$0x2] =	stream.linear.gather [hbm4b:s7+s2], $0x120, $0x38;
	[tilespmem:$0x1E2D0] =	vst v63  }
0x65: {  	s8 =	rddreg [dreg:$0xd]  }
0x66: {  	[tilespmem:s19], [sflag:$0x2] =	stream.linear.gather [hbm4b:s8+s2], $0x120, $0x38;
	[tilespmem:$0x1E2D0] =	vst v63  }
0x67: {  	_ =	swait.ge [sflag:s22], $0x120  }
0x68: {  	[sflag:s22] =	ssyncset.done $0x0  }
0x69: {  	[sflag:s22] =	ssyncadd.s32 $0xFFFFFEE0  }
0x6a: {  	_ =	swait.ge [sflag:s22], $0x120  }
0x6b: {  	[sflag:s22] =	ssyncset.done $0x0  }
0x6c: {  	[sflag:s22] =	ssyncadd.s32 $0xFFFFFEE0  }
0x6d: {  	[tilespmem:s24], [sflag:$0x3] =	stream.indirect.gather [hbm4b:s23+s18], $0x20, s2, s18, $0xb8;
	[tilespmem:$0x1E2D0] =	vst v63  }
0x6e: {  	_ =	swait.ge [sflag:s25], $0xFA0  }
0x6f: {  	[sflag:s25] =	ssyncset.done $0x0  }
0x70: {  	[sflag:s25] =	ssyncadd.s32 $0xFFFFF060  }
0x71: {  	_ =	swait.ge [sflag:s25], $0xFA0  }
0x72: {  	[sflag:s25] =	ssyncset.done $0x0  }
0x73: {  	[sflag:s25] =	ssyncadd.s32 $0xFFFFF060  }
0x74: {  	_ =	swait.ge [sflag:s25], $0xFA0  }
0x75: {  	[sflag:s25] =	ssyncset.done $0x0  }
0x76: {  	[sflag:s25] =	ssyncadd.s32 $0xFFFFF060  }
0x77: {  	_ =	swait.ge [sflag:s25], $0xFA0  }
0x78: {  	[sflag:s25] =	ssyncset.done $0x0  }
0x79: {  	[sflag:s25] =	ssyncadd.s32 $0xFFFFF060  }
0x7a: {  	_ =	swait.ge [sflag:s25], $0xFA0  }
0x7b: {  	[sflag:s25] =	ssyncset.done $0x0  }
0x7c: {  	[sflag:s25] =	ssyncadd.s32 $0xFFFFF060  }
0x7d: {  	_ =	swait.ge [sflag:s25], $0xFA0  }
0x7e: {  	[sflag:s25] =	ssyncset.done $0x0  }
0x7f: {  	[sflag:s25] =	ssyncadd.s32 $0xFFFFF060  }
0x80: {  	_ =	swait.ge [sflag:s25], $0xFA0  }
0x81: {  	[sflag:s25] =	ssyncset.done $0x0  }
0x82: {  	[sflag:s25] =	ssyncadd.s32 $0xFFFFF060  }
0x83: {  	_ =	swait.ge [sflag:s25], $0xFA0  }
0x84: {  	[sflag:s25] =	ssyncset.done $0x0  }
0x85: {  	[sflag:s25] =	ssyncadd.s32 $0xFFFFF060  }
0x86: {  	_ =	swait.ge [sflag:s25], $0xFA0  }
0x87: {  	[sflag:s25] =	ssyncset.done $0x0  }
0x88: {  	[sflag:s25] =	ssyncadd.s32 $0xFFFFF060  }
0x89: {  	_ =	swait.ge [sflag:s25], $0xFA0  }
0x8a: {  	[sflag:s25] =	ssyncset.done $0x0  }
0x8b: {  	[sflag:s25] =	ssyncadd.s32 $0xFFFFF060  }
0x8c: {  	_ =	swait.ge [sflag:s25], $0xFA0  }
0x8d: {  	[sflag:s25] =	ssyncset.done $0x0  }
0x8e: {  	[sflag:s25] =	ssyncadd.s32 $0xFFFFF060  }
0x8f: {  	_ =	swait.ge [sflag:s25], $0xFA0  }
0x90: {  	[sflag:s25] =	ssyncset.done $0x0  }
0x91: {  	[sflag:s25] =	ssyncadd.s32 $0xFFFFF060  }
0x92: {  	_ =	swait.ge [sflag:s25], $0xFA0  }
0x93: {  	[sflag:s25] =	ssyncset.done $0x0  }
0x94: {  	[sflag:s25] =	ssyncadd.s32 $0xFFFFF060  }
0x95: {  	_ =	swait.ge [sflag:s25], $0xFA0  }
0x96: {  	[sflag:s25] =	ssyncset.done $0x0  }
0x97: {  	[sflag:s25] =	ssyncadd.s32 $0xFFFFF060  }
0x98: {  	_ =	swait.ge [sflag:s25], $0xFA0  }
0x99: {  	[sflag:s25] =	ssyncset.done $0x0  }
0x9a: {  	[sflag:s25] =	ssyncadd.s32 $0xFFFFF060  }
0x9b: {  	_ =	swait.ge [sflag:s25], $0xFA0  }
0x9c: {  	[sflag:s25] =	ssyncset.done $0x0  }
0x9d: {  	[sflag:s25] =	ssyncadd.s32 $0xFFFFF060  }
0x9e: {  	_ =	swait.ge [sflag:s25], $0xFA0  }
0x9f: {  	[sflag:s25] =	ssyncset.done $0x0  }
0xa0: {  	[sflag:s25] =	ssyncadd.s32 $0xFFFFF060  }
0xa1: {  	_ =	swait.ge [sflag:s25], $0xFA0  }
0xa2: {  	[sflag:s25] =	ssyncset.done $0x0  }
0xa3: {  	[sflag:s25] =	ssyncadd.s32 $0xFFFFF060  }
0xa4: {  	_ =	swait.ge [sflag:s25], $0xFA0  }
0xa5: {  	[sflag:s25] =	ssyncset.done $0x0  }
0xa6: {  	[sflag:s25] =	ssyncadd.s32 $0xFFFFF060  }
0xa7: {  	_ =	swait.ge [sflag:s25], $0xFA0  }
0xa8: {  	[sflag:s25] =	ssyncset.done $0x0  }
0xa9: {  	[sflag:s25] =	ssyncadd.s32 $0xFFFFF060  }
0xaa: {  	_ =	swait.ge [sflag:s25], $0xFA0  }
0xab: {  	[sflag:s25] =	ssyncset.done $0x0  }
0xac: {  	[sflag:s25] =	ssyncadd.s32 $0xFFFFF060  }
0xad: {  	_ =	swait.ge [sflag:s25], $0xFA0  }
0xae: {  	[sflag:s25] =	ssyncset.done $0x0  }
0xaf: {  	[sflag:s25] =	ssyncadd.s32 $0xFFFFF060  }
0xb0: {  	_ =	swait.ge [sflag:s25], $0xFA0  }
0xb1: {  	[sflag:s25] =	ssyncset.done $0x0  }
0xb2: {  	[sflag:s25] =	ssyncadd.s32 $0xFFFFF060  }
0xb3: {  	_ =	swait.ge [sflag:s25], $0xFA0  }
0xb4: {  	[sflag:s25] =	ssyncset.done $0x0  }
0xb5: {  	[sflag:s25] =	ssyncadd.s32 $0xFFFFF060  }
0xb6: {  	_ =	swait.ge [sflag:s25], $0xFA0  }
0xb7: {  	[sflag:s25] =	ssyncset.done $0x0  }
0xb8: {  	[sflag:s25] =	ssyncadd.s32 $0xFFFFF060  }
0xb9: {  	[bflag:$0x0] =	sbarrier.arrive $0xFFFF  }
0xba: {  	_ =	swait.ge [sflag:s26], $0x2400  }
0xbb: {  	[sflag:s26] =	ssyncset.done $0x0  }
0xbc: {  	[sflag:s26] =	ssyncadd.s32 $0xFFFFDC00  }
0xbd: {  	[spmem:s1] =	stream.indirect.scatter.add.f32 [tilespmem:s24], [sflag:$0x5], $0x20, s15, s18, $0xb8;
	[tilespmem:$0x1E2D0] =	vst v63  }
0xbe: {  	_ =	swait.ge [sflag:s28], $0x120  }
0xbf: {  	[sflag:s28] =	ssyncset.done $0x0  }
0xc0: {  	[sflag:s28] =	ssyncadd.s32 $0xFFFFFEE0  }
0xc1: {  	_ =	swait.ge [sflag:s28], $0x120  }
0xc2: {  	[sflag:s28] =	ssyncset.done $0x0  }
0xc3: {  	s6 =	sadd.s32 $0xFFFFE818, s21;
	[sflag:s28] =	ssyncadd.s32 $0xFFFFFEE0  }
0xc4: {  	[tilespmem:s29], [sflag:$0x4] =	stream.indirect.gather [hbm4b:s23+s18], $0x20, s18, s18, $0xb8;
	[tilespmem:$0x1E2D0] =	vst v63  }
0xc5: {  	s9 =	sadd.s32 $0x1830, s6;
	s8 =	sadd.s32 $0xFFFFE818, s20  }
0xc6: {  	[tilespmem:s2], [sflag:$0x1] =	stream.linear.gather [hbm4b:s9+s2], $0x120, $0x38;
	[tilespmem:$0x1E2D0] =	vst v63  }
0xc7: {  	s9 =	sadd.s32 $0x1830, s8  }
0xc8: {  	[tilespmem:s15], [sflag:$0x1] =	stream.linear.gather [hbm4b:s9+s2], $0x120, $0x38;
	[tilespmem:$0x1E2D0] =	vst v63  }
0xc9: {  	_ =	swait.ge [sflag:s30], $0x2400  }
0xca: {  	[sflag:s30] =	ssyncset.done $0x0  }
0xcb: {  	[sflag:s30] =	ssyncadd.s32 $0xFFFFDC00  }
0xcc: {  	_ =	swait.ge [sflag:s31], $0x2400  }
0xcd: {  	[sflag:s31] =	ssyncset.done $0x0  }
0xce: {  	[sflag:s31] =	ssyncadd.s32 $0xFFFFDC00  }
0xcf: {  	[spmem:s1] =	stream.indirect.scatter.add.f32 [tilespmem:s29], [sflag:$0x6], $0x20, s19, s18, $0xb8;
	[tilespmem:$0x1E2D0] =	vst v63  }
0xd0: {  	_ =	swait.ge [sflag:s22], $0x120  }
0xd1: {  	[sflag:s22] =	ssyncset.done $0x0  }
0xd2: {  	[sflag:s22] =	ssyncadd.s32 $0xFFFFFEE0  }
0xd3: {  	_ =	swait.ge [sflag:s22], $0x120  }
0xd4: {  	[sflag:s22] =	ssyncset.done $0x0  }
0xd5: {  	[sflag:s22] =	ssyncadd.s32 $0xFFFFFEE0  }
0xd6: {  	[tilespmem:s24], [sflag:$0x3] =	stream.indirect.gather [hbm4b:s23+s18], $0x20, s2, s18, $0xb8;
	[tilespmem:$0x1E2D0] =	vst v63  }
0xd7: {  	s6 =	sadd.s32 $0x1854, s6  }
0xd8: {  	[tilespmem:s18], [sflag:$0x2] =	stream.linear.gather [hbm4b:s6+s2], $0x120, $0x38;
	[tilespmem:$0x1E2D0] =	vst v63  }
0xd9: {  	s9 =	sadd.s32 $0x1854, s8  }
0xda: {  	[tilespmem:s19], [sflag:$0x2] =	stream.linear.gather [hbm4b:s9+s2], $0x120, $0x38;
	[tilespmem:$0x1E2D0] =	vst v63  }
0xdb: {  	_ =	swait.ge [sflag:s0], $0x2400  }
0xdc: {  	[sflag:s0] =	ssyncset.done $0x0  }
0xdd: {  	[sflag:s0] =	ssyncadd.s32 $0xFFFFDC00  }
0xde: {  	_ =	swait.ge [sflag:s26], $0x2400  }
0xdf: {  	s6 =	simm.s32 $0xFFFFE860;
	[sflag:s26] =	ssyncset.done $0x0  }
.LBB2_4:
0xe0: {  	p0 =	sne.s32 s6, $0xFFFFFFB8  }
0xe1: {  	[sflag:s26] =	ssyncadd.s32 $0xFFFFDC00;
	s7 =	smov.u32 s6;
	s6 =	sadd.s32 $0x48, s6  }
0xe2: {  	[spmem:s1] =	stream.indirect.scatter.add.f32 [tilespmem:s24], [sflag:$0x5], $0x20, s15, s18, $0xb8;
	[tilespmem:$0x1E2D0] =	vst v63  }
0xe3: {  	_ =	swait.ge [sflag:s28], $0x120  }
0xe4: {  	[sflag:s28] =	ssyncset.done $0x0  }
0xe5: {  	[sflag:s28] =	ssyncadd.s32 $0xFFFFFEE0  }
0xe6: {  	_ =	swait.ge [sflag:s28], $0x120  }
0xe7: {  	[sflag:s28] =	ssyncset.done $0x0  }
0xe8: {  	s8 =	sadd.s32 s7, s21;
	[sflag:s28] =	ssyncadd.s32 $0xFFFFFEE0  }
0xe9: {  	[tilespmem:s29], [sflag:$0x4] =	stream.indirect.gather [hbm4b:s23+s18], $0x20, s18, s18, $0xb8;
	[tilespmem:$0x1E2D0] =	vst v63  }
0xea: {  	s7 =	sadd.s32 s7, s20;
	s9 =	sadd.s32 $0x1830, s8  }
0xeb: {  	[tilespmem:s2], [sflag:$0x1] =	stream.linear.gather [hbm4b:s9+s2], $0x120, $0x38;
	[tilespmem:$0x1E2D0] =	vst v63  }
0xec: {  	s9 =	sadd.s32 $0x1830, s7  }
0xed: {  	[tilespmem:s15], [sflag:$0x1] =	stream.linear.gather [hbm4b:s9+s2], $0x120, $0x38;
	[tilespmem:$0x1E2D0] =	vst v63  }
0xee: {  	_ =	swait.ge [sflag:s30], $0x2400  }
0xef: {  	[sflag:s30] =	ssyncset.done $0x0  }
0xf0: {  	[sflag:s30] =	ssyncadd.s32 $0xFFFFDC00  }
0xf1: {  	_ =	swait.ge [sflag:s31], $0x2400  }
0xf2: {  	[sflag:s31] =	ssyncset.done $0x0  }
0xf3: {  	[sflag:s31] =	ssyncadd.s32 $0xFFFFDC00  }
0xf4: {  	[spmem:s1] =	stream.indirect.scatter.add.f32 [tilespmem:s29], [sflag:$0x6], $0x20, s19, s18, $0xb8;
	[tilespmem:$0x1E2D0] =	vst v63  }
0xf5: {  	_ =	swait.ge [sflag:s22], $0x120  }
0xf6: {  	[sflag:s22] =	ssyncset.done $0x0  }
0xf7: {  	[sflag:s22] =	ssyncadd.s32 $0xFFFFFEE0  }
0xf8: {  	_ =	swait.ge [sflag:s22], $0x120  }
0xf9: {  	[sflag:s22] =	ssyncset.done $0x0  }
0xfa: {  	[sflag:s22] =	ssyncadd.s32 $0xFFFFFEE0  }
0xfb: {  	[tilespmem:s24], [sflag:$0x3] =	stream.indirect.gather [hbm4b:s23+s18], $0x20, s2, s18, $0xb8;
	[tilespmem:$0x1E2D0] =	vst v63  }
0xfc: {  	s8 =	sadd.s32 $0x1854, s8  }
0xfd: {  	[tilespmem:s18], [sflag:$0x2] =	stream.linear.gather [hbm4b:s8+s2], $0x120, $0x38;
	[tilespmem:$0x1E2D0] =	vst v63  }
0xfe: {  	s7 =	sadd.s32 $0x1854, s7  }
0xff: {  	[tilespmem:s19], [sflag:$0x2] =	stream.linear.gather [hbm4b:s7+s2], $0x120, $0x38;
	[tilespmem:$0x1E2D0] =	vst v63  }
.Ltmp1:
0x100: {  	_ =	swait.ge [sflag:s0], $0x2400;
	(pc) =	sbr.rel @p0 .LBB2_4-.Ltmp1, $4  }
0x101: {  	[sflag:s0] =	ssyncset.done $0x0  }
0x102: {  	[sflag:s0] =	ssyncadd.s32 $0xFFFFDC00  }
0x103: {  	_ =	swait.ge [sflag:s26], $0x2400  }
0x104: {  	[sflag:s26] =	ssyncset.done $0x0  }
0x105: {  	[sflag:s26] =	ssyncadd.s32 $0xFFFFDC00  }
0x106: {  	[spmem:s1] =	stream.indirect.scatter.add.f32 [tilespmem:s24], [sflag:$0x5], $0x20, s15, s18, $0xb8;
	[tilespmem:$0x1E2D0] =	vst v63  }
0x107: {  	_ =	swait.ge [sflag:s28], $0x120  }
0x108: {  	[sflag:s28] =	ssyncset.done $0x0  }
0x109: {  	[sflag:s28] =	ssyncadd.s32 $0xFFFFFEE0  }
0x10a: {  	_ =	swait.ge [sflag:s28], $0x120  }
0x10b: {  	[sflag:s28] =	ssyncset.done $0x0  }
0x10c: {  	[sflag:s28] =	ssyncadd.s32 $0xFFFFFEE0  }
0x10d: {  	[tilespmem:s29], [sflag:$0x4] =	stream.indirect.gather [hbm4b:s23+s18], $0x20, s18, s18, $0xb8;
	[tilespmem:$0x1E2D0] =	vst v63  }
0x10e: {  	s6 =	rddreg [dreg:$0xe]  }
0x10f: {  	[tilespmem:s2], [sflag:$0x1] =	stream.linear.gather [hbm4b:s6+s2], $0x120, $0x38;
	[tilespmem:$0x1E2D0] =	vst v63  }
0x110: {  	s7 =	rddreg [dreg:$0xf]  }
0x111: {  	[tilespmem:s15], [sflag:$0x1] =	stream.linear.gather [hbm4b:s7+s2], $0x120, $0x38;
	[tilespmem:$0x1E2D0] =	vst v63  }
0x112: {  	_ =	swait.ge [sflag:s30], $0x2400  }
0x113: {  	[sflag:s30] =	ssyncset.done $0x0  }
0x114: {  	[sflag:s30] =	ssyncadd.s32 $0xFFFFDC00  }
0x115: {  	_ =	swait.ge [sflag:s31], $0x2400  }
0x116: {  	[sflag:s31] =	ssyncset.done $0x0  }
0x117: {  	[sflag:s31] =	ssyncadd.s32 $0xFFFFDC00  }
0x118: {  	[spmem:s1] =	stream.indirect.scatter.add.f32 [tilespmem:s29], [sflag:$0x6], $0x20, s19, s18, $0xb8;
	[tilespmem:$0x1E2D0] =	vst v63  }
0x119: {  	_ =	swait.ge [sflag:s22], $0x120  }
0x11a: {  	[sflag:s22] =	ssyncset.done $0x0  }
0x11b: {  	[sflag:s22] =	ssyncadd.s32 $0xFFFFFEE0  }
0x11c: {  	_ =	swait.ge [sflag:s22], $0x120  }
0x11d: {  	[sflag:s22] =	ssyncset.done $0x0  }
0x11e: {  	[sflag:s22] =	ssyncadd.s32 $0xFFFFFEE0  }
0x11f: {  	[tilespmem:s24], [sflag:$0x3] =	stream.indirect.gather [hbm4b:s23+s18], $0x20, s2, s18, $0xb8;
	[tilespmem:$0x1E2D0] =	vst v63  }
0x120: {  	_ = 	snop  }
0x121: {  	[tilespmem:s18], [sflag:$0x2] =	stream.linear.gather [hbm4b:s16+s2], $0x120, $0x38;
	[tilespmem:$0x1E2D0] =	vst v63  }
0x122: {  	_ = 	snop  }
0x123: {  	[tilespmem:s19], [sflag:$0x2] =	stream.linear.gather [hbm4b:s17+s2], $0x120, $0x38;
	[tilespmem:$0x1E2D0] =	vst v63  }
0x124: {  	_ =	swait.ge [sflag:s0], $0x2400  }
0x125: {  	[sflag:s0] =	ssyncset.done $0x0  }
0x126: {  	[sflag:s0] =	ssyncadd.s32 $0xFFFFDC00  }
0x127: {  	_ =	swait.ge [sflag:s26], $0x2400  }
0x128: {  	[sflag:s26] =	ssyncset.done $0x0  }
0x129: {  	[sflag:s26] =	ssyncadd.s32 $0xFFFFDC00  }
0x12a: {  	[spmem:s1] =	stream.indirect.scatter.add.f32 [tilespmem:s24], [sflag:$0x5], $0x20, s15, s18, $0xb8;
	[tilespmem:$0x1E2D0] =	vst v63  }
0x12b: {  	_ =	swait.ge [sflag:s28], $0x120  }
0x12c: {  	[sflag:s28] =	ssyncset.done $0x0  }
0x12d: {  	[sflag:s28] =	ssyncadd.s32 $0xFFFFFEE0  }
0x12e: {  	_ =	swait.ge [sflag:s28], $0x120  }
0x12f: {  	[sflag:s28] =	ssyncset.done $0x0  }
0x130: {  	[sflag:s28] =	ssyncadd.s32 $0xFFFFFEE0  }
0x131: {  	[tilespmem:s29], [sflag:$0x4] =	stream.indirect.gather [hbm4b:s23+s18], $0x20, s18, s18, $0xb8;
	[tilespmem:$0x1E2D0] =	vst v63  }
0x132: {  	_ = 	snop  }
0x133: {  	[tilespmem:s2], [sflag:$0x1] =	stream.linear.gather [hbm4b:s16+s2], $0x120, $0x38;
	[tilespmem:$0x1E2D0] =	vst v63  }
0x134: {  	_ = 	snop  }
0x135: {  	[tilespmem:s15], [sflag:$0x1] =	stream.linear.gather [hbm4b:s17+s2], $0x120, $0x38;
	[tilespmem:$0x1E2D0] =	vst v63  }
0x136: {  	_ =	swait.ge [sflag:s30], $0x2400  }
0x137: {  	[sflag:s30] =	ssyncset.done $0x0  }
0x138: {  	[sflag:s30] =	ssyncadd.s32 $0xFFFFDC00  }
0x139: {  	_ =	swait.ge [sflag:s31], $0x2400  }
0x13a: {  	[sflag:s31] =	ssyncset.done $0x0  }
0x13b: {  	[sflag:s31] =	ssyncadd.s32 $0xFFFFDC00  }
0x13c: {  	[spmem:s1] =	stream.indirect.scatter.add.f32 [tilespmem:s29], [sflag:$0x6], $0x20, s19, s18, $0xb8;
	[tilespmem:$0x1E2D0] =	vst v63  }
0x13d: {  	_ =	swait.ge [sflag:s22], $0x120  }
0x13e: {  	[sflag:s22] =	ssyncset.done $0x0  }
0x13f: {  	[sflag:s22] =	ssyncadd.s32 $0xFFFFFEE0  }
0x140: {  	_ =	swait.ge [sflag:s22], $0x120  }
0x141: {  	[sflag:s22] =	ssyncset.done $0x0  }
0x142: {  	[sflag:s22] =	ssyncadd.s32 $0xFFFFFEE0  }
0x143: {  	[tilespmem:s24], [sflag:$0x3] =	stream.indirect.gather [hbm4b:s23+s18], $0x20, s2, s18, $0xb8;
	[tilespmem:$0x1E2D0] =	vst v63  }
0x144: {  	_ = 	snop  }
0x145: {  	[tilespmem:s18], [sflag:$0x2] =	stream.linear.gather [hbm4b:s16+s2], $0x120, $0x38;
	[tilespmem:$0x1E2D0] =	vst v63  }
0x146: {  	_ = 	snop  }
0x147: {  	[tilespmem:s19], [sflag:$0x2] =	stream.linear.gather [hbm4b:s17+s2], $0x120, $0x38;
	[tilespmem:$0x1E2D0] =	vst v63  }
0x148: {  	_ =	swait.ge [sflag:s0], $0x2400  }
0x149: {  	[sflag:s0] =	ssyncset.done $0x0  }
0x14a: {  	[sflag:s0] =	ssyncadd.s32 $0xFFFFDC00  }
0x14b: {  	_ =	swait.ge [sflag:s26], $0x2400  }
0x14c: {  	[sflag:s26] =	ssyncset.done $0x0  }
0x14d: {  	s8 =	stileid.u32;
	[sflag:s26] =	ssyncadd.s32 $0xFFFFDC00  }
0x14e: {  	s6 =	sshll.u32 s8, $0x6;
	[bflag:$0x0] =	sbarrier.arrive $0xFFFF  }
0x14f: {  	s6 =	sor.u32 $0x1C08, s6;
	s7 =	sshrl.u32 s4, $0x3;
	s8 =	rddreg [dreg:$0x11]  }
0x150: {  	[hbm:s8], [sflag:s6] =	dma.local [spmem:s7], $0x30D4  }
0x151: {  	_ =	swait.ge [sflag:s3], $0x30D4  }
0x152: {  	s5 =	sadd.s32 $0x1, s5;
	s9 =	rddreg [dreg:$0x12]  }
0x153: {  	p0 =	sne.s32 s5, s9  }
.Ltmp2:
0x154: {  	_ = 	snop;
	(pc) =	sbr.rel @p0 .LBB2_1-.Ltmp2, $3  }
0x155: {  	_ =	sdelay $0x1  }
0x156: {  	[sflag:s3] =	ssyncset.done $0x0  }
0x157: {  	[sflag:s3] =	ssyncadd.s32 $0xFFFFCF2C  }
0x158: {  	_ =	sfence.sel $0x180000  }
0x159: {  	[bflag:$0x0] =	sbarrier.arrive $0xFFFF  }
0x15a: {  	_ =	strace $0x90000047  }
0x15b: {  	s0 =	stileid.u32;
	[bflag:$0x2] =	sbarrier.arrive $0xFFFF  }
0x15c: {  	p0 =	sne.s32 s0, $0x0;
	s0 =	rddreg [dreg:$0x2]  }
0x15d: {  	s0 =	sadd.s32 @!p0 $0x100000, s0  }
0x15e: {  	[sflag:s0] =	ssyncadd.tile.s32 @!p0 $0x1;
	_ =	shalt  }
.Lfunc_end2:
_tile_overlayer_lowered:
.L_overlay_start_2:
0x15f: {  	(tag) =	ssettag $0x2  }
0x160: {  	s0 =	rddreg [dreg:$0x0];
	s2 =	stileid.u32  }
0x161: {  	s1 =	rddreg [dreg:$0x1];
	p0 =	sne.s32 s2, $0x0  }
0x162: {  	s3 =	rddreg [dreg:$0x2];
	[bflag:$0x3] =	sbarrier.arrive $0xFFFF;
	s2 =	simm.s32 @!p0 $0x1C08  }
0x163: {  	[timem:s3], [sflag:s2] =	dma.local @!p0 [hbm:s0], s1  }
0x164: {  	s0 =	simm.s32 @!p0 $0x8  }
0x165: {  	_ =	swait.ge @!p0 [sflag:s0], s1  }
0x166: {  	s1 =	ssub.s32 @!p0 $0x0, s1;
	[sflag:s0] =	ssyncset.done @!p0 $0x0  }
0x167: {  	[sflag:s0] =	ssyncadd.s32 @!p0 s1  }
0x168: {  	[bflag:$0x3] =	sbarrier.arrive $0xFFFF  }
0x169: {  	_ =	shalt  }

</sc_bundles>
